<compile_context>
chip_gen: v7x
topology: tpu7x:2x2x1
jax: 0.10.2.dev20260603
libtpu: 0.0.44.dev20260713+nightly
codegen_flags: <defaults>
</compile_context>

<pallas_src>
import functools

import jax
import jax.numpy as jnp
from jax import lax
from jax.experimental import pallas as pl
from jax.experimental.pallas import tpu as pltpu
from jax.experimental.pallas import tpu_sc as plsc

F32 = jnp.float32

NC = 2
NS = 16
NW = NC * NS
CH = 128

_MESH = dict(core_axis_name="c", subcore_axis_name="s", num_cores=NC,
             num_subcores=NS)


def _wid():
    return lax.axis_index("s") * NC + lax.axis_index("c")



@functools.lru_cache(maxsize=None)
def _sc_radial(n, ep, chunks):
    pt = chunks * CH

    @functools.partial(
        pl.kernel,
        out_type=jax.ShapeDtypeStruct((ep,), F32),
        mesh=plsc.VectorSubcoreMesh(**_MESH),
        compiler_params=pltpu.CompilerParams(needs_layout_passes=False),
        scratch_types=[
            pltpu.VMEM((n,), F32),
            pltpu.VMEM((n,), F32),
            pltpu.VMEM((n,), F32),
            pltpu.VMEM((chunks, CH), jnp.int32),
            pltpu.VMEM((chunks, CH), jnp.int32),
            pltpu.VMEM((pt,), F32),
        ],
    )
    def k(x0_hbm, x1_hbm, x2_hbm, row2_hbm, col2_hbm, rad_hbm,
          x0v, x1v, x2v, idxr, idxc, radv):
        w = _wid()
        pltpu.sync_copy(x0_hbm, x0v)
        pltpu.sync_copy(x1_hbm, x1v)
        pltpu.sync_copy(x2_hbm, x2v)
        pltpu.sync_copy(row2_hbm.at[pl.ds(w * chunks, chunks)], idxr)
        pltpu.sync_copy(col2_hbm.at[pl.ds(w * chunks, chunks)], idxc)

        def chunk(j, _):
            for g in range(CH // 16):
                rv = idxr[j, pl.ds(g * 16, 16)]
                cv = idxc[j, pl.ds(g * 16, 16)]
                acc = jnp.zeros((16,), F32)
                for xv in (x0v, x1v, x2v):
                    diff = (plsc.load_gather(xv, [rv])
                            - plsc.load_gather(xv, [cv]))
                    acc = acc + diff * diff
                radv[pl.ds(j * CH + g * 16, 16)] = acc
            return 0

        lax.fori_loop(0, chunks, chunk, 0)
        pltpu.sync_copy(radv, rad_hbm.at[pl.ds(w * pt, pt)])

    return k


@functools.lru_cache(maxsize=None)
def _sc_gather(n, hid, ep, chunks):

    @functools.partial(
        pl.kernel,
        out_type=jax.ShapeDtypeStruct((ep, hid), F32),
        mesh=plsc.VectorSubcoreMesh(**_MESH),
        scratch_types=[
            pltpu.VMEM((chunks, CH), jnp.int32),
            pltpu.VMEM((chunks, CH), jnp.int32),
            pltpu.VMEM((CH, hid), F32),
            pltpu.VMEM((CH, hid), F32),
            pltpu.SemaphoreType.DMA,
            pltpu.SemaphoreType.DMA,
        ],
    )
    def k(ha_hbm, hb_hbm, row2_hbm, col2_hbm, g_hbm,
          idxr, idxc, bufa, bufb, sema, semb):
        w = _wid()
        pltpu.sync_copy(row2_hbm.at[pl.ds(w * chunks, chunks)], idxr)
        pltpu.sync_copy(col2_hbm.at[pl.ds(w * chunks, chunks)], idxc)

        def chunk(j, _):
            a = pltpu.async_copy(ha_hbm.at[idxr.at[j]], bufa, sema)
            b = pltpu.async_copy(hb_hbm.at[idxc.at[j]], bufb, semb)
            a.wait()
            b.wait()

            def addrow(r, _):
                for g in range(hid // 16):
                    sl = pl.ds(g * 16, 16)
                    bufa[r, sl] = bufa[r, sl] + bufb[r, sl]
                return 0

            lax.fori_loop(0, CH, addrow, 0)
            pltpu.sync_copy(bufa, g_hbm.at[pl.ds((w * chunks + j) * CH, CH)])
            return 0

        lax.fori_loop(0, chunks, chunk, 0)

    return k


@functools.lru_cache(maxsize=None)
def _sc_scatter(np_, hid, ep, chunks):
    rps = np_ // NS
    assert rps % CH == 0

    @functools.partial(
        pl.kernel,
        out_type=jax.ShapeDtypeStruct((NC, np_, hid), F32),
        mesh=plsc.VectorSubcoreMesh(**_MESH),
        scratch_types=[
            pltpu.VMEM((chunks, CH), jnp.int32),
            pltpu.VMEM((CH, hid), F32),
            pltpu.VMEM_SHARED((np_, hid), F32),
        ],
    )
    def k(m2_hbm, rows2_hbm, zero_hbm, parts_hbm, idx, buf, shared):
        c = lax.axis_index("c")
        s = lax.axis_index("s")
        w = s * NC + c
        for t in range(rps // CH):
            pltpu.sync_copy(zero_hbm,
                            shared.at[pl.ds(s * rps + t * CH, CH)])
        plsc.subcore_barrier()

        pltpu.sync_copy(rows2_hbm.at[pl.ds(w * chunks, chunks)], idx)

        def chunk(j, _):
            pltpu.sync_copy(m2_hbm.at[pl.ds((w * chunks + j) * CH, CH)], buf)
            pltpu.sync_copy(buf, shared.at[idx.at[j]], add=True)
            return 0

        lax.fori_loop(0, chunks, chunk, 0)
        plsc.subcore_barrier()

        for t in range(rps // CH):
            base = s * rps + t * CH
            pltpu.sync_copy(shared.at[pl.ds(base, CH)], buf)
            pltpu.sync_copy(buf, parts_hbm.at[c, pl.ds(base, CH)])

    return k



def _dot(a, b):
    return jnp.dot(a, b, preferred_element_type=F32)


def _elu(x):
    return jnp.where(x > 0, x, jnp.exp(x) - 1.0)


def _tc_pre(h0, w_emb, b_emb, a0, b0, nb):
    n = h0.shape[0]

    def body(h0_r, we_r, be_r, a_r, b_r, h_r, ha_r, hb_r):
        h = _dot(h0_r[...], we_r[...]) + be_r[...]
        h_r[...] = h
        ha_r[...] = _dot(h, a_r[...])
        hb_r[...] = _dot(h, b_r[...])

    full = lambda s: pl.BlockSpec(s, lambda i: (0, 0))
    return pl.pallas_call(
        body,
        grid=(n // nb,),
        in_specs=[
            pl.BlockSpec((nb, h0.shape[1]), lambda i: (i, 0)),
            full(w_emb.shape), full(b_emb.shape), full(a0.shape),
            full(b0.shape),
        ],
        out_specs=[pl.BlockSpec((nb, 128), lambda i: (i, 0))] * 3,
        out_shape=[jax.ShapeDtypeStruct((n, 128), F32)] * 3,
    )(h0, w_emb, b_emb, a0, b0)


def _tc_edge(g, radial, ea, wr, wea, be1, we2, be2, be):
    ep, hid = g.shape

    def body(g_r, rad_r, ea_r, wr_r, wea_r, be1_r, we2_r, be2_r, m2_r):
        pre = (g_r[...] + rad_r[...] * wr_r[...]
               + _dot(ea_r[...], wea_r[...]) + be1_r[...])
        m = _elu(pre)
        m2_r[...] = _elu(_dot(m, we2_r[...]) + be2_r[...])

    full = lambda s: pl.BlockSpec(s, lambda i: (0, 0))
    return pl.pallas_call(
        body,
        grid=(ep // be,),
        in_specs=[
            pl.BlockSpec((be, hid), lambda i: (i, 0)),
            pl.BlockSpec((be, 1), lambda i: (i, 0)),
            pl.BlockSpec((be, ea.shape[1]), lambda i: (i, 0)),
            full(wr.shape), full(wea.shape), full(be1.shape),
            full(we2.shape), full(be2.shape),
        ],
        out_specs=pl.BlockSpec((be, hid), lambda i: (i, 0)),
        out_shape=jax.ShapeDtypeStruct((ep, hid), F32),
    )(g, radial, ea, wr, wea, be1, we2, be2)


def _tc_node_mid(h, parts, wh, wa, bn1, wn2, bn2, a1, b1, nb):
    n, hid = h.shape

    def body(h_r, p_r, wh_r, wa_r, bn1_r, wn2_r, bn2_r, a_r, b_r,
             h_out, ha_out, hb_out):
        agg = p_r[0] + p_r[1]
        t = _elu(_dot(h_r[...], wh_r[...]) + _dot(agg, wa_r[...]) + bn1_r[...])
        hn = _dot(t, wn2_r[...]) + bn2_r[...]
        h_out[...] = hn
        ha_out[...] = _dot(hn, a_r[...])
        hb_out[...] = _dot(hn, b_r[...])

    full = lambda s: pl.BlockSpec(s, lambda i: (0, 0))
    return pl.pallas_call(
        body,
        grid=(n // nb,),
        in_specs=[
            pl.BlockSpec((nb, hid), lambda i: (i, 0)),
            pl.BlockSpec((NC, nb, hid), lambda i: (0, i, 0)),
            full(wh.shape), full(wa.shape), full(bn1.shape),
            full(wn2.shape), full(bn2.shape), full(a1.shape), full(b1.shape),
        ],
        out_specs=[pl.BlockSpec((nb, hid), lambda i: (i, 0))] * 3,
        out_shape=[jax.ShapeDtypeStruct((n, hid), F32)] * 3,
    )(h, parts, wh, wa, bn1, wn2, bn2, a1, b1)


def _tc_node_final(h, parts, label, eps, wh, wa, bn1, wn2, bn2,
                   wmu_h, wmu_l, bmu, wv_h, wv_l, bv, nb):
    n, hid = h.shape
    lat = wmu_h.shape[1]

    def body(h_r, p_r, lab_r, eps_r, wh_r, wa_r, bn1_r, wn2_r, bn2_r,
             wmh_r, wml_r, bmu_r, wvh_r, wvl_r, bv_r, z_r):
        agg = p_r[0] + p_r[1]
        t = _elu(_dot(h_r[...], wh_r[...]) + _dot(agg, wa_r[...]) + bn1_r[...])
        hn = _dot(t, wn2_r[...]) + bn2_r[...]
        mu = _dot(hn, wmh_r[...]) + _dot(lab_r[...], wml_r[...]) + bmu_r[...]
        lv = _dot(hn, wvh_r[...]) + _dot(lab_r[...], wvl_r[...]) + bv_r[...]
        z_r[...] = mu + 0.01 * eps_r[...] * jnp.exp(lv * 0.5)

    full = lambda s: pl.BlockSpec(s, lambda i: (0, 0))
    return pl.pallas_call(
        body,
        grid=(n // nb,),
        in_specs=[
            pl.BlockSpec((nb, hid), lambda i: (i, 0)),
            pl.BlockSpec((NC, nb, hid), lambda i: (0, i, 0)),
            pl.BlockSpec((nb, label.shape[1]), lambda i: (i, 0)),
            pl.BlockSpec((nb, lat), lambda i: (i, 0)),
            full(wh.shape), full(wa.shape), full(bn1.shape),
            full(wn2.shape), full(bn2.shape), full(wmu_h.shape),
            full(wmu_l.shape), full(bmu.shape), full(wv_h.shape),
            full(wv_l.shape), full(bv.shape),
        ],
        out_specs=pl.BlockSpec((nb, lat), lambda i: (i, 0)),
        out_shape=jax.ShapeDtypeStruct((n, lat), F32),
    )(h, parts, label, eps, wh, wa, bn1, wn2, bn2,
      wmu_h, wmu_l, bmu, wv_h, wv_l, bv)



def kernel(h0, label, x, edges, edge_attr, n_nodes, W_emb, b_emb,
           We1_0, be1_0, We2_0, be2_0, Wn1_0, bn1_0, Wn2_0, bn2_0,
           We1_1, be1_1, We2_1, be2_1, Wn1_1, bn1_1, Wn2_1, bn2_1,
           W_mu, b_mu, W_var, b_var):
    n, hid = h0.shape[0], W_emb.shape[1]
    e = edges.shape[1]
    lat = W_mu.shape[1]
    nb = 2000

    chunks = -(-(-(-e // (NW * CH))) // 8) * 8
    ep = NW * CH * chunks
    pad = ep - e
    np_ = -(-(n + 1) // (NS * CH)) * (NS * CH)

    row, col = edges[0], edges[1]
    row_g = jnp.concatenate([row, jnp.zeros((pad,), jnp.int32)])
    col_g = jnp.concatenate([col, jnp.zeros((pad,), jnp.int32)])
    row_s = jnp.concatenate([row, jnp.full((pad,), n, jnp.int32)])
    row2 = row_g.reshape(ep // CH, CH)
    col2 = col_g.reshape(ep // CH, CH)
    rows2 = row_s.reshape(ep // CH, CH)
    ea_p = jnp.concatenate(
        [edge_attr, jnp.zeros((pad, edge_attr.shape[1]), F32)], axis=0)
    zero_blk = jnp.zeros((CH, hid), F32)
    eps = jax.random.normal(jax.random.key(1), (n, lat), dtype=F32)

    def esplit(we1):
        return (we1[:hid], we1[hid:2 * hid], we1[2 * hid:2 * hid + 1],
                we1[2 * hid + 1:])

    a0, b0, wr0, wea0 = esplit(We1_0)
    a1, b1, wr1, wea1 = esplit(We1_1)
    wh0, wa0 = Wn1_0[:hid] + Wn1_0[2 * hid:], Wn1_0[hid:2 * hid]
    wh1, wa1 = Wn1_1[:hid] + Wn1_1[2 * hid:], Wn1_1[hid:2 * hid]
    r2 = lambda v: v.reshape(1, -1)

    h, ha, hb = _tc_pre(h0, W_emb, r2(b_emb), a0, b0, nb)
    radial = _sc_radial(n, ep, chunks)(
        x[:, 0], x[:, 1], x[:, 2], row2, col2).reshape(ep, 1)

    g = _sc_gather(n, hid, ep, chunks)(ha, hb, row2, col2)
    m2 = _tc_edge(g, radial, ea_p, wr0, wea0, r2(be1_0), We2_0, r2(be2_0),
                  2048)
    parts = _sc_scatter(np_, hid, ep, chunks)(m2, rows2, zero_blk)
    h, ha, hb = _tc_node_mid(h, parts, wh0, wa0, r2(bn1_0), Wn2_0, r2(bn2_0),
                             a1, b1, nb)

    g = _sc_gather(n, hid, ep, chunks)(ha, hb, row2, col2)
    m2 = _tc_edge(g, radial, ea_p, wr1, wea1, r2(be1_1), We2_1, r2(be2_1),
                  2048)
    parts = _sc_scatter(np_, hid, ep, chunks)(m2, rows2, zero_blk)
    z = _tc_node_final(h, parts, label, eps, wh1, wa1, r2(bn1_1), Wn2_1,
                       r2(bn2_1), W_mu[:hid], W_mu[hid:], r2(b_mu),
                       W_var[:hid], W_var[hid:], r2(b_var), nb)
    return z

# --- scband reference (transcript-rebuilt; emitter-appended) ---
"""Pipeline reference for scband-encoder-78176994721982 (READ-ONLY COPY).

The authoritative reference and input builder live on the scoring server;
editing this copy changes nothing except your own understanding.
"""

import jax, jax.numpy as jnp
import numpy as np

N = 10000
E = 320000
IN_NODE = 11
IN_EDGE = 4
HID = 128
LAT = 64


def _lin(key, din, dout):
    lim = float(np.sqrt(6.0 / (din + dout)))
    W = jax.random.uniform(key, (din, dout), minval=-lim, maxval=lim, dtype=jnp.float32)
    b = jnp.zeros((dout,), dtype=jnp.float32)
    return W, b


def setup_inputs(seed: int = 0):
    key = jax.random.key(seed)
    ks = jax.random.split(key, 32)
    inp = {}
    inp["h0"] = jax.random.normal(ks[0], (N, IN_NODE), dtype=jnp.float32)
    inp["label"] = jax.random.normal(ks[1], (N, 7), dtype=jnp.float32)
    inp["x"] = jax.random.normal(ks[2], (N, 3), dtype=jnp.float32)
    inp["edges"] = jax.random.randint(ks[3], (2, E), 0, N, dtype=jnp.int32)
    inp["edge_attr"] = jax.random.normal(ks[4], (E, IN_EDGE), dtype=jnp.float32)
    inp["n_nodes"] = N
    inp["W_emb"], inp["b_emb"] = _lin(ks[5], IN_NODE, HID)
    kidx = 6
    for i in range(2):
        inp["We1_%d" % i], inp["be1_%d" % i] = _lin(ks[kidx], 2 * HID + 1 + IN_EDGE, HID); kidx += 1
        inp["We2_%d" % i], inp["be2_%d" % i] = _lin(ks[kidx], HID, HID); kidx += 1
        inp["Wn1_%d" % i], inp["bn1_%d" % i] = _lin(ks[kidx], 3 * HID, HID); kidx += 1
        inp["Wn2_%d" % i], inp["bn2_%d" % i] = _lin(ks[kidx], HID, HID); kidx += 1
    inp["W_mu"], inp["b_mu"] = _lin(ks[kidx], HID + 7, LAT); kidx += 1
    inp["W_var"], inp["b_var"] = _lin(ks[kidx], HID + 7, LAT)
    return inp


def _egcl(h, row, col, coord, eattr, We1, be1, We2, be2, Wn1, bn1, Wn2, bn2):
    # E_GCL_mask with recurrent=False, attention=False, node_attr=h
    diff = coord[row] - coord[col]
    radial = jnp.sum(diff * diff, axis=1, keepdims=True)
    e_in = jnp.concatenate([h[row], h[col], radial, eattr], axis=1)
    m = jax.nn.elu(e_in @ We1 + be1)
    m = jax.nn.elu(m @ We2 + be2)
    agg = jax.ops.segment_sum(m, row, num_segments=h.shape[0])
    n_in = jnp.concatenate([h, agg, h], axis=1)
    out = jax.nn.elu(n_in @ Wn1 + bn1)
    out = out @ Wn2 + bn2
    return out


def reference(h0, label, x, edges, edge_attr, n_nodes, W_emb, b_emb,
              We1_0, be1_0, We2_0, be2_0, Wn1_0, bn1_0, Wn2_0, bn2_0,
              We1_1, be1_1, We2_1, be2_1, Wn1_1, bn1_1, Wn2_1, bn2_1,
              W_mu, b_mu, W_var, b_var):
    row, col = edges[0], edges[1]
    h = h0 @ W_emb + b_emb
    h = _egcl(h, row, col, x, edge_attr, We1_0, be1_0, We2_0, be2_0, Wn1_0, bn1_0, Wn2_0, bn2_0)
    h = _egcl(h, row, col, x, edge_attr, We1_1, be1_1, We2_1, be2_1, Wn1_1, bn1_1, Wn2_1, bn2_1)
    hl = jnp.concatenate([h, label], axis=1)
    mu = hl @ W_mu + b_mu
    log_var = hl @ W_var + b_var
    std = jnp.exp(log_var / 2.0)
    eps = jax.random.normal(jax.random.key(1), mu.shape, dtype=jnp.float32)
    z = mu + 0.01 * eps * std
    return z

if __name__ == "__main__":
    import jax
    _d = setup_inputs()
    print(jax.jit(kernel)(*tuple(_d.values())))

</pallas_src>

<mosaic_0001>
#map = affine_map<(d0, d1) -> (0, 0)>
#map1 = affine_map<(d0, d1) -> (0, 0, 0)>
module attributes {stable_mosaic.version = 14 : i64} {
  func.func @k(%arg0: i32, %arg1: i32, %arg2: memref<327680x128xf32, #tpu.memory_space<hbm>>, %arg3: memref<2560x128xi32, #tpu.memory_space<hbm>>, %arg4: memref<128x128xf32, #tpu.memory_space<hbm>>, %arg5: memref<2x10240x128xf32, #tpu.memory_space<hbm>>, %arg6: memref<80x128xi32, #tpu.memory_space<vmem>>, %arg7: memref<128x128xf32, #tpu.memory_space<vmem>>, %arg8: memref<10240x128xf32, #tpu.memory_space<vmem_shared>>) attributes {dimension_semantics = [#tpu.dimension_semantics<core_parallel>, #tpu.dimension_semantics<subcore_parallel>], iteration_bounds = array<i64: 2, 16>, scalar_prefetch = 0 : i64, scratch_operands = 3 : i64, tpu.core_type = #tpu.core_type<sc_vector_subcore>, window_params = [{transform_indices = #map}, {transform_indices = #map}, {transform_indices = #map}, {transform_indices = #map1}]} {
    %mul3A = arith.constant 2 : i32
    %mul3A_0 = arith.muli %arg1, %mul3A : i32
    %add3A = arith.addi %mul3A_0, %arg0 : i32
    %mul3A_1 = arith.constant 640 : i32
    %mul3A_2 = arith.muli %arg1, %mul3A_1 : i32
    %add3A_3 = arith.constant 0 : i32
    %add3A_4 = arith.addi %mul3A_2, %add3A_3 : i32
    "tpu.region"() ({
      %run_scoped3A = tpu.sem_alloc : memref<!tpu.dma_semaphore, #tpu.memory_space<semaphore_mem>>
      %dma_start3A = arith.constant 0 : i32
      %dma_start3A_50 = tpu.memref_slice %arg8[%add3A_4, %dma_start3A] : memref<10240x128xf32, #tpu.memory_space<vmem_shared>> -> memref<128x128xf32, #tpu.memory_space<vmem_shared>>
      tpu.enqueue_dma source(%arg4 : memref<128x128xf32, #tpu.memory_space<hbm>>) target(%dma_start3A_50 : memref<128x128xf32, #tpu.memory_space<vmem_shared>>) target_semaphore(%run_scoped3A : memref<!tpu.dma_semaphore, #tpu.memory_space<semaphore_mem>>)
      %dma_wait3A = arith.constant 0 : i32
      %dma_wait3A_51 = tpu.memref_slice %arg8[%add3A_4, %dma_wait3A] : memref<10240x128xf32, #tpu.memory_space<vmem_shared>> -> memref<128x128xf32, #tpu.memory_space<vmem_shared>>
      tpu.wait_dma2 semaphore(%run_scoped3A : memref<!tpu.dma_semaphore, #tpu.memory_space<semaphore_mem>>) src(%arg4 : memref<128x128xf32, #tpu.memory_space<hbm>>) dst(%dma_wait3A_51 : memref<128x128xf32, #tpu.memory_space<vmem_shared>>)
      tpu.yield
    }) : () -> ()
    %mul3A_5 = arith.constant 640 : i32
    %mul3A_6 = arith.muli %arg1, %mul3A_5 : i32
    %add3A_7 = arith.constant 128 : i32
    %add3A_8 = arith.addi %mul3A_6, %add3A_7 : i32
    "tpu.region"() ({
      %run_scoped3A = tpu.sem_alloc : memref<!tpu.dma_semaphore, #tpu.memory_space<semaphore_mem>>
      %dma_start3A = arith.constant 0 : i32
      %dma_start3A_50 = tpu.memref_slice %arg8[%add3A_8, %dma_start3A] : memref<10240x128xf32, #tpu.memory_space<vmem_shared>> -> memref<128x128xf32, #tpu.memory_space<vmem_shared>>
      tpu.enqueue_dma source(%arg4 : memref<128x128xf32, #tpu.memory_space<hbm>>) target(%dma_start3A_50 : memref<128x128xf32, #tpu.memory_space<vmem_shared>>) target_semaphore(%run_scoped3A : memref<!tpu.dma_semaphore, #tpu.memory_space<semaphore_mem>>)
      %dma_wait3A = arith.constant 0 : i32
      %dma_wait3A_51 = tpu.memref_slice %arg8[%add3A_8, %dma_wait3A] : memref<10240x128xf32, #tpu.memory_space<vmem_shared>> -> memref<128x128xf32, #tpu.memory_space<vmem_shared>>
      tpu.wait_dma2 semaphore(%run_scoped3A : memref<!tpu.dma_semaphore, #tpu.memory_space<semaphore_mem>>) src(%arg4 : memref<128x128xf32, #tpu.memory_space<hbm>>) dst(%dma_wait3A_51 : memref<128x128xf32, #tpu.memory_space<vmem_shared>>)
      tpu.yield
    }) : () -> ()
    %mul3A_9 = arith.constant 640 : i32
    %mul3A_10 = arith.muli %arg1, %mul3A_9 : i32
    %add3A_11 = arith.constant 256 : i32
    %add3A_12 = arith.addi %mul3A_10, %add3A_11 : i32
    "tpu.region"() ({
      %run_scoped3A = tpu.sem_alloc : memref<!tpu.dma_semaphore, #tpu.memory_space<semaphore_mem>>
      %dma_start3A = arith.constant 0 : i32
      %dma_start3A_50 = tpu.memref_slice %arg8[%add3A_12, %dma_start3A] : memref<10240x128xf32, #tpu.memory_space<vmem_shared>> -> memref<128x128xf32, #tpu.memory_space<vmem_shared>>
      tpu.enqueue_dma source(%arg4 : memref<128x128xf32, #tpu.memory_space<hbm>>) target(%dma_start3A_50 : memref<128x128xf32, #tpu.memory_space<vmem_shared>>) target_semaphore(%run_scoped3A : memref<!tpu.dma_semaphore, #tpu.memory_space<semaphore_mem>>)
      %dma_wait3A = arith.constant 0 : i32
      %dma_wait3A_51 = tpu.memref_slice %arg8[%add3A_12, %dma_wait3A] : memref<10240x128xf32, #tpu.memory_space<vmem_shared>> -> memref<128x128xf32, #tpu.memory_space<vmem_shared>>
      tpu.wait_dma2 semaphore(%run_scoped3A : memref<!tpu.dma_semaphore, #tpu.memory_space<semaphore_mem>>) src(%arg4 : memref<128x128xf32, #tpu.memory_space<hbm>>) dst(%dma_wait3A_51 : memref<128x128xf32, #tpu.memory_space<vmem_shared>>)
      tpu.yield
    }) : () -> ()
    %mul3A_13 = arith.constant 640 : i32
    %mul3A_14 = arith.muli %arg1, %mul3A_13 : i32
    %add3A_15 = arith.constant 384 : i32
    %add3A_16 = arith.addi %mul3A_14, %add3A_15 : i32
    "tpu.region"() ({
      %run_scoped3A = tpu.sem_alloc : memref<!tpu.dma_semaphore, #tpu.memory_space<semaphore_mem>>
      %dma_start3A = arith.constant 0 : i32
      %dma_start3A_50 = tpu.memref_slice %arg8[%add3A_16, %dma_start3A] : memref<10240x128xf32, #tpu.memory_space<vmem_shared>> -> memref<128x128xf32, #tpu.memory_space<vmem_shared>>
      tpu.enqueue_dma source(%arg4 : memref<128x128xf32, #tpu.memory_space<hbm>>) target(%dma_start3A_50 : memref<128x128xf32, #tpu.memory_space<vmem_shared>>) target_semaphore(%run_scoped3A : memref<!tpu.dma_semaphore, #tpu.memory_space<semaphore_mem>>)
      %dma_wait3A = arith.constant 0 : i32
      %dma_wait3A_51 = tpu.memref_slice %arg8[%add3A_16, %dma_wait3A] : memref<10240x128xf32, #tpu.memory_space<vmem_shared>> -> memref<128x128xf32, #tpu.memory_space<vmem_shared>>
      tpu.wait_dma2 semaphore(%run_scoped3A : memref<!tpu.dma_semaphore, #tpu.memory_space<semaphore_mem>>) src(%arg4 : memref<128x128xf32, #tpu.memory_space<hbm>>) dst(%dma_wait3A_51 : memref<128x128xf32, #tpu.memory_space<vmem_shared>>)
      tpu.yield
    }) : () -> ()
    %mul3A_17 = arith.constant 640 : i32
    %mul3A_18 = arith.muli %arg1, %mul3A_17 : i32
    %add3A_19 = arith.constant 512 : i32
    %add3A_20 = arith.addi %mul3A_18, %add3A_19 : i32
    "tpu.region"() ({
      %run_scoped3A = tpu.sem_alloc : memref<!tpu.dma_semaphore, #tpu.memory_space<semaphore_mem>>
      %dma_start3A = arith.constant 0 : i32
      %dma_start3A_50 = tpu.memref_slice %arg8[%add3A_20, %dma_start3A] : memref<10240x128xf32, #tpu.memory_space<vmem_shared>> -> memref<128x128xf32, #tpu.memory_space<vmem_shared>>
      tpu.enqueue_dma source(%arg4 : memref<128x128xf32, #tpu.memory_space<hbm>>) target(%dma_start3A_50 : memref<128x128xf32, #tpu.memory_space<vmem_shared>>) target_semaphore(%run_scoped3A : memref<!tpu.dma_semaphore, #tpu.memory_space<semaphore_mem>>)
      %dma_wait3A = arith.constant 0 : i32
      %dma_wait3A_51 = tpu.memref_slice %arg8[%add3A_20, %dma_wait3A] : memref<10240x128xf32, #tpu.memory_space<vmem_shared>> -> memref<128x128xf32, #tpu.memory_space<vmem_shared>>
      tpu.wait_dma2 semaphore(%run_scoped3A : memref<!tpu.dma_semaphore, #tpu.memory_space<semaphore_mem>>) src(%arg4 : memref<128x128xf32, #tpu.memory_space<hbm>>) dst(%dma_wait3A_51 : memref<128x128xf32, #tpu.memory_space<vmem_shared>>)
      tpu.yield
    }) : () -> ()
    %barrier3A = arith.constant 0 : index
    tpu.barrier barrier_id(%barrier3A)
    %mul3A_21 = arith.constant 80 : i32
    %mul3A_22 = arith.muli %add3A, %mul3A_21 : i32
    "tpu.region"() ({
      %run_scoped3A = tpu.sem_alloc : memref<!tpu.dma_semaphore, #tpu.memory_space<semaphore_mem>>
      %dma_start3A = arith.constant 0 : i32
      %dma_start3A_50 = tpu.memref_slice %arg3[%mul3A_22, %dma_start3A] : memref<2560x128xi32, #tpu.memory_space<hbm>> -> memref<80x128xi32, #tpu.memory_space<hbm>>
      %dma_start3A_51 = arith.constant 0 : i32
      %dma_start3A_52 = tpu.memref_slice %arg3[%mul3A_22, %dma_start3A_51] : memref<2560x128xi32, #tpu.memory_space<hbm>> -> memref<80x128xi32, #tpu.memory_space<hbm>>
      tpu.enqueue_dma source(%dma_start3A_52 : memref<80x128xi32, #tpu.memory_space<hbm>>) target(%arg6 : memref<80x128xi32, #tpu.memory_space<vmem>>) target_semaphore(%run_scoped3A : memref<!tpu.dma_semaphore, #tpu.memory_space<semaphore_mem>>)
      %dma_wait3A = arith.constant 0 : i32
      %dma_wait3A_53 = tpu.memref_slice %arg3[%mul3A_22, %dma_wait3A] : memref<2560x128xi32, #tpu.memory_space<hbm>> -> memref<80x128xi32, #tpu.memory_space<hbm>>
      %dma_wait3A_54 = arith.constant 0 : i32
      %dma_wait3A_55 = tpu.memref_slice %arg3[%mul3A_22, %dma_wait3A_54] : memref<2560x128xi32, #tpu.memory_space<hbm>> -> memref<80x128xi32, #tpu.memory_space<hbm>>
      tpu.wait_dma2 semaphore(%run_scoped3A : memref<!tpu.dma_semaphore, #tpu.memory_space<semaphore_mem>>) src(%dma_wait3A_55 : memref<80x128xi32, #tpu.memory_space<hbm>>) dst(%arg6 : memref<80x128xi32, #tpu.memory_space<vmem>>)
      tpu.yield
    }) : () -> ()
    %scan3A = arith.constant 0 : i32
    %scan3A_23 = arith.constant 0 : i32
    %scan3A_24 = arith.constant 80 : i32
    %scan3A_25 = arith.addi %scan3A_23, %scan3A_24 : i32
    %scan3A_26 = arith.constant 1 : i32
    %scan3A_27 = scf.for %scan3A_50 = %scan3A_23 to %scan3A_25 step %scan3A_26 iter_args(%scan3A_51 = %scan3A) -> (i32)  : i32 {
      %mul3A_52 = arith.constant 80 : i32
      %mul3A_53 = arith.muli %add3A, %mul3A_52 : i32
      %add3A_54 = arith.addi %mul3A_53, %scan3A_50 : i32
      %mul3A_55 = arith.constant 128 : i32
      %mul3A_56 = arith.muli %add3A_54, %mul3A_55 : i32
      "tpu.region"() ({
        %run_scoped3A = tpu.sem_alloc : memref<!tpu.dma_semaphore, #tpu.memory_space<semaphore_mem>>
        %dma_start3A = arith.constant 0 : i32
        %dma_start3A_58 = tpu.memref_slice %arg2[%mul3A_56, %dma_start3A] : memref<327680x128xf32, #tpu.memory_space<hbm>> -> memref<128x128xf32, #tpu.memory_space<hbm>>
        %dma_start3A_59 = arith.constant 0 : i32
        %dma_start3A_60 = tpu.memref_slice %arg2[%mul3A_56, %dma_start3A_59] : memref<327680x128xf32, #tpu.memory_space<hbm>> -> memref<128x128xf32, #tpu.memory_space<hbm>>
        tpu.enqueue_dma source(%dma_start3A_60 : memref<128x128xf32, #tpu.memory_space<hbm>>) target(%arg7 : memref<128x128xf32, #tpu.memory_space<vmem>>) target_semaphore(%run_scoped3A : memref<!tpu.dma_semaphore, #tpu.memory_space<semaphore_mem>>)
        %dma_wait3A = arith.constant 0 : i32
        %dma_wait3A_61 = tpu.memref_slice %arg2[%mul3A_56, %dma_wait3A] : memref<327680x128xf32, #tpu.memory_space<hbm>> -> memref<128x128xf32, #tpu.memory_space<hbm>>
        %dma_wait3A_62 = arith.constant 0 : i32
        %dma_wait3A_63 = tpu.memref_slice %arg2[%mul3A_56, %dma_wait3A_62] : memref<327680x128xf32, #tpu.memory_space<hbm>> -> memref<128x128xf32, #tpu.memory_space<hbm>>
        tpu.wait_dma2 semaphore(%run_scoped3A : memref<!tpu.dma_semaphore, #tpu.memory_space<semaphore_mem>>) src(%dma_wait3A_63 : memref<128x128xf32, #tpu.memory_space<hbm>>) dst(%arg7 : memref<128x128xf32, #tpu.memory_space<vmem>>)
        tpu.yield
      }) : () -> ()
      "tpu.region"() ({
        %run_scoped3A = tpu.sem_alloc : memref<!tpu.dma_semaphore, #tpu.memory_space<semaphore_mem>>
        %dma_start3A = arith.constant 0 : i32
        %dma_start3A_58 = tpu.memref_slice %arg6[%scan3A_50, %dma_start3A] : memref<80x128xi32, #tpu.memory_space<vmem>> -> memref<1x128xi32, #tpu.memory_space<vmem>>
        %dma_start3A_59 = tpu.memref_squeeze %dma_start3A_58 : memref<1x128xi32, #tpu.memory_space<vmem>> -> memref<128xi32, #tpu.memory_space<vmem>>
        %dma_start3A_60 = arith.constant 0 : i32
        %dma_start3A_61 = arith.constant 0 : i32
        %dma_start3A_62 = tpu.memref_slice %arg8[%dma_start3A_60, %dma_start3A_61] : memref<10240x128xf32, #tpu.memory_space<vmem_shared>> -> memref<10240x128xf32, #tpu.memory_space<vmem_shared>>
        tpu.enqueue_indirect_dma source(%arg7 : memref<128x128xf32, #tpu.memory_space<vmem>>) target(%dma_start3A_62 : memref<10240x128xf32, #tpu.memory_space<vmem_shared>>) offsets(%dma_start3A_59 : memref<128xi32, #tpu.memory_space<vmem>>) semaphore(%run_scoped3A : memref<!tpu.dma_semaphore, #tpu.memory_space<semaphore_mem>>) {add = true}
        %dma_wait3A = arith.constant 0 : i32
        %dma_wait3A_63 = tpu.memref_slice %arg6[%scan3A_50, %dma_wait3A] : memref<80x128xi32, #tpu.memory_space<vmem>> -> memref<1x128xi32, #tpu.memory_space<vmem>>
        %dma_wait3A_64 = tpu.memref_squeeze %dma_wait3A_63 : memref<1x128xi32, #tpu.memory_space<vmem>> -> memref<128xi32, #tpu.memory_space<vmem>>
        %dma_wait3A_65 = arith.constant 0 : i32
        %dma_wait3A_66 = arith.constant 0 : i32
        %dma_wait3A_67 = tpu.memref_slice %arg8[%dma_wait3A_65, %dma_wait3A_66] : memref<10240x128xf32, #tpu.memory_space<vmem_shared>> -> memref<10240x128xf32, #tpu.memory_space<vmem_shared>>
        tpu.wait_indirect_dma semaphore(%run_scoped3A : memref<!tpu.dma_semaphore, #tpu.memory_space<semaphore_mem>>) src(%arg7 : memref<128x128xf32, #tpu.memory_space<vmem>>) dst(%dma_wait3A_67 : memref<10240x128xf32, #tpu.memory_space<vmem_shared>>)
        tpu.yield
      }) : () -> ()
      %scan3A_57 = arith.constant 0 : i32
      scf.yield %scan3A_57 : i32
    }
    %scan3A_28 = arith.constant 80 : i32
    %barrier3A_29 = arith.constant 0 : index
    tpu.barrier barrier_id(%barrier3A_29)
    %mul3A_30 = arith.constant 640 : i32
    %mul3A_31 = arith.muli %arg1, %mul3A_30 : i32
    %add3A_32 = arith.constant 0 : i32
    %add3A_33 = arith.addi %mul3A_31, %add3A_32 : i32
    "tpu.region"() ({
      %run_scoped3A = tpu.sem_alloc : memref<!tpu.dma_semaphore, #tpu.memory_space<semaphore_mem>>
      %dma_start3A = arith.constant 0 : i32
      %dma_start3A_50 = tpu.memref_slice %arg8[%add3A_33, %dma_start3A] : memref<10240x128xf32, #tpu.memory_space<vmem_shared>> -> memref<128x128xf32, #tpu.memory_space<vmem_shared>>
      %dma_start3A_51 = arith.constant 0 : i32
      %dma_start3A_52 = tpu.memref_slice %arg8[%add3A_33, %dma_start3A_51] : memref<10240x128xf32, #tpu.memory_space<vmem_shared>> -> memref<128x128xf32, #tpu.memory_space<vmem_shared>>
      tpu.enqueue_dma source(%dma_start3A_52 : memref<128x128xf32, #tpu.memory_space<vmem_shared>>) target(%arg7 : memref<128x128xf32, #tpu.memory_space<vmem>>) target_semaphore(%run_scoped3A : memref<!tpu.dma_semaphore, #tpu.memory_space<semaphore_mem>>)
      %dma_wait3A = arith.constant 0 : i32
      %dma_wait3A_53 = tpu.memref_slice %arg8[%add3A_33, %dma_wait3A] : memref<10240x128xf32, #tpu.memory_space<vmem_shared>> -> memref<128x128xf32, #tpu.memory_space<vmem_shared>>
      %dma_wait3A_54 = arith.constant 0 : i32
      %dma_wait3A_55 = tpu.memref_slice %arg8[%add3A_33, %dma_wait3A_54] : memref<10240x128xf32, #tpu.memory_space<vmem_shared>> -> memref<128x128xf32, #tpu.memory_space<vmem_shared>>
      tpu.wait_dma2 semaphore(%run_scoped3A : memref<!tpu.dma_semaphore, #tpu.memory_space<semaphore_mem>>) src(%dma_wait3A_55 : memref<128x128xf32, #tpu.memory_space<vmem_shared>>) dst(%arg7 : memref<128x128xf32, #tpu.memory_space<vmem>>)
      tpu.yield
    }) : () -> ()
    "tpu.region"() ({
      %run_scoped3A = tpu.sem_alloc : memref<!tpu.dma_semaphore, #tpu.memory_space<semaphore_mem>>
      %dma_start3A = arith.constant 0 : i32
      %dma_start3A_50 = tpu.memref_slice %arg5[%arg0, %add3A_33, %dma_start3A] : memref<2x10240x128xf32, #tpu.memory_space<hbm>> -> memref<1x128x128xf32, #tpu.memory_space<hbm>>
      %dma_start3A_51 = tpu.memref_squeeze %dma_start3A_50 : memref<1x128x128xf32, #tpu.memory_space<hbm>> -> memref<128x128xf32, #tpu.memory_space<hbm>>
      %dma_start3A_52 = arith.constant 0 : i32
      %dma_start3A_53 = tpu.memref_slice %arg5[%arg0, %add3A_33, %dma_start3A_52] : memref<2x10240x128xf32, #tpu.memory_space<hbm>> -> memref<1x128x128xf32, #tpu.memory_space<hbm>>
      %dma_start3A_54 = tpu.memref_squeeze %dma_start3A_53 : memref<1x128x128xf32, #tpu.memory_space<hbm>> -> memref<128x128xf32, #tpu.memory_space<hbm>>
      tpu.enqueue_dma source(%arg7 : memref<128x128xf32, #tpu.memory_space<vmem>>) target(%dma_start3A_54 : memref<128x128xf32, #tpu.memory_space<hbm>>) target_semaphore(%run_scoped3A : memref<!tpu.dma_semaphore, #tpu.memory_space<semaphore_mem>>)
      %dma_wait3A = arith.constant 0 : i32
      %dma_wait3A_55 = tpu.memref_slice %arg5[%arg0, %add3A_33, %dma_wait3A] : memref<2x10240x128xf32, #tpu.memory_space<hbm>> -> memref<1x128x128xf32, #tpu.memory_space<hbm>>
      %dma_wait3A_56 = tpu.memref_squeeze %dma_wait3A_55 : memref<1x128x128xf32, #tpu.memory_space<hbm>> -> memref<128x128xf32, #tpu.memory_space<hbm>>
      %dma_wait3A_57 = arith.constant 0 : i32
      %dma_wait3A_58 = tpu.memref_slice %arg5[%arg0, %add3A_33, %dma_wait3A_57] : memref<2x10240x128xf32, #tpu.memory_space<hbm>> -> memref<1x128x128xf32, #tpu.memory_space<hbm>>
      %dma_wait3A_59 = tpu.memref_squeeze %dma_wait3A_58 : memref<1x128x128xf32, #tpu.memory_space<hbm>> -> memref<128x128xf32, #tpu.memory_space<hbm>>
      tpu.wait_dma2 semaphore(%run_scoped3A : memref<!tpu.dma_semaphore, #tpu.memory_space<semaphore_mem>>) src(%arg7 : memref<128x128xf32, #tpu.memory_space<vmem>>) dst(%dma_wait3A_59 : memref<128x128xf32, #tpu.memory_space<hbm>>)
      tpu.yield
    }) : () -> ()
    %mul3A_34 = arith.constant 640 : i32
    %mul3A_35 = arith.muli %arg1, %mul3A_34 : i32
    %add3A_36 = arith.constant 128 : i32
    %add3A_37 = arith.addi %mul3A_35, %add3A_36 : i32
    "tpu.region"() ({
      %run_scoped3A = tpu.sem_alloc : memref<!tpu.dma_semaphore, #tpu.memory_space<semaphore_mem>>
      %dma_start3A = arith.constant 0 : i32
      %dma_start3A_50 = tpu.memref_slice %arg8[%add3A_37, %dma_start3A] : memref<10240x128xf32, #tpu.memory_space<vmem_shared>> -> memref<128x128xf32, #tpu.memory_space<vmem_shared>>
      %dma_start3A_51 = arith.constant 0 : i32
      %dma_start3A_52 = tpu.memref_slice %arg8[%add3A_37, %dma_start3A_51] : memref<10240x128xf32, #tpu.memory_space<vmem_shared>> -> memref<128x128xf32, #tpu.memory_space<vmem_shared>>
      tpu.enqueue_dma source(%dma_start3A_52 : memref<128x128xf32, #tpu.memory_space<vmem_shared>>) target(%arg7 : memref<128x128xf32, #tpu.memory_space<vmem>>) target_semaphore(%run_scoped3A : memref<!tpu.dma_semaphore, #tpu.memory_space<semaphore_mem>>)
      %dma_wait3A = arith.constant 0 : i32
      %dma_wait3A_53 = tpu.memref_slice %arg8[%add3A_37, %dma_wait3A] : memref<10240x128xf32, #tpu.memory_space<vmem_shared>> -> memref<128x128xf32, #tpu.memory_space<vmem_shared>>
      %dma_wait3A_54 = arith.constant 0 : i32
      %dma_wait3A_55 = tpu.memref_slice %arg8[%add3A_37, %dma_wait3A_54] : memref<10240x128xf32, #tpu.memory_space<vmem_shared>> -> memref<128x128xf32, #tpu.memory_space<vmem_shared>>
      tpu.wait_dma2 semaphore(%run_scoped3A : memref<!tpu.dma_semaphore, #tpu.memory_space<semaphore_mem>>) src(%dma_wait3A_55 : memref<128x128xf32, #tpu.memory_space<vmem_shared>>) dst(%arg7 : memref<128x128xf32, #tpu.memory_space<vmem>>)
      tpu.yield
    }) : () -> ()
    "tpu.region"() ({
      %run_scoped3A = tpu.sem_alloc : memref<!tpu.dma_semaphore, #tpu.memory_space<semaphore_mem>>
      %dma_start3A = arith.constant 0 : i32
      %dma_start3A_50 = tpu.memref_slice %arg5[%arg0, %add3A_37, %dma_start3A] : memref<2x10240x128xf32, #tpu.memory_space<hbm>> -> memref<1x128x128xf32, #tpu.memory_space<hbm>>
      %dma_start3A_51 = tpu.memref_squeeze %dma_start3A_50 : memref<1x128x128xf32, #tpu.memory_space<hbm>> -> memref<128x128xf32, #tpu.memory_space<hbm>>
      %dma_start3A_52 = arith.constant 0 : i32
      %dma_start3A_53 = tpu.memref_slice %arg5[%arg0, %add3A_37, %dma_start3A_52] : memref<2x10240x128xf32, #tpu.memory_space<hbm>> -> memref<1x128x128xf32, #tpu.memory_space<hbm>>
      %dma_start3A_54 = tpu.memref_squeeze %dma_start3A_53 : memref<1x128x128xf32, #tpu.memory_space<hbm>> -> memref<128x128xf32, #tpu.memory_space<hbm>>
      tpu.enqueue_dma source(%arg7 : memref<128x128xf32, #tpu.memory_space<vmem>>) target(%dma_start3A_54 : memref<128x128xf32, #tpu.memory_space<hbm>>) target_semaphore(%run_scoped3A : memref<!tpu.dma_semaphore, #tpu.memory_space<semaphore_mem>>)
      %dma_wait3A = arith.constant 0 : i32
      %dma_wait3A_55 = tpu.memref_slice %arg5[%arg0, %add3A_37, %dma_wait3A] : memref<2x10240x128xf32, #tpu.memory_space<hbm>> -> memref<1x128x128xf32, #tpu.memory_space<hbm>>
      %dma_wait3A_56 = tpu.memref_squeeze %dma_wait3A_55 : memref<1x128x128xf32, #tpu.memory_space<hbm>> -> memref<128x128xf32, #tpu.memory_space<hbm>>
      %dma_wait3A_57 = arith.constant 0 : i32
      %dma_wait3A_58 = tpu.memref_slice %arg5[%arg0, %add3A_37, %dma_wait3A_57] : memref<2x10240x128xf32, #tpu.memory_space<hbm>> -> memref<1x128x128xf32, #tpu.memory_space<hbm>>
      %dma_wait3A_59 = tpu.memref_squeeze %dma_wait3A_58 : memref<1x128x128xf32, #tpu.memory_space<hbm>> -> memref<128x128xf32, #tpu.memory_space<hbm>>
      tpu.wait_dma2 semaphore(%run_scoped3A : memref<!tpu.dma_semaphore, #tpu.memory_space<semaphore_mem>>) src(%arg7 : memref<128x128xf32, #tpu.memory_space<vmem>>) dst(%dma_wait3A_59 : memref<128x128xf32, #tpu.memory_space<hbm>>)
      tpu.yield
    }) : () -> ()
    %mul3A_38 = arith.constant 640 : i32
    %mul3A_39 = arith.muli %arg1, %mul3A_38 : i32
    %add3A_40 = arith.constant 256 : i32
    %add3A_41 = arith.addi %mul3A_39, %add3A_40 : i32
    "tpu.region"() ({
      %run_scoped3A = tpu.sem_alloc : memref<!tpu.dma_semaphore, #tpu.memory_space<semaphore_mem>>
      %dma_start3A = arith.constant 0 : i32
      %dma_start3A_50 = tpu.memref_slice %arg8[%add3A_41, %dma_start3A] : memref<10240x128xf32, #tpu.memory_space<vmem_shared>> -> memref<128x128xf32, #tpu.memory_space<vmem_shared>>
      %dma_start3A_51 = arith.constant 0 : i32
      %dma_start3A_52 = tpu.memref_slice %arg8[%add3A_41, %dma_start3A_51] : memref<10240x128xf32, #tpu.memory_space<vmem_shared>> -> memref<128x128xf32, #tpu.memory_space<vmem_shared>>
      tpu.enqueue_dma source(%dma_start3A_52 : memref<128x128xf32, #tpu.memory_space<vmem_shared>>) target(%arg7 : memref<128x128xf32, #tpu.memory_space<vmem>>) target_semaphore(%run_scoped3A : memref<!tpu.dma_semaphore, #tpu.memory_space<semaphore_mem>>)
      %dma_wait3A = arith.constant 0 : i32
      %dma_wait3A_53 = tpu.memref_slice %arg8[%add3A_41, %dma_wait3A] : memref<10240x128xf32, #tpu.memory_space<vmem_shared>> -> memref<128x128xf32, #tpu.memory_space<vmem_shared>>
      %dma_wait3A_54 = arith.constant 0 : i32
      %dma_wait3A_55 = tpu.memref_slice %arg8[%add3A_41, %dma_wait3A_54] : memref<10240x128xf32, #tpu.memory_space<vmem_shared>> -> memref<128x128xf32, #tpu.memory_space<vmem_shared>>
      tpu.wait_dma2 semaphore(%run_scoped3A : memref<!tpu.dma_semaphore, #tpu.memory_space<semaphore_mem>>) src(%dma_wait3A_55 : memref<128x128xf32, #tpu.memory_space<vmem_shared>>) dst(%arg7 : memref<128x128xf32, #tpu.memory_space<vmem>>)
      tpu.yield
    }) : () -> ()
    "tpu.region"() ({
      %run_scoped3A = tpu.sem_alloc : memref<!tpu.dma_semaphore, #tpu.memory_space<semaphore_mem>>
      %dma_start3A = arith.constant 0 : i32
      %dma_start3A_50 = tpu.memref_slice %arg5[%arg0, %add3A_41, %dma_start3A] : memref<2x10240x128xf32, #tpu.memory_space<hbm>> -> memref<1x128x128xf32, #tpu.memory_space<hbm>>
      %dma_start3A_51 = tpu.memref_squeeze %dma_start3A_50 : memref<1x128x128xf32, #tpu.memory_space<hbm>> -> memref<128x128xf32, #tpu.memory_space<hbm>>
      %dma_start3A_52 = arith.constant 0 : i32
      %dma_start3A_53 = tpu.memref_slice %arg5[%arg0, %add3A_41, %dma_start3A_52] : memref<2x10240x128xf32, #tpu.memory_space<hbm>> -> memref<1x128x128xf32, #tpu.memory_space<hbm>>
      %dma_start3A_54 = tpu.memref_squeeze %dma_start3A_53 : memref<1x128x128xf32, #tpu.memory_space<hbm>> -> memref<128x128xf32, #tpu.memory_space<hbm>>
      tpu.enqueue_dma source(%arg7 : memref<128x128xf32, #tpu.memory_space<vmem>>) target(%dma_start3A_54 : memref<128x128xf32, #tpu.memory_space<hbm>>) target_semaphore(%run_scoped3A : memref<!tpu.dma_semaphore, #tpu.memory_space<semaphore_mem>>)
      %dma_wait3A = arith.constant 0 : i32
      %dma_wait3A_55 = tpu.memref_slice %arg5[%arg0, %add3A_41, %dma_wait3A] : memref<2x10240x128xf32, #tpu.memory_space<hbm>> -> memref<1x128x128xf32, #tpu.memory_space<hbm>>
      %dma_wait3A_56 = tpu.memref_squeeze %dma_wait3A_55 : memref<1x128x128xf32, #tpu.memory_space<hbm>> -> memref<128x128xf32, #tpu.memory_space<hbm>>
      %dma_wait3A_57 = arith.constant 0 : i32
      %dma_wait3A_58 = tpu.memref_slice %arg5[%arg0, %add3A_41, %dma_wait3A_57] : memref<2x10240x128xf32, #tpu.memory_space<hbm>> -> memref<1x128x128xf32, #tpu.memory_space<hbm>>
      %dma_wait3A_59 = tpu.memref_squeeze %dma_wait3A_58 : memref<1x128x128xf32, #tpu.memory_space<hbm>> -> memref<128x128xf32, #tpu.memory_space<hbm>>
      tpu.wait_dma2 semaphore(%run_scoped3A : memref<!tpu.dma_semaphore, #tpu.memory_space<semaphore_mem>>) src(%arg7 : memref<128x128xf32, #tpu.memory_space<vmem>>) dst(%dma_wait3A_59 : memref<128x128xf32, #tpu.memory_space<hbm>>)
      tpu.yield
    }) : () -> ()
    %mul3A_42 = arith.constant 640 : i32
    %mul3A_43 = arith.muli %arg1, %mul3A_42 : i32
    %add3A_44 = arith.constant 384 : i32
    %add3A_45 = arith.addi %mul3A_43, %add3A_44 : i32
    "tpu.region"() ({
      %run_scoped3A = tpu.sem_alloc : memref<!tpu.dma_semaphore, #tpu.memory_space<semaphore_mem>>
      %dma_start3A = arith.constant 0 : i32
      %dma_start3A_50 = tpu.memref_slice %arg8[%add3A_45, %dma_start3A] : memref<10240x128xf32, #tpu.memory_space<vmem_shared>> -> memref<128x128xf32, #tpu.memory_space<vmem_shared>>
      %dma_start3A_51 = arith.constant 0 : i32
      %dma_start3A_52 = tpu.memref_slice %arg8[%add3A_45, %dma_start3A_51] : memref<10240x128xf32, #tpu.memory_space<vmem_shared>> -> memref<128x128xf32, #tpu.memory_space<vmem_shared>>
      tpu.enqueue_dma source(%dma_start3A_52 : memref<128x128xf32, #tpu.memory_space<vmem_shared>>) target(%arg7 : memref<128x128xf32, #tpu.memory_space<vmem>>) target_semaphore(%run_scoped3A : memref<!tpu.dma_semaphore, #tpu.memory_space<semaphore_mem>>)
      %dma_wait3A = arith.constant 0 : i32
      %dma_wait3A_53 = tpu.memref_slice %arg8[%add3A_45, %dma_wait3A] : memref<10240x128xf32, #tpu.memory_space<vmem_shared>> -> memref<128x128xf32, #tpu.memory_space<vmem_shared>>
      %dma_wait3A_54 = arith.constant 0 : i32
      %dma_wait3A_55 = tpu.memref_slice %arg8[%add3A_45, %dma_wait3A_54] : memref<10240x128xf32, #tpu.memory_space<vmem_shared>> -> memref<128x128xf32, #tpu.memory_space<vmem_shared>>
      tpu.wait_dma2 semaphore(%run_scoped3A : memref<!tpu.dma_semaphore, #tpu.memory_space<semaphore_mem>>) src(%dma_wait3A_55 : memref<128x128xf32, #tpu.memory_space<vmem_shared>>) dst(%arg7 : memref<128x128xf32, #tpu.memory_space<vmem>>)
      tpu.yield
    }) : () -> ()
    "tpu.region"() ({
      %run_scoped3A = tpu.sem_alloc : memref<!tpu.dma_semaphore, #tpu.memory_space<semaphore_mem>>
      %dma_start3A = arith.constant 0 : i32
      %dma_start3A_50 = tpu.memref_slice %arg5[%arg0, %add3A_45, %dma_start3A] : memref<2x10240x128xf32, #tpu.memory_space<hbm>> -> memref<1x128x128xf32, #tpu.memory_space<hbm>>
      %dma_start3A_51 = tpu.memref_squeeze %dma_start3A_50 : memref<1x128x128xf32, #tpu.memory_space<hbm>> -> memref<128x128xf32, #tpu.memory_space<hbm>>
      %dma_start3A_52 = arith.constant 0 : i32
      %dma_start3A_53 = tpu.memref_slice %arg5[%arg0, %add3A_45, %dma_start3A_52] : memref<2x10240x128xf32, #tpu.memory_space<hbm>> -> memref<1x128x128xf32, #tpu.memory_space<hbm>>
      %dma_start3A_54 = tpu.memref_squeeze %dma_start3A_53 : memref<1x128x128xf32, #tpu.memory_space<hbm>> -> memref<128x128xf32, #tpu.memory_space<hbm>>
      tpu.enqueue_dma source(%arg7 : memref<128x128xf32, #tpu.memory_space<vmem>>) target(%dma_start3A_54 : memref<128x128xf32, #tpu.memory_space<hbm>>) target_semaphore(%run_scoped3A : memref<!tpu.dma_semaphore, #tpu.memory_space<semaphore_mem>>)
      %dma_wait3A = arith.constant 0 : i32
      %dma_wait3A_55 = tpu.memref_slice %arg5[%arg0, %add3A_45, %dma_wait3A] : memref<2x10240x128xf32, #tpu.memory_space<hbm>> -> memref<1x128x128xf32, #tpu.memory_space<hbm>>
      %dma_wait3A_56 = tpu.memref_squeeze %dma_wait3A_55 : memref<1x128x128xf32, #tpu.memory_space<hbm>> -> memref<128x128xf32, #tpu.memory_space<hbm>>
      %dma_wait3A_57 = arith.constant 0 : i32
      %dma_wait3A_58 = tpu.memref_slice %arg5[%arg0, %add3A_45, %dma_wait3A_57] : memref<2x10240x128xf32, #tpu.memory_space<hbm>> -> memref<1x128x128xf32, #tpu.memory_space<hbm>>
      %dma_wait3A_59 = tpu.memref_squeeze %dma_wait3A_58 : memref<1x128x128xf32, #tpu.memory_space<hbm>> -> memref<128x128xf32, #tpu.memory_space<hbm>>
      tpu.wait_dma2 semaphore(%run_scoped3A : memref<!tpu.dma_semaphore, #tpu.memory_space<semaphore_mem>>) src(%arg7 : memref<128x128xf32, #tpu.memory_space<vmem>>) dst(%dma_wait3A_59 : memref<128x128xf32, #tpu.memory_space<hbm>>)
      tpu.yield
    }) : () -> ()
    %mul3A_46 = arith.constant 640 : i32
    %mul3A_47 = arith.muli %arg1, %mul3A_46 : i32
    %add3A_48 = arith.constant 512 : i32
    %add3A_49 = arith.addi %mul3A_47, %add3A_48 : i32
    "tpu.region"() ({
      %run_scoped3A = tpu.sem_alloc : memref<!tpu.dma_semaphore, #tpu.memory_space<semaphore_mem>>
      %dma_start3A = arith.constant 0 : i32
      %dma_start3A_50 = tpu.memref_slice %arg8[%add3A_49, %dma_start3A] : memref<10240x128xf32, #tpu.memory_space<vmem_shared>> -> memref<128x128xf32, #tpu.memory_space<vmem_shared>>
      %dma_start3A_51 = arith.constant 0 : i32
      %dma_start3A_52 = tpu.memref_slice %arg8[%add3A_49, %dma_start3A_51] : memref<10240x128xf32, #tpu.memory_space<vmem_shared>> -> memref<128x128xf32, #tpu.memory_space<vmem_shared>>
      tpu.enqueue_dma source(%dma_start3A_52 : memref<128x128xf32, #tpu.memory_space<vmem_shared>>) target(%arg7 : memref<128x128xf32, #tpu.memory_space<vmem>>) target_semaphore(%run_scoped3A : memref<!tpu.dma_semaphore, #tpu.memory_space<semaphore_mem>>)
      %dma_wait3A = arith.constant 0 : i32
      %dma_wait3A_53 = tpu.memref_slice %arg8[%add3A_49, %dma_wait3A] : memref<10240x128xf32, #tpu.memory_space<vmem_shared>> -> memref<128x128xf32, #tpu.memory_space<vmem_shared>>
      %dma_wait3A_54 = arith.constant 0 : i32
      %dma_wait3A_55 = tpu.memref_slice %arg8[%add3A_49, %dma_wait3A_54] : memref<10240x128xf32, #tpu.memory_space<vmem_shared>> -> memref<128x128xf32, #tpu.memory_space<vmem_shared>>
      tpu.wait_dma2 semaphore(%run_scoped3A : memref<!tpu.dma_semaphore, #tpu.memory_space<semaphore_mem>>) src(%dma_wait3A_55 : memref<128x128xf32, #tpu.memory_space<vmem_shared>>) dst(%arg7 : memref<128x128xf32, #tpu.memory_space<vmem>>)
      tpu.yield
    }) : () -> ()
    "tpu.region"() ({
      %run_scoped3A = tpu.sem_alloc : memref<!tpu.dma_semaphore, #tpu.memory_space<semaphore_mem>>
      %dma_start3A = arith.constant 0 : i32
      %dma_start3A_50 = tpu.memref_slice %arg5[%arg0, %add3A_49, %dma_start3A] : memref<2x10240x128xf32, #tpu.memory_space<hbm>> -> memref<1x128x128xf32, #tpu.memory_space<hbm>>
      %dma_start3A_51 = tpu.memref_squeeze %dma_start3A_50 : memref<1x128x128xf32, #tpu.memory_space<hbm>> -> memref<128x128xf32, #tpu.memory_space<hbm>>
      %dma_start3A_52 = arith.constant 0 : i32
      %dma_start3A_53 = tpu.memref_slice %arg5[%arg0, %add3A_49, %dma_start3A_52] : memref<2x10240x128xf32, #tpu.memory_space<hbm>> -> memref<1x128x128xf32, #tpu.memory_space<hbm>>
      %dma_start3A_54 = tpu.memref_squeeze %dma_start3A_53 : memref<1x128x128xf32, #tpu.memory_space<hbm>> -> memref<128x128xf32, #tpu.memory_space<hbm>>
      tpu.enqueue_dma source(%arg7 : memref<128x128xf32, #tpu.memory_space<vmem>>) target(%dma_start3A_54 : memref<128x128xf32, #tpu.memory_space<hbm>>) target_semaphore(%run_scoped3A : memref<!tpu.dma_semaphore, #tpu.memory_space<semaphore_mem>>)
      %dma_wait3A = arith.constant 0 : i32
      %dma_wait3A_55 = tpu.memref_slice %arg5[%arg0, %add3A_49, %dma_wait3A] : memref<2x10240x128xf32, #tpu.memory_space<hbm>> -> memref<1x128x128xf32, #tpu.memory_space<hbm>>
      %dma_wait3A_56 = tpu.memref_squeeze %dma_wait3A_55 : memref<1x128x128xf32, #tpu.memory_space<hbm>> -> memref<128x128xf32, #tpu.memory_space<hbm>>
      %dma_wait3A_57 = arith.constant 0 : i32
      %dma_wait3A_58 = tpu.memref_slice %arg5[%arg0, %add3A_49, %dma_wait3A_57] : memref<2x10240x128xf32, #tpu.memory_space<hbm>> -> memref<1x128x128xf32, #tpu.memory_space<hbm>>
      %dma_wait3A_59 = tpu.memref_squeeze %dma_wait3A_58 : memref<1x128x128xf32, #tpu.memory_space<hbm>> -> memref<128x128xf32, #tpu.memory_space<hbm>>
      tpu.wait_dma2 semaphore(%run_scoped3A : memref<!tpu.dma_semaphore, #tpu.memory_space<semaphore_mem>>) src(%arg7 : memref<128x128xf32, #tpu.memory_space<vmem>>) dst(%dma_wait3A_59 : memref<128x128xf32, #tpu.memory_space<hbm>>)
      tpu.yield
    }) : () -> ()
    return
  }
}

#map = affine_map<(d0, d1) -> (0, 0)>
module attributes {stable_mosaic.version = 14 : i64} {
  func.func @k(%arg0: i32, %arg1: i32, %arg2: memref<10000x128xf32, #tpu.memory_space<hbm>>, %arg3: memref<10000x128xf32, #tpu.memory_space<hbm>>, %arg4: memref<2560x128xi32, #tpu.memory_space<hbm>>, %arg5: memref<2560x128xi32, #tpu.memory_space<hbm>>, %arg6: memref<327680x128xf32, #tpu.memory_space<hbm>>, %arg7: memref<80x128xi32, #tpu.memory_space<vmem>>, %arg8: memref<80x128xi32, #tpu.memory_space<vmem>>, %arg9: memref<128x128xf32, #tpu.memory_space<vmem>>, %arg10: memref<128x128xf32, #tpu.memory_space<vmem>>, %arg11: memref<!tpu.dma_semaphore, #tpu.memory_space<semaphore_mem>>, %arg12: memref<!tpu.dma_semaphore, #tpu.memory_space<semaphore_mem>>) attributes {dimension_semantics = [#tpu.dimension_semantics<core_parallel>, #tpu.dimension_semantics<subcore_parallel>], iteration_bounds = array<i64: 2, 16>, scalar_prefetch = 0 : i64, scratch_operands = 6 : i64, tpu.core_type = #tpu.core_type<sc_vector_subcore>, window_params = [{transform_indices = #map}, {transform_indices = #map}, {transform_indices = #map}, {transform_indices = #map}, {transform_indices = #map}]} {
    %mul3A = arith.constant 2 : i32
    %mul3A_0 = arith.muli %arg1, %mul3A : i32
    %add3A = arith.addi %mul3A_0, %arg0 : i32
    %mul3A_1 = arith.constant 80 : i32
    %mul3A_2 = arith.muli %add3A, %mul3A_1 : i32
    "tpu.region"() ({
      %run_scoped3A = tpu.sem_alloc : memref<!tpu.dma_semaphore, #tpu.memory_space<semaphore_mem>>
      %dma_start3A = arith.constant 0 : i32
      %dma_start3A_11 = tpu.memref_slice %arg4[%mul3A_2, %dma_start3A] : memref<2560x128xi32, #tpu.memory_space<hbm>> -> memref<80x128xi32, #tpu.memory_space<hbm>>
      %dma_start3A_12 = arith.constant 0 : i32
      %dma_start3A_13 = tpu.memref_slice %arg4[%mul3A_2, %dma_start3A_12] : memref<2560x128xi32, #tpu.memory_space<hbm>> -> memref<80x128xi32, #tpu.memory_space<hbm>>
      tpu.enqueue_dma source(%dma_start3A_13 : memref<80x128xi32, #tpu.memory_space<hbm>>) target(%arg7 : memref<80x128xi32, #tpu.memory_space<vmem>>) target_semaphore(%run_scoped3A : memref<!tpu.dma_semaphore, #tpu.memory_space<semaphore_mem>>)
      %dma_wait3A = arith.constant 0 : i32
      %dma_wait3A_14 = tpu.memref_slice %arg4[%mul3A_2, %dma_wait3A] : memref<2560x128xi32, #tpu.memory_space<hbm>> -> memref<80x128xi32, #tpu.memory_space<hbm>>
      %dma_wait3A_15 = arith.constant 0 : i32
      %dma_wait3A_16 = tpu.memref_slice %arg4[%mul3A_2, %dma_wait3A_15] : memref<2560x128xi32, #tpu.memory_space<hbm>> -> memref<80x128xi32, #tpu.memory_space<hbm>>
      tpu.wait_dma2 semaphore(%run_scoped3A : memref<!tpu.dma_semaphore, #tpu.memory_space<semaphore_mem>>) src(%dma_wait3A_16 : memref<80x128xi32, #tpu.memory_space<hbm>>) dst(%arg7 : memref<80x128xi32, #tpu.memory_space<vmem>>)
      tpu.yield
    }) : () -> ()
    %mul3A_3 = arith.constant 80 : i32
    %mul3A_4 = arith.muli %add3A, %mul3A_3 : i32
    "tpu.region"() ({
      %run_scoped3A = tpu.sem_alloc : memref<!tpu.dma_semaphore, #tpu.memory_space<semaphore_mem>>
      %dma_start3A = arith.constant 0 : i32
      %dma_start3A_11 = tpu.memref_slice %arg5[%mul3A_4, %dma_start3A] : memref<2560x128xi32, #tpu.memory_space<hbm>> -> memref<80x128xi32, #tpu.memory_space<hbm>>
      %dma_start3A_12 = arith.constant 0 : i32
      %dma_start3A_13 = tpu.memref_slice %arg5[%mul3A_4, %dma_start3A_12] : memref<2560x128xi32, #tpu.memory_space<hbm>> -> memref<80x128xi32, #tpu.memory_space<hbm>>
      tpu.enqueue_dma source(%dma_start3A_13 : memref<80x128xi32, #tpu.memory_space<hbm>>) target(%arg8 : memref<80x128xi32, #tpu.memory_space<vmem>>) target_semaphore(%run_scoped3A : memref<!tpu.dma_semaphore, #tpu.memory_space<semaphore_mem>>)
      %dma_wait3A = arith.constant 0 : i32
      %dma_wait3A_14 = tpu.memref_slice %arg5[%mul3A_4, %dma_wait3A] : memref<2560x128xi32, #tpu.memory_space<hbm>> -> memref<80x128xi32, #tpu.memory_space<hbm>>
      %dma_wait3A_15 = arith.constant 0 : i32
      %dma_wait3A_16 = tpu.memref_slice %arg5[%mul3A_4, %dma_wait3A_15] : memref<2560x128xi32, #tpu.memory_space<hbm>> -> memref<80x128xi32, #tpu.memory_space<hbm>>
      tpu.wait_dma2 semaphore(%run_scoped3A : memref<!tpu.dma_semaphore, #tpu.memory_space<semaphore_mem>>) src(%dma_wait3A_16 : memref<80x128xi32, #tpu.memory_space<hbm>>) dst(%arg8 : memref<80x128xi32, #tpu.memory_space<vmem>>)
      tpu.yield
    }) : () -> ()
    %scan3A = arith.constant 0 : i32
    %scan3A_5 = arith.constant 0 : i32
    %scan3A_6 = arith.constant 80 : i32
    %scan3A_7 = arith.addi %scan3A_5, %scan3A_6 : i32
    %scan3A_8 = arith.constant 1 : i32
    %scan3A_9 = scf.for %scan3A_11 = %scan3A_5 to %scan3A_7 step %scan3A_8 iter_args(%scan3A_12 = %scan3A) -> (i32)  : i32 {
      %dma_start3A = arith.constant 0 : i32
      %dma_start3A_13 = tpu.memref_slice %arg7[%scan3A_11, %dma_start3A] : memref<80x128xi32, #tpu.memory_space<vmem>> -> memref<1x128xi32, #tpu.memory_space<vmem>>
      %dma_start3A_14 = tpu.memref_squeeze %dma_start3A_13 : memref<1x128xi32, #tpu.memory_space<vmem>> -> memref<128xi32, #tpu.memory_space<vmem>>
      %dma_start3A_15 = arith.constant 0 : i32
      %dma_start3A_16 = arith.constant 0 : i32
      %dma_start3A_17 = tpu.memref_slice %arg2[%dma_start3A_15, %dma_start3A_16] : memref<10000x128xf32, #tpu.memory_space<hbm>> -> memref<10000x128xf32, #tpu.memory_space<hbm>>
      tpu.enqueue_indirect_dma source(%dma_start3A_17 : memref<10000x128xf32, #tpu.memory_space<hbm>>) target(%arg9 : memref<128x128xf32, #tpu.memory_space<vmem>>) offsets(%dma_start3A_14 : memref<128xi32, #tpu.memory_space<vmem>>) semaphore(%arg11 : memref<!tpu.dma_semaphore, #tpu.memory_space<semaphore_mem>>)
      %dma_start3A_18 = arith.constant 0 : i32
      %dma_start3A_19 = tpu.memref_slice %arg8[%scan3A_11, %dma_start3A_18] : memref<80x128xi32, #tpu.memory_space<vmem>> -> memref<1x128xi32, #tpu.memory_space<vmem>>
      %dma_start3A_20 = tpu.memref_squeeze %dma_start3A_19 : memref<1x128xi32, #tpu.memory_space<vmem>> -> memref<128xi32, #tpu.memory_space<vmem>>
      %dma_start3A_21 = arith.constant 0 : i32
      %dma_start3A_22 = arith.constant 0 : i32
      %dma_start3A_23 = tpu.memref_slice %arg3[%dma_start3A_21, %dma_start3A_22] : memref<10000x128xf32, #tpu.memory_space<hbm>> -> memref<10000x128xf32, #tpu.memory_space<hbm>>
      tpu.enqueue_indirect_dma source(%dma_start3A_23 : memref<10000x128xf32, #tpu.memory_space<hbm>>) target(%arg10 : memref<128x128xf32, #tpu.memory_space<vmem>>) offsets(%dma_start3A_20 : memref<128xi32, #tpu.memory_space<vmem>>) semaphore(%arg12 : memref<!tpu.dma_semaphore, #tpu.memory_space<semaphore_mem>>)
      %dma_wait3A = arith.constant 0 : i32
      %dma_wait3A_24 = tpu.memref_slice %arg7[%scan3A_11, %dma_wait3A] : memref<80x128xi32, #tpu.memory_space<vmem>> -> memref<1x128xi32, #tpu.memory_space<vmem>>
      %dma_wait3A_25 = tpu.memref_squeeze %dma_wait3A_24 : memref<1x128xi32, #tpu.memory_space<vmem>> -> memref<128xi32, #tpu.memory_space<vmem>>
      %dma_wait3A_26 = arith.constant 0 : i32
      %dma_wait3A_27 = arith.constant 0 : i32
      %dma_wait3A_28 = tpu.memref_slice %arg2[%dma_wait3A_26, %dma_wait3A_27] : memref<10000x128xf32, #tpu.memory_space<hbm>> -> memref<10000x128xf32, #tpu.memory_space<hbm>>
      tpu.wait_indirect_dma semaphore(%arg11 : memref<!tpu.dma_semaphore, #tpu.memory_space<semaphore_mem>>) src(%dma_wait3A_28 : memref<10000x128xf32, #tpu.memory_space<hbm>>) dst(%arg9 : memref<128x128xf32, #tpu.memory_space<vmem>>)
      %dma_wait3A_29 = arith.constant 0 : i32
      %dma_wait3A_30 = tpu.memref_slice %arg8[%scan3A_11, %dma_wait3A_29] : memref<80x128xi32, #tpu.memory_space<vmem>> -> memref<1x128xi32, #tpu.memory_space<vmem>>
      %dma_wait3A_31 = tpu.memref_squeeze %dma_wait3A_30 : memref<1x128xi32, #tpu.memory_space<vmem>> -> memref<128xi32, #tpu.memory_space<vmem>>
      %dma_wait3A_32 = arith.constant 0 : i32
      %dma_wait3A_33 = arith.constant 0 : i32
      %dma_wait3A_34 = tpu.memref_slice %arg3[%dma_wait3A_32, %dma_wait3A_33] : memref<10000x128xf32, #tpu.memory_space<hbm>> -> memref<10000x128xf32, #tpu.memory_space<hbm>>
      tpu.wait_indirect_dma semaphore(%arg12 : memref<!tpu.dma_semaphore, #tpu.memory_space<semaphore_mem>>) src(%dma_wait3A_34 : memref<10000x128xf32, #tpu.memory_space<hbm>>) dst(%arg10 : memref<128x128xf32, #tpu.memory_space<vmem>>)
      %scan3A_35 = arith.constant 0 : i32
      %scan3A_36 = arith.constant 0 : i32
      %scan3A_37 = arith.constant 128 : i32
      %scan3A_38 = arith.addi %scan3A_36, %scan3A_37 : i32
      %scan3A_39 = arith.constant 1 : i32
      %scan3A_40 = scf.for %scan3A_48 = %scan3A_36 to %scan3A_38 step %scan3A_39 iter_args(%scan3A_49 = %scan3A_35) -> (i32)  : i32 {
        %get3A = arith.index_cast %scan3A_48 : i32 to index
        %get3A_50 = arith.constant 0 : index
        %get3A_51 = tpu.vector_load %arg9[%get3A, %get3A_50] {strides = array<i32>} : memref<128x128xf32, #tpu.memory_space<vmem>>, vector<1x16xf32>,
        %get3A_52 = vector.shape_cast %get3A_51 : vector<1x16xf32> to vector<16xf32>
        %get3A_53 = arith.index_cast %scan3A_48 : i32 to index
        %get3A_54 = arith.constant 0 : index
        %get3A_55 = tpu.vector_load %arg10[%get3A_53, %get3A_54] {strides = array<i32>} : memref<128x128xf32, #tpu.memory_space<vmem>>, vector<1x16xf32>,
        %get3A_56 = vector.shape_cast %get3A_55 : vector<1x16xf32> to vector<16xf32>
        %add3A_57 = arith.addf %get3A_52, %get3A_56 : vector<16xf32>
        %swap3A = arith.index_cast %scan3A_48 : i32 to index
        %swap3A_58 = arith.constant 0 : index
        %swap3A_59 = tpu.vector_load %arg9[%swap3A, %swap3A_58] {strides = array<i32>} : memref<128x128xf32, #tpu.memory_space<vmem>>, vector<1x16xf32>,
        %swap3A_60 = vector.shape_cast %swap3A_59 : vector<1x16xf32> to vector<16xf32>
        %swap3A_61 = vector.shape_cast %add3A_57 : vector<16xf32> to vector<1x16xf32>
        tpu.vector_store %arg9[%swap3A, %swap3A_58], %swap3A_61 {strides = array<i32>} : memref<128x128xf32, #tpu.memory_space<vmem>>, vector<1x16xf32>,
        %get3A_62 = arith.index_cast %scan3A_48 : i32 to index
        %get3A_63 = arith.constant 16 : index
        %get3A_64 = tpu.vector_load %arg9[%get3A_62, %get3A_63] {strides = array<i32>} : memref<128x128xf32, #tpu.memory_space<vmem>>, vector<1x16xf32>,
        %get3A_65 = vector.shape_cast %get3A_64 : vector<1x16xf32> to vector<16xf32>
        %get3A_66 = arith.index_cast %scan3A_48 : i32 to index
        %get3A_67 = arith.constant 16 : index
        %get3A_68 = tpu.vector_load %arg10[%get3A_66, %get3A_67] {strides = array<i32>} : memref<128x128xf32, #tpu.memory_space<vmem>>, vector<1x16xf32>,
        %get3A_69 = vector.shape_cast %get3A_68 : vector<1x16xf32> to vector<16xf32>
        %add3A_70 = arith.addf %get3A_65, %get3A_69 : vector<16xf32>
        %swap3A_71 = arith.index_cast %scan3A_48 : i32 to index
        %swap3A_72 = arith.constant 16 : index
        %swap3A_73 = tpu.vector_load %arg9[%swap3A_71, %swap3A_72] {strides = array<i32>} : memref<128x128xf32, #tpu.memory_space<vmem>>, vector<1x16xf32>,
        %swap3A_74 = vector.shape_cast %swap3A_73 : vector<1x16xf32> to vector<16xf32>
        %swap3A_75 = vector.shape_cast %add3A_70 : vector<16xf32> to vector<1x16xf32>
        tpu.vector_store %arg9[%swap3A_71, %swap3A_72], %swap3A_75 {strides = array<i32>} : memref<128x128xf32, #tpu.memory_space<vmem>>, vector<1x16xf32>,
        %get3A_76 = arith.index_cast %scan3A_48 : i32 to index
        %get3A_77 = arith.constant 32 : index
        %get3A_78 = tpu.vector_load %arg9[%get3A_76, %get3A_77] {strides = array<i32>} : memref<128x128xf32, #tpu.memory_space<vmem>>, vector<1x16xf32>,
        %get3A_79 = vector.shape_cast %get3A_78 : vector<1x16xf32> to vector<16xf32>
        %get3A_80 = arith.index_cast %scan3A_48 : i32 to index
        %get3A_81 = arith.constant 32 : index
        %get3A_82 = tpu.vector_load %arg10[%get3A_80, %get3A_81] {strides = array<i32>} : memref<128x128xf32, #tpu.memory_space<vmem>>, vector<1x16xf32>,
        %get3A_83 = vector.shape_cast %get3A_82 : vector<1x16xf32> to vector<16xf32>
        %add3A_84 = arith.addf %get3A_79, %get3A_83 : vector<16xf32>
        %swap3A_85 = arith.index_cast %scan3A_48 : i32 to index
        %swap3A_86 = arith.constant 32 : index
        %swap3A_87 = tpu.vector_load %arg9[%swap3A_85, %swap3A_86] {strides = array<i32>} : memref<128x128xf32, #tpu.memory_space<vmem>>, vector<1x16xf32>,
        %swap3A_88 = vector.shape_cast %swap3A_87 : vector<1x16xf32> to vector<16xf32>
        %swap3A_89 = vector.shape_cast %add3A_84 : vector<16xf32> to vector<1x16xf32>
        tpu.vector_store %arg9[%swap3A_85, %swap3A_86], %swap3A_89 {strides = array<i32>} : memref<128x128xf32, #tpu.memory_space<vmem>>, vector<1x16xf32>,
        %get3A_90 = arith.index_cast %scan3A_48 : i32 to index
        %get3A_91 = arith.constant 48 : index
        %get3A_92 = tpu.vector_load %arg9[%get3A_90, %get3A_91] {strides = array<i32>} : memref<128x128xf32, #tpu.memory_space<vmem>>, vector<1x16xf32>,
        %get3A_93 = vector.shape_cast %get3A_92 : vector<1x16xf32> to vector<16xf32>
        %get3A_94 = arith.index_cast %scan3A_48 : i32 to index
        %get3A_95 = arith.constant 48 : index
        %get3A_96 = tpu.vector_load %arg10[%get3A_94, %get3A_95] {strides = array<i32>} : memref<128x128xf32, #tpu.memory_space<vmem>>, vector<1x16xf32>,
        %get3A_97 = vector.shape_cast %get3A_96 : vector<1x16xf32> to vector<16xf32>
        %add3A_98 = arith.addf %get3A_93, %get3A_97 : vector<16xf32>
        %swap3A_99 = arith.index_cast %scan3A_48 : i32 to index
        %swap3A_100 = arith.constant 48 : index
        %swap3A_101 = tpu.vector_load %arg9[%swap3A_99, %swap3A_100] {strides = array<i32>} : memref<128x128xf32, #tpu.memory_space<vmem>>, vector<1x16xf32>,
        %swap3A_102 = vector.shape_cast %swap3A_101 : vector<1x16xf32> to vector<16xf32>
        %swap3A_103 = vector.shape_cast %add3A_98 : vector<16xf32> to vector<1x16xf32>
        tpu.vector_store %arg9[%swap3A_99, %swap3A_100], %swap3A_103 {strides = array<i32>} : memref<128x128xf32, #tpu.memory_space<vmem>>, vector<1x16xf32>,
        %get3A_104 = arith.index_cast %scan3A_48 : i32 to index
        %get3A_105 = arith.constant 64 : index
        %get3A_106 = tpu.vector_load %arg9[%get3A_104, %get3A_105] {strides = array<i32>} : memref<128x128xf32, #tpu.memory_space<vmem>>, vector<1x16xf32>,
        %get3A_107 = vector.shape_cast %get3A_106 : vector<1x16xf32> to vector<16xf32>
        %get3A_108 = arith.index_cast %scan3A_48 : i32 to index
        %get3A_109 = arith.constant 64 : index
        %get3A_110 = tpu.vector_load %arg10[%get3A_108, %get3A_109] {strides = array<i32>} : memref<128x128xf32, #tpu.memory_space<vmem>>, vector<1x16xf32>,
        %get3A_111 = vector.shape_cast %get3A_110 : vector<1x16xf32> to vector<16xf32>
        %add3A_112 = arith.addf %get3A_107, %get3A_111 : vector<16xf32>
        %swap3A_113 = arith.index_cast %scan3A_48 : i32 to index
        %swap3A_114 = arith.constant 64 : index
        %swap3A_115 = tpu.vector_load %arg9[%swap3A_113, %swap3A_114] {strides = array<i32>} : memref<128x128xf32, #tpu.memory_space<vmem>>, vector<1x16xf32>,
        %swap3A_116 = vector.shape_cast %swap3A_115 : vector<1x16xf32> to vector<16xf32>
        %swap3A_117 = vector.shape_cast %add3A_112 : vector<16xf32> to vector<1x16xf32>
        tpu.vector_store %arg9[%swap3A_113, %swap3A_114], %swap3A_117 {strides = array<i32>} : memref<128x128xf32, #tpu.memory_space<vmem>>, vector<1x16xf32>,
        %get3A_118 = arith.index_cast %scan3A_48 : i32 to index
        %get3A_119 = arith.constant 80 : index
        %get3A_120 = tpu.vector_load %arg9[%get3A_118, %get3A_119] {strides = array<i32>} : memref<128x128xf32, #tpu.memory_space<vmem>>, vector<1x16xf32>,
        %get3A_121 = vector.shape_cast %get3A_120 : vector<1x16xf32> to vector<16xf32>
        %get3A_122 = arith.index_cast %scan3A_48 : i32 to index
        %get3A_123 = arith.constant 80 : index
        %get3A_124 = tpu.vector_load %arg10[%get3A_122, %get3A_123] {strides = array<i32>} : memref<128x128xf32, #tpu.memory_space<vmem>>, vector<1x16xf32>,
        %get3A_125 = vector.shape_cast %get3A_124 : vector<1x16xf32> to vector<16xf32>
        %add3A_126 = arith.addf %get3A_121, %get3A_125 : vector<16xf32>
        %swap3A_127 = arith.index_cast %scan3A_48 : i32 to index
        %swap3A_128 = arith.constant 80 : index
        %swap3A_129 = tpu.vector_load %arg9[%swap3A_127, %swap3A_128] {strides = array<i32>} : memref<128x128xf32, #tpu.memory_space<vmem>>, vector<1x16xf32>,
        %swap3A_130 = vector.shape_cast %swap3A_129 : vector<1x16xf32> to vector<16xf32>
        %swap3A_131 = vector.shape_cast %add3A_126 : vector<16xf32> to vector<1x16xf32>
        tpu.vector_store %arg9[%swap3A_127, %swap3A_128], %swap3A_131 {strides = array<i32>} : memref<128x128xf32, #tpu.memory_space<vmem>>, vector<1x16xf32>,
        %get3A_132 = arith.index_cast %scan3A_48 : i32 to index
        %get3A_133 = arith.constant 96 : index
        %get3A_134 = tpu.vector_load %arg9[%get3A_132, %get3A_133] {strides = array<i32>} : memref<128x128xf32, #tpu.memory_space<vmem>>, vector<1x16xf32>,
        %get3A_135 = vector.shape_cast %get3A_134 : vector<1x16xf32> to vector<16xf32>
        %get3A_136 = arith.index_cast %scan3A_48 : i32 to index
        %get3A_137 = arith.constant 96 : index
        %get3A_138 = tpu.vector_load %arg10[%get3A_136, %get3A_137] {strides = array<i32>} : memref<128x128xf32, #tpu.memory_space<vmem>>, vector<1x16xf32>,
        %get3A_139 = vector.shape_cast %get3A_138 : vector<1x16xf32> to vector<16xf32>
        %add3A_140 = arith.addf %get3A_135, %get3A_139 : vector<16xf32>
        %swap3A_141 = arith.index_cast %scan3A_48 : i32 to index
        %swap3A_142 = arith.constant 96 : index
        %swap3A_143 = tpu.vector_load %arg9[%swap3A_141, %swap3A_142] {strides = array<i32>} : memref<128x128xf32, #tpu.memory_space<vmem>>, vector<1x16xf32>,
        %swap3A_144 = vector.shape_cast %swap3A_143 : vector<1x16xf32> to vector<16xf32>
        %swap3A_145 = vector.shape_cast %add3A_140 : vector<16xf32> to vector<1x16xf32>
        tpu.vector_store %arg9[%swap3A_141, %swap3A_142], %swap3A_145 {strides = array<i32>} : memref<128x128xf32, #tpu.memory_space<vmem>>, vector<1x16xf32>,
        %get3A_146 = arith.index_cast %scan3A_48 : i32 to index
        %get3A_147 = arith.constant 112 : index
        %get3A_148 = tpu.vector_load %arg9[%get3A_146, %get3A_147] {strides = array<i32>} : memref<128x128xf32, #tpu.memory_space<vmem>>, vector<1x16xf32>,
        %get3A_149 = vector.shape_cast %get3A_148 : vector<1x16xf32> to vector<16xf32>
        %get3A_150 = arith.index_cast %scan3A_48 : i32 to index
        %get3A_151 = arith.constant 112 : index
        %get3A_152 = tpu.vector_load %arg10[%get3A_150, %get3A_151] {strides = array<i32>} : memref<128x128xf32, #tpu.memory_space<vmem>>, vector<1x16xf32>,
        %get3A_153 = vector.shape_cast %get3A_152 : vector<1x16xf32> to vector<16xf32>
        %add3A_154 = arith.addf %get3A_149, %get3A_153 : vector<16xf32>
        %swap3A_155 = arith.index_cast %scan3A_48 : i32 to index
        %swap3A_156 = arith.constant 112 : index
        %swap3A_157 = tpu.vector_load %arg9[%swap3A_155, %swap3A_156] {strides = array<i32>} : memref<128x128xf32, #tpu.memory_space<vmem>>, vector<1x16xf32>,
        %swap3A_158 = vector.shape_cast %swap3A_157 : vector<1x16xf32> to vector<16xf32>
        %swap3A_159 = vector.shape_cast %add3A_154 : vector<16xf32> to vector<1x16xf32>
        tpu.vector_store %arg9[%swap3A_155, %swap3A_156], %swap3A_159 {strides = array<i32>} : memref<128x128xf32, #tpu.memory_space<vmem>>, vector<1x16xf32>,
        %scan3A_160 = arith.constant 0 : i32
        scf.yield %scan3A_160 : i32
      }
      %scan3A_41 = arith.constant 128 : i32
      %mul3A_42 = arith.constant 80 : i32
      %mul3A_43 = arith.muli %add3A, %mul3A_42 : i32
      %add3A_44 = arith.addi %mul3A_43, %scan3A_11 : i32
      %mul3A_45 = arith.constant 128 : i32
      %mul3A_46 = arith.muli %add3A_44, %mul3A_45 : i32
      "tpu.region"() ({
        %run_scoped3A = tpu.sem_alloc : memref<!tpu.dma_semaphore, #tpu.memory_space<semaphore_mem>>
        %dma_start3A_48 = arith.constant 0 : i32
        %dma_start3A_49 = tpu.memref_slice %arg6[%mul3A_46, %dma_start3A_48] : memref<327680x128xf32, #tpu.memory_space<hbm>> -> memref<128x128xf32, #tpu.memory_space<hbm>>
        %dma_start3A_50 = arith.constant 0 : i32
        %dma_start3A_51 = tpu.memref_slice %arg6[%mul3A_46, %dma_start3A_50] : memref<327680x128xf32, #tpu.memory_space<hbm>> -> memref<128x128xf32, #tpu.memory_space<hbm>>
        tpu.enqueue_dma source(%arg9 : memref<128x128xf32, #tpu.memory_space<vmem>>) target(%dma_start3A_51 : memref<128x128xf32, #tpu.memory_space<hbm>>) target_semaphore(%run_scoped3A : memref<!tpu.dma_semaphore, #tpu.memory_space<semaphore_mem>>)
        %dma_wait3A_52 = arith.constant 0 : i32
        %dma_wait3A_53 = tpu.memref_slice %arg6[%mul3A_46, %dma_wait3A_52] : memref<327680x128xf32, #tpu.memory_space<hbm>> -> memref<128x128xf32, #tpu.memory_space<hbm>>
        %dma_wait3A_54 = arith.constant 0 : i32
        %dma_wait3A_55 = tpu.memref_slice %arg6[%mul3A_46, %dma_wait3A_54] : memref<327680x128xf32, #tpu.memory_space<hbm>> -> memref<128x128xf32, #tpu.memory_space<hbm>>
        tpu.wait_dma2 semaphore(%run_scoped3A : memref<!tpu.dma_semaphore, #tpu.memory_space<semaphore_mem>>) src(%arg9 : memref<128x128xf32, #tpu.memory_space<vmem>>) dst(%dma_wait3A_55 : memref<128x128xf32, #tpu.memory_space<hbm>>)
        tpu.yield
      }) : () -> ()
      %scan3A_47 = arith.constant 0 : i32
      scf.yield %scan3A_47 : i32
    }
    %scan3A_10 = arith.constant 80 : i32
    return
  }
}

#map = affine_map<(d0, d1) -> (0, 0)>
module attributes {stable_mosaic.version = 14 : i64} {
  func.func @k(%arg0: i32, %arg1: i32, %arg2: memref<10000x128xf32, #tpu.memory_space<hbm>>, %arg3: memref<10000x128xf32, #tpu.memory_space<hbm>>, %arg4: memref<2560x128xi32, #tpu.memory_space<hbm>>, %arg5: memref<2560x128xi32, #tpu.memory_space<hbm>>, %arg6: memref<327680x128xf32, #tpu.memory_space<hbm>>, %arg7: memref<80x128xi32, #tpu.memory_space<vmem>>, %arg8: memref<80x128xi32, #tpu.memory_space<vmem>>, %arg9: memref<128x128xf32, #tpu.memory_space<vmem>>, %arg10: memref<128x128xf32, #tpu.memory_space<vmem>>, %arg11: memref<!tpu.dma_semaphore, #tpu.memory_space<semaphore_mem>>, %arg12: memref<!tpu.dma_semaphore, #tpu.memory_space<semaphore_mem>>) attributes {dimension_semantics = [#tpu.dimension_semantics<core_parallel>, #tpu.dimension_semantics<subcore_parallel>], iteration_bounds = array<i64: 2, 16>, scalar_prefetch = 0 : i64, scratch_operands = 6 : i64, tpu.core_type = #tpu.core_type<sc_vector_subcore>, window_params = [{transform_indices = #map}, {transform_indices = #map}, {transform_indices = #map}, {transform_indices = #map}, {transform_indices = #map}]} {
    %mul3A = arith.constant 2 : i32
    %mul3A_0 = arith.muli %arg1, %mul3A : i32
    %add3A = arith.addi %mul3A_0, %arg0 : i32
    %mul3A_1 = arith.constant 80 : i32
    %mul3A_2 = arith.muli %add3A, %mul3A_1 : i32
    "tpu.region"() ({
      %run_scoped3A = tpu.sem_alloc : memref<!tpu.dma_semaphore, #tpu.memory_space<semaphore_mem>>
      %dma_start3A = arith.constant 0 : i32
      %dma_start3A_11 = tpu.memref_slice %arg4[%mul3A_2, %dma_start3A] : memref<2560x128xi32, #tpu.memory_space<hbm>> -> memref<80x128xi32, #tpu.memory_space<hbm>>
      %dma_start3A_12 = arith.constant 0 : i32
      %dma_start3A_13 = tpu.memref_slice %arg4[%mul3A_2, %dma_start3A_12] : memref<2560x128xi32, #tpu.memory_space<hbm>> -> memref<80x128xi32, #tpu.memory_space<hbm>>
      tpu.enqueue_dma source(%dma_start3A_13 : memref<80x128xi32, #tpu.memory_space<hbm>>) target(%arg7 : memref<80x128xi32, #tpu.memory_space<vmem>>) target_semaphore(%run_scoped3A : memref<!tpu.dma_semaphore, #tpu.memory_space<semaphore_mem>>)
      %dma_wait3A = arith.constant 0 : i32
      %dma_wait3A_14 = tpu.memref_slice %arg4[%mul3A_2, %dma_wait3A] : memref<2560x128xi32, #tpu.memory_space<hbm>> -> memref<80x128xi32, #tpu.memory_space<hbm>>
      %dma_wait3A_15 = arith.constant 0 : i32
      %dma_wait3A_16 = tpu.memref_slice %arg4[%mul3A_2, %dma_wait3A_15] : memref<2560x128xi32, #tpu.memory_space<hbm>> -> memref<80x128xi32, #tpu.memory_space<hbm>>
      tpu.wait_dma2 semaphore(%run_scoped3A : memref<!tpu.dma_semaphore, #tpu.memory_space<semaphore_mem>>) src(%dma_wait3A_16 : memref<80x128xi32, #tpu.memory_space<hbm>>) dst(%arg7 : memref<80x128xi32, #tpu.memory_space<vmem>>)
      tpu.yield
    }) : () -> ()
    %mul3A_3 = arith.constant 80 : i32
    %mul3A_4 = arith.muli %add3A, %mul3A_3 : i32
    "tpu.region"() ({
      %run_scoped3A = tpu.sem_alloc : memref<!tpu.dma_semaphore, #tpu.memory_space<semaphore_mem>>
      %dma_start3A = arith.constant 0 : i32
      %dma_start3A_11 = tpu.memref_slice %arg5[%mul3A_4, %dma_start3A] : memref<2560x128xi32, #tpu.memory_space<hbm>> -> memref<80x128xi32, #tpu.memory_space<hbm>>
      %dma_start3A_12 = arith.constant 0 : i32
      %dma_start3A_13 = tpu.memref_slice %arg5[%mul3A_4, %dma_start3A_12] : memref<2560x128xi32, #tpu.memory_space<hbm>> -> memref<80x128xi32, #tpu.memory_space<hbm>>
      tpu.enqueue_dma source(%dma_start3A_13 : memref<80x128xi32, #tpu.memory_space<hbm>>) target(%arg8 : memref<80x128xi32, #tpu.memory_space<vmem>>) target_semaphore(%run_scoped3A : memref<!tpu.dma_semaphore, #tpu.memory_space<semaphore_mem>>)
      %dma_wait3A = arith.constant 0 : i32
      %dma_wait3A_14 = tpu.memref_slice %arg5[%mul3A_4, %dma_wait3A] : memref<2560x128xi32, #tpu.memory_space<hbm>> -> memref<80x128xi32, #tpu.memory_space<hbm>>
      %dma_wait3A_15 = arith.constant 0 : i32
      %dma_wait3A_16 = tpu.memref_slice %arg5[%mul3A_4, %dma_wait3A_15] : memref<2560x128xi32, #tpu.memory_space<hbm>> -> memref<80x128xi32, #tpu.memory_space<hbm>>
      tpu.wait_dma2 semaphore(%run_scoped3A : memref<!tpu.dma_semaphore, #tpu.memory_space<semaphore_mem>>) src(%dma_wait3A_16 : memref<80x128xi32, #tpu.memory_space<hbm>>) dst(%arg8 : memref<80x128xi32, #tpu.memory_space<vmem>>)
      tpu.yield
    }) : () -> ()
    %scan3A = arith.constant 0 : i32
    %scan3A_5 = arith.constant 0 : i32
    %scan3A_6 = arith.constant 80 : i32
    %scan3A_7 = arith.addi %scan3A_5, %scan3A_6 : i32
    %scan3A_8 = arith.constant 1 : i32
    %scan3A_9 = scf.for %scan3A_11 = %scan3A_5 to %scan3A_7 step %scan3A_8 iter_args(%scan3A_12 = %scan3A) -> (i32)  : i32 {
      %dma_start3A = arith.constant 0 : i32
      %dma_start3A_13 = tpu.memref_slice %arg7[%scan3A_11, %dma_start3A] : memref<80x128xi32, #tpu.memory_space<vmem>> -> memref<1x128xi32, #tpu.memory_space<vmem>>
      %dma_start3A_14 = tpu.memref_squeeze %dma_start3A_13 : memref<1x128xi32, #tpu.memory_space<vmem>> -> memref<128xi32, #tpu.memory_space<vmem>>
      %dma_start3A_15 = arith.constant 0 : i32
      %dma_start3A_16 = arith.constant 0 : i32
      %dma_start3A_17 = tpu.memref_slice %arg2[%dma_start3A_15, %dma_start3A_16] : memref<10000x128xf32, #tpu.memory_space<hbm>> -> memref<10000x128xf32, #tpu.memory_space<hbm>>
      tpu.enqueue_indirect_dma source(%dma_start3A_17 : memref<10000x128xf32, #tpu.memory_space<hbm>>) target(%arg9 : memref<128x128xf32, #tpu.memory_space<vmem>>) offsets(%dma_start3A_14 : memref<128xi32, #tpu.memory_space<vmem>>) semaphore(%arg11 : memref<!tpu.dma_semaphore, #tpu.memory_space<semaphore_mem>>)
      %dma_start3A_18 = arith.constant 0 : i32
      %dma_start3A_19 = tpu.memref_slice %arg8[%scan3A_11, %dma_start3A_18] : memref<80x128xi32, #tpu.memory_space<vmem>> -> memref<1x128xi32, #tpu.memory_space<vmem>>
      %dma_start3A_20 = tpu.memref_squeeze %dma_start3A_19 : memref<1x128xi32, #tpu.memory_space<vmem>> -> memref<128xi32, #tpu.memory_space<vmem>>
      %dma_start3A_21 = arith.constant 0 : i32
      %dma_start3A_22 = arith.constant 0 : i32
      %dma_start3A_23 = tpu.memref_slice %arg3[%dma_start3A_21, %dma_start3A_22] : memref<10000x128xf32, #tpu.memory_space<hbm>> -> memref<10000x128xf32, #tpu.memory_space<hbm>>
      tpu.enqueue_indirect_dma source(%dma_start3A_23 : memref<10000x128xf32, #tpu.memory_space<hbm>>) target(%arg10 : memref<128x128xf32, #tpu.memory_space<vmem>>) offsets(%dma_start3A_20 : memref<128xi32, #tpu.memory_space<vmem>>) semaphore(%arg12 : memref<!tpu.dma_semaphore, #tpu.memory_space<semaphore_mem>>)
      %dma_wait3A = arith.constant 0 : i32
      %dma_wait3A_24 = tpu.memref_slice %arg7[%scan3A_11, %dma_wait3A] : memref<80x128xi32, #tpu.memory_space<vmem>> -> memref<1x128xi32, #tpu.memory_space<vmem>>
      %dma_wait3A_25 = tpu.memref_squeeze %dma_wait3A_24 : memref<1x128xi32, #tpu.memory_space<vmem>> -> memref<128xi32, #tpu.memory_space<vmem>>
      %dma_wait3A_26 = arith.constant 0 : i32
      %dma_wait3A_27 = arith.constant 0 : i32
      %dma_wait3A_28 = tpu.memref_slice %arg2[%dma_wait3A_26, %dma_wait3A_27] : memref<10000x128xf32, #tpu.memory_space<hbm>> -> memref<10000x128xf32, #tpu.memory_space<hbm>>
      tpu.wait_indirect_dma semaphore(%arg11 : memref<!tpu.dma_semaphore, #tpu.memory_space<semaphore_mem>>) src(%dma_wait3A_28 : memref<10000x128xf32, #tpu.memory_space<hbm>>) dst(%arg9 : memref<128x128xf32, #tpu.memory_space<vmem>>)
      %dma_wait3A_29 = arith.constant 0 : i32
      %dma_wait3A_30 = tpu.memref_slice %arg8[%scan3A_11, %dma_wait3A_29] : memref<80x128xi32, #tpu.memory_space<vmem>> -> memref<1x128xi32, #tpu.memory_space<vmem>>
      %dma_wait3A_31 = tpu.memref_squeeze %dma_wait3A_30 : memref<1x128xi32, #tpu.memory_space<vmem>> -> memref<128xi32, #tpu.memory_space<vmem>>
      %dma_wait3A_32 = arith.constant 0 : i32
      %dma_wait3A_33 = arith.constant 0 : i32
      %dma_wait3A_34 = tpu.memref_slice %arg3[%dma_wait3A_32, %dma_wait3A_33] : memref<10000x128xf32, #tpu.memory_space<hbm>> -> memref<10000x128xf32, #tpu.memory_space<hbm>>
      tpu.wait_indirect_dma semaphore(%arg12 : memref<!tpu.dma_semaphore, #tpu.memory_space<semaphore_mem>>) src(%dma_wait3A_34 : memref<10000x128xf32, #tpu.memory_space<hbm>>) dst(%arg10 : memref<128x128xf32, #tpu.memory_space<vmem>>)
      %scan3A_35 = arith.constant 0 : i32
      %scan3A_36 = arith.constant 0 : i32
      %scan3A_37 = arith.constant 128 : i32
      %scan3A_38 = arith.addi %scan3A_36, %scan3A_37 : i32
      %scan3A_39 = arith.constant 1 : i32
      %scan3A_40 = scf.for %scan3A_48 = %scan3A_36 to %scan3A_38 step %scan3A_39 iter_args(%scan3A_49 = %scan3A_35) -> (i32)  : i32 {
        %get3A = arith.index_cast %scan3A_48 : i32 to index
        %get3A_50 = arith.constant 0 : index
        %get3A_51 = tpu.vector_load %arg9[%get3A, %get3A_50] {strides = array<i32>} : memref<128x128xf32, #tpu.memory_space<vmem>>, vector<1x16xf32>,
        %get3A_52 = vector.shape_cast %get3A_51 : vector<1x16xf32> to vector<16xf32>
        %get3A_53 = arith.index_cast %scan3A_48 : i32 to index
        %get3A_54 = arith.constant 0 : index
        %get3A_55 = tpu.vector_load %arg10[%get3A_53, %get3A_54] {strides = array<i32>} : memref<128x128xf32, #tpu.memory_space<vmem>>, vector<1x16xf32>,
        %get3A_56 = vector.shape_cast %get3A_55 : vector<1x16xf32> to vector<16xf32>
        %add3A_57 = arith.addf %get3A_52, %get3A_56 : vector<16xf32>
        %swap3A = arith.index_cast %scan3A_48 : i32 to index
        %swap3A_58 = arith.constant 0 : index
        %swap3A_59 = tpu.vector_load %arg9[%swap3A, %swap3A_58] {strides = array<i32>} : memref<128x128xf32, #tpu.memory_space<vmem>>, vector<1x16xf32>,
        %swap3A_60 = vector.shape_cast %swap3A_59 : vector<1x16xf32> to vector<16xf32>
        %swap3A_61 = vector.shape_cast %add3A_57 : vector<16xf32> to vector<1x16xf32>
        tpu.vector_store %arg9[%swap3A, %swap3A_58], %swap3A_61 {strides = array<i32>} : memref<128x128xf32, #tpu.memory_space<vmem>>, vector<1x16xf32>,
        %get3A_62 = arith.index_cast %scan3A_48 : i32 to index
        %get3A_63 = arith.constant 16 : index
        %get3A_64 = tpu.vector_load %arg9[%get3A_62, %get3A_63] {strides = array<i32>} : memref<128x128xf32, #tpu.memory_space<vmem>>, vector<1x16xf32>,
        %get3A_65 = vector.shape_cast %get3A_64 : vector<1x16xf32> to vector<16xf32>
        %get3A_66 = arith.index_cast %scan3A_48 : i32 to index
        %get3A_67 = arith.constant 16 : index
        %get3A_68 = tpu.vector_load %arg10[%get3A_66, %get3A_67] {strides = array<i32>} : memref<128x128xf32, #tpu.memory_space<vmem>>, vector<1x16xf32>,
        %get3A_69 = vector.shape_cast %get3A_68 : vector<1x16xf32> to vector<16xf32>
        %add3A_70 = arith.addf %get3A_65, %get3A_69 : vector<16xf32>
        %swap3A_71 = arith.index_cast %scan3A_48 : i32 to index
        %swap3A_72 = arith.constant 16 : index
        %swap3A_73 = tpu.vector_load %arg9[%swap3A_71, %swap3A_72] {strides = array<i32>} : memref<128x128xf32, #tpu.memory_space<vmem>>, vector<1x16xf32>,
        %swap3A_74 = vector.shape_cast %swap3A_73 : vector<1x16xf32> to vector<16xf32>
        %swap3A_75 = vector.shape_cast %add3A_70 : vector<16xf32> to vector<1x16xf32>
        tpu.vector_store %arg9[%swap3A_71, %swap3A_72], %swap3A_75 {strides = array<i32>} : memref<128x128xf32, #tpu.memory_space<vmem>>, vector<1x16xf32>,
        %get3A_76 = arith.index_cast %scan3A_48 : i32 to index
        %get3A_77 = arith.constant 32 : index
        %get3A_78 = tpu.vector_load %arg9[%get3A_76, %get3A_77] {strides = array<i32>} : memref<128x128xf32, #tpu.memory_space<vmem>>, vector<1x16xf32>,
        %get3A_79 = vector.shape_cast %get3A_78 : vector<1x16xf32> to vector<16xf32>
        %get3A_80 = arith.index_cast %scan3A_48 : i32 to index
        %get3A_81 = arith.constant 32 : index
        %get3A_82 = tpu.vector_load %arg10[%get3A_80, %get3A_81] {strides = array<i32>} : memref<128x128xf32, #tpu.memory_space<vmem>>, vector<1x16xf32>,
        %get3A_83 = vector.shape_cast %get3A_82 : vector<1x16xf32> to vector<16xf32>
        %add3A_84 = arith.addf %get3A_79, %get3A_83 : vector<16xf32>
        %swap3A_85 = arith.index_cast %scan3A_48 : i32 to index
        %swap3A_86 = arith.constant 32 : index
        %swap3A_87 = tpu.vector_load %arg9[%swap3A_85, %swap3A_86] {strides = array<i32>} : memref<128x128xf32, #tpu.memory_space<vmem>>, vector<1x16xf32>,
        %swap3A_88 = vector.shape_cast %swap3A_87 : vector<1x16xf32> to vector<16xf32>
        %swap3A_89 = vector.shape_cast %add3A_84 : vector<16xf32> to vector<1x16xf32>
        tpu.vector_store %arg9[%swap3A_85, %swap3A_86], %swap3A_89 {strides = array<i32>} : memref<128x128xf32, #tpu.memory_space<vmem>>, vector<1x16xf32>,
        %get3A_90 = arith.index_cast %scan3A_48 : i32 to index
        %get3A_91 = arith.constant 48 : index
        %get3A_92 = tpu.vector_load %arg9[%get3A_90, %get3A_91] {strides = array<i32>} : memref<128x128xf32, #tpu.memory_space<vmem>>, vector<1x16xf32>,
        %get3A_93 = vector.shape_cast %get3A_92 : vector<1x16xf32> to vector<16xf32>
        %get3A_94 = arith.index_cast %scan3A_48 : i32 to index
        %get3A_95 = arith.constant 48 : index
        %get3A_96 = tpu.vector_load %arg10[%get3A_94, %get3A_95] {strides = array<i32>} : memref<128x128xf32, #tpu.memory_space<vmem>>, vector<1x16xf32>,
        %get3A_97 = vector.shape_cast %get3A_96 : vector<1x16xf32> to vector<16xf32>
        %add3A_98 = arith.addf %get3A_93, %get3A_97 : vector<16xf32>
        %swap3A_99 = arith.index_cast %scan3A_48 : i32 to index
        %swap3A_100 = arith.constant 48 : index
        %swap3A_101 = tpu.vector_load %arg9[%swap3A_99, %swap3A_100] {strides = array<i32>} : memref<128x128xf32, #tpu.memory_space<vmem>>, vector<1x16xf32>,
        %swap3A_102 = vector.shape_cast %swap3A_101 : vector<1x16xf32> to vector<16xf32>
        %swap3A_103 = vector.shape_cast %add3A_98 : vector<16xf32> to vector<1x16xf32>
        tpu.vector_store %arg9[%swap3A_99, %swap3A_100], %swap3A_103 {strides = array<i32>} : memref<128x128xf32, #tpu.memory_space<vmem>>, vector<1x16xf32>,
        %get3A_104 = arith.index_cast %scan3A_48 : i32 to index
        %get3A_105 = arith.constant 64 : index
        %get3A_106 = tpu.vector_load %arg9[%get3A_104, %get3A_105] {strides = array<i32>} : memref<128x128xf32, #tpu.memory_space<vmem>>, vector<1x16xf32>,
        %get3A_107 = vector.shape_cast %get3A_106 : vector<1x16xf32> to vector<16xf32>
        %get3A_108 = arith.index_cast %scan3A_48 : i32 to index
        %get3A_109 = arith.constant 64 : index
        %get3A_110 = tpu.vector_load %arg10[%get3A_108, %get3A_109] {strides = array<i32>} : memref<128x128xf32, #tpu.memory_space<vmem>>, vector<1x16xf32>,
        %get3A_111 = vector.shape_cast %get3A_110 : vector<1x16xf32> to vector<16xf32>
        %add3A_112 = arith.addf %get3A_107, %get3A_111 : vector<16xf32>
        %swap3A_113 = arith.index_cast %scan3A_48 : i32 to index
        %swap3A_114 = arith.constant 64 : index
        %swap3A_115 = tpu.vector_load %arg9[%swap3A_113, %swap3A_114] {strides = array<i32>} : memref<128x128xf32, #tpu.memory_space<vmem>>, vector<1x16xf32>,
        %swap3A_116 = vector.shape_cast %swap3A_115 : vector<1x16xf32> to vector<16xf32>
        %swap3A_117 = vector.shape_cast %add3A_112 : vector<16xf32> to vector<1x16xf32>
        tpu.vector_store %arg9[%swap3A_113, %swap3A_114], %swap3A_117 {strides = array<i32>} : memref<128x128xf32, #tpu.memory_space<vmem>>, vector<1x16xf32>,
        %get3A_118 = arith.index_cast %scan3A_48 : i32 to index
        %get3A_119 = arith.constant 80 : index
        %get3A_120 = tpu.vector_load %arg9[%get3A_118, %get3A_119] {strides = array<i32>} : memref<128x128xf32, #tpu.memory_space<vmem>>, vector<1x16xf32>,
        %get3A_121 = vector.shape_cast %get3A_120 : vector<1x16xf32> to vector<16xf32>
        %get3A_122 = arith.index_cast %scan3A_48 : i32 to index
        %get3A_123 = arith.constant 80 : index
        %get3A_124 = tpu.vector_load %arg10[%get3A_122, %get3A_123] {strides = array<i32>} : memref<128x128xf32, #tpu.memory_space<vmem>>, vector<1x16xf32>,
        %get3A_125 = vector.shape_cast %get3A_124 : vector<1x16xf32> to vector<16xf32>
        %add3A_126 = arith.addf %get3A_121, %get3A_125 : vector<16xf32>
        %swap3A_127 = arith.index_cast %scan3A_48 : i32 to index
        %swap3A_128 = arith.constant 80 : index
        %swap3A_129 = tpu.vector_load %arg9[%swap3A_127, %swap3A_128] {strides = array<i32>} : memref<128x128xf32, #tpu.memory_space<vmem>>, vector<1x16xf32>,
        %swap3A_130 = vector.shape_cast %swap3A_129 : vector<1x16xf32> to vector<16xf32>
        %swap3A_131 = vector.shape_cast %add3A_126 : vector<16xf32> to vector<1x16xf32>
        tpu.vector_store %arg9[%swap3A_127, %swap3A_128], %swap3A_131 {strides = array<i32>} : memref<128x128xf32, #tpu.memory_space<vmem>>, vector<1x16xf32>,
        %get3A_132 = arith.index_cast %scan3A_48 : i32 to index
        %get3A_133 = arith.constant 96 : index
        %get3A_134 = tpu.vector_load %arg9[%get3A_132, %get3A_133] {strides = array<i32>} : memref<128x128xf32, #tpu.memory_space<vmem>>, vector<1x16xf32>,
        %get3A_135 = vector.shape_cast %get3A_134 : vector<1x16xf32> to vector<16xf32>
        %get3A_136 = arith.index_cast %scan3A_48 : i32 to index
        %get3A_137 = arith.constant 96 : index
        %get3A_138 = tpu.vector_load %arg10[%get3A_136, %get3A_137] {strides = array<i32>} : memref<128x128xf32, #tpu.memory_space<vmem>>, vector<1x16xf32>,
        %get3A_139 = vector.shape_cast %get3A_138 : vector<1x16xf32> to vector<16xf32>
        %add3A_140 = arith.addf %get3A_135, %get3A_139 : vector<16xf32>
        %swap3A_141 = arith.index_cast %scan3A_48 : i32 to index
        %swap3A_142 = arith.constant 96 : index
        %swap3A_143 = tpu.vector_load %arg9[%swap3A_141, %swap3A_142] {strides = array<i32>} : memref<128x128xf32, #tpu.memory_space<vmem>>, vector<1x16xf32>,
        %swap3A_144 = vector.shape_cast %swap3A_143 : vector<1x16xf32> to vector<16xf32>
        %swap3A_145 = vector.shape_cast %add3A_140 : vector<16xf32> to vector<1x16xf32>
        tpu.vector_store %arg9[%swap3A_141, %swap3A_142], %swap3A_145 {strides = array<i32>} : memref<128x128xf32, #tpu.memory_space<vmem>>, vector<1x16xf32>,
        %get3A_146 = arith.index_cast %scan3A_48 : i32 to index
        %get3A_147 = arith.constant 112 : index
        %get3A_148 = tpu.vector_load %arg9[%get3A_146, %get3A_147] {strides = array<i32>} : memref<128x128xf32, #tpu.memory_space<vmem>>, vector<1x16xf32>,
        %get3A_149 = vector.shape_cast %get3A_148 : vector<1x16xf32> to vector<16xf32>
        %get3A_150 = arith.index_cast %scan3A_48 : i32 to index
        %get3A_151 = arith.constant 112 : index
        %get3A_152 = tpu.vector_load %arg10[%get3A_150, %get3A_151] {strides = array<i32>} : memref<128x128xf32, #tpu.memory_space<vmem>>, vector<1x16xf32>,
        %get3A_153 = vector.shape_cast %get3A_152 : vector<1x16xf32> to vector<16xf32>
        %add3A_154 = arith.addf %get3A_149, %get3A_153 : vector<16xf32>
        %swap3A_155 = arith.index_cast %scan3A_48 : i32 to index
        %swap3A_156 = arith.constant 112 : index
        %swap3A_157 = tpu.vector_load %arg9[%swap3A_155, %swap3A_156] {strides = array<i32>} : memref<128x128xf32, #tpu.memory_space<vmem>>, vector<1x16xf32>,
        %swap3A_158 = vector.shape_cast %swap3A_157 : vector<1x16xf32> to vector<16xf32>
        %swap3A_159 = vector.shape_cast %add3A_154 : vector<16xf32> to vector<1x16xf32>
        tpu.vector_store %arg9[%swap3A_155, %swap3A_156], %swap3A_159 {strides = array<i32>} : memref<128x128xf32, #tpu.memory_space<vmem>>, vector<1x16xf32>,
        %scan3A_160 = arith.constant 0 : i32
        scf.yield %scan3A_160 : i32
      }
      %scan3A_41 = arith.constant 128 : i32
      %mul3A_42 = arith.constant 80 : i32
      %mul3A_43 = arith.muli %add3A, %mul3A_42 : i32
      %add3A_44 = arith.addi %mul3A_43, %scan3A_11 : i32
      %mul3A_45 = arith.constant 128 : i32
      %mul3A_46 = arith.muli %add3A_44, %mul3A_45 : i32
      "tpu.region"() ({
        %run_scoped3A = tpu.sem_alloc : memref<!tpu.dma_semaphore, #tpu.memory_space<semaphore_mem>>
        %dma_start3A_48 = arith.constant 0 : i32
        %dma_start3A_49 = tpu.memref_slice %arg6[%mul3A_46, %dma_start3A_48] : memref<327680x128xf32, #tpu.memory_space<hbm>> -> memref<128x128xf32, #tpu.memory_space<hbm>>
        %dma_start3A_50 = arith.constant 0 : i32
        %dma_start3A_51 = tpu.memref_slice %arg6[%mul3A_46, %dma_start3A_50] : memref<327680x128xf32, #tpu.memory_space<hbm>> -> memref<128x128xf32, #tpu.memory_space<hbm>>
        tpu.enqueue_dma source(%arg9 : memref<128x128xf32, #tpu.memory_space<vmem>>) target(%dma_start3A_51 : memref<128x128xf32, #tpu.memory_space<hbm>>) target_semaphore(%run_scoped3A : memref<!tpu.dma_semaphore, #tpu.memory_space<semaphore_mem>>)
        %dma_wait3A_52 = arith.constant 0 : i32
        %dma_wait3A_53 = tpu.memref_slice %arg6[%mul3A_46, %dma_wait3A_52] : memref<327680x128xf32, #tpu.memory_space<hbm>> -> memref<128x128xf32, #tpu.memory_space<hbm>>
        %dma_wait3A_54 = arith.constant 0 : i32
        %dma_wait3A_55 = tpu.memref_slice %arg6[%mul3A_46, %dma_wait3A_54] : memref<327680x128xf32, #tpu.memory_space<hbm>> -> memref<128x128xf32, #tpu.memory_space<hbm>>
        tpu.wait_dma2 semaphore(%run_scoped3A : memref<!tpu.dma_semaphore, #tpu.memory_space<semaphore_mem>>) src(%arg9 : memref<128x128xf32, #tpu.memory_space<vmem>>) dst(%dma_wait3A_55 : memref<128x128xf32, #tpu.memory_space<hbm>>)
        tpu.yield
      }) : () -> ()
      %scan3A_47 = arith.constant 0 : i32
      scf.yield %scan3A_47 : i32
    }
    %scan3A_10 = arith.constant 80 : i32
    return
  }
}

#map = affine_map<(d0, d1) -> (0)>
#map1 = affine_map<(d0, d1) -> (0, 0)>
module attributes {stable_mosaic.version = 14 : i64} {
  func.func @k(%arg0: i32, %arg1: i32, %arg2: memref<10000xf32, #tpu.memory_space<hbm>>, %arg3: memref<10000xf32, #tpu.memory_space<hbm>>, %arg4: memref<10000xf32, #tpu.memory_space<hbm>>, %arg5: memref<2560x128xi32, #tpu.memory_space<hbm>>, %arg6: memref<2560x128xi32, #tpu.memory_space<hbm>>, %arg7: memref<327680xf32, #tpu.memory_space<hbm>>, %arg8: memref<10000xf32, #tpu.memory_space<vmem>>, %arg9: memref<10000xf32, #tpu.memory_space<vmem>>, %arg10: memref<10000xf32, #tpu.memory_space<vmem>>, %arg11: memref<80x128xi32, #tpu.memory_space<vmem>>, %arg12: memref<80x128xi32, #tpu.memory_space<vmem>>, %arg13: memref<10240xf32, #tpu.memory_space<vmem>>) attributes {dimension_semantics = [#tpu.dimension_semantics<core_parallel>, #tpu.dimension_semantics<subcore_parallel>], iteration_bounds = array<i64: 2, 16>, scalar_prefetch = 0 : i64, scratch_operands = 6 : i64, tpu.core_type = #tpu.core_type<sc_vector_subcore>, window_params = [{transform_indices = #map}, {transform_indices = #map}, {transform_indices = #map}, {transform_indices = #map1}, {transform_indices = #map1}, {transform_indices = #map}]} {
    %mul3A = arith.constant 2 : i32
    %mul3A_0 = arith.muli %arg1, %mul3A : i32
    %add3A = arith.addi %mul3A_0, %arg0 : i32
    "tpu.region"() ({
      %run_scoped3A = tpu.sem_alloc : memref<!tpu.dma_semaphore, #tpu.memory_space<semaphore_mem>>
      tpu.enqueue_dma source(%arg2 : memref<10000xf32, #tpu.memory_space<hbm>>) target(%arg8 : memref<10000xf32, #tpu.memory_space<vmem>>) target_semaphore(%run_scoped3A : memref<!tpu.dma_semaphore, #tpu.memory_space<semaphore_mem>>)
      tpu.wait_dma2 semaphore(%run_scoped3A : memref<!tpu.dma_semaphore, #tpu.memory_space<semaphore_mem>>) src(%arg2 : memref<10000xf32, #tpu.memory_space<hbm>>) dst(%arg8 : memref<10000xf32, #tpu.memory_space<vmem>>)
      tpu.yield
    }) : () -> ()
    "tpu.region"() ({
      %run_scoped3A = tpu.sem_alloc : memref<!tpu.dma_semaphore, #tpu.memory_space<semaphore_mem>>
      tpu.enqueue_dma source(%arg3 : memref<10000xf32, #tpu.memory_space<hbm>>) target(%arg9 : memref<10000xf32, #tpu.memory_space<vmem>>) target_semaphore(%run_scoped3A : memref<!tpu.dma_semaphore, #tpu.memory_space<semaphore_mem>>)
      tpu.wait_dma2 semaphore(%run_scoped3A : memref<!tpu.dma_semaphore, #tpu.memory_space<semaphore_mem>>) src(%arg3 : memref<10000xf32, #tpu.memory_space<hbm>>) dst(%arg9 : memref<10000xf32, #tpu.memory_space<vmem>>)
      tpu.yield
    }) : () -> ()
    "tpu.region"() ({
      %run_scoped3A = tpu.sem_alloc : memref<!tpu.dma_semaphore, #tpu.memory_space<semaphore_mem>>
      tpu.enqueue_dma source(%arg4 : memref<10000xf32, #tpu.memory_space<hbm>>) target(%arg10 : memref<10000xf32, #tpu.memory_space<vmem>>) target_semaphore(%run_scoped3A : memref<!tpu.dma_semaphore, #tpu.memory_space<semaphore_mem>>)
      tpu.wait_dma2 semaphore(%run_scoped3A : memref<!tpu.dma_semaphore, #tpu.memory_space<semaphore_mem>>) src(%arg4 : memref<10000xf32, #tpu.memory_space<hbm>>) dst(%arg10 : memref<10000xf32, #tpu.memory_space<vmem>>)
      tpu.yield
    }) : () -> ()
    %mul3A_1 = arith.constant 80 : i32
    %mul3A_2 = arith.muli %add3A, %mul3A_1 : i32
    "tpu.region"() ({
      %run_scoped3A = tpu.sem_alloc : memref<!tpu.dma_semaphore, #tpu.memory_space<semaphore_mem>>
      %dma_start3A = arith.constant 0 : i32
      %dma_start3A_13 = tpu.memref_slice %arg5[%mul3A_2, %dma_start3A] : memref<2560x128xi32, #tpu.memory_space<hbm>> -> memref<80x128xi32, #tpu.memory_space<hbm>>
      %dma_start3A_14 = arith.constant 0 : i32
      %dma_start3A_15 = tpu.memref_slice %arg5[%mul3A_2, %dma_start3A_14] : memref<2560x128xi32, #tpu.memory_space<hbm>> -> memref<80x128xi32, #tpu.memory_space<hbm>>
      tpu.enqueue_dma source(%dma_start3A_15 : memref<80x128xi32, #tpu.memory_space<hbm>>) target(%arg11 : memref<80x128xi32, #tpu.memory_space<vmem>>) target_semaphore(%run_scoped3A : memref<!tpu.dma_semaphore, #tpu.memory_space<semaphore_mem>>)
      %dma_wait3A = arith.constant 0 : i32
      %dma_wait3A_16 = tpu.memref_slice %arg5[%mul3A_2, %dma_wait3A] : memref<2560x128xi32, #tpu.memory_space<hbm>> -> memref<80x128xi32, #tpu.memory_space<hbm>>
      %dma_wait3A_17 = arith.constant 0 : i32
      %dma_wait3A_18 = tpu.memref_slice %arg5[%mul3A_2, %dma_wait3A_17] : memref<2560x128xi32, #tpu.memory_space<hbm>> -> memref<80x128xi32, #tpu.memory_space<hbm>>
      tpu.wait_dma2 semaphore(%run_scoped3A : memref<!tpu.dma_semaphore, #tpu.memory_space<semaphore_mem>>) src(%dma_wait3A_18 : memref<80x128xi32, #tpu.memory_space<hbm>>) dst(%arg11 : memref<80x128xi32, #tpu.memory_space<vmem>>)
      tpu.yield
    }) : () -> ()
    %mul3A_3 = arith.constant 80 : i32
    %mul3A_4 = arith.muli %add3A, %mul3A_3 : i32
    "tpu.region"() ({
      %run_scoped3A = tpu.sem_alloc : memref<!tpu.dma_semaphore, #tpu.memory_space<semaphore_mem>>
      %dma_start3A = arith.constant 0 : i32
      %dma_start3A_13 = tpu.memref_slice %arg6[%mul3A_4, %dma_start3A] : memref<2560x128xi32, #tpu.memory_space<hbm>> -> memref<80x128xi32, #tpu.memory_space<hbm>>
      %dma_start3A_14 = arith.constant 0 : i32
      %dma_start3A_15 = tpu.memref_slice %arg6[%mul3A_4, %dma_start3A_14] : memref<2560x128xi32, #tpu.memory_space<hbm>> -> memref<80x128xi32, #tpu.memory_space<hbm>>
      tpu.enqueue_dma source(%dma_start3A_15 : memref<80x128xi32, #tpu.memory_space<hbm>>) target(%arg12 : memref<80x128xi32, #tpu.memory_space<vmem>>) target_semaphore(%run_scoped3A : memref<!tpu.dma_semaphore, #tpu.memory_space<semaphore_mem>>)
      %dma_wait3A = arith.constant 0 : i32
      %dma_wait3A_16 = tpu.memref_slice %arg6[%mul3A_4, %dma_wait3A] : memref<2560x128xi32, #tpu.memory_space<hbm>> -> memref<80x128xi32, #tpu.memory_space<hbm>>
      %dma_wait3A_17 = arith.constant 0 : i32
      %dma_wait3A_18 = tpu.memref_slice %arg6[%mul3A_4, %dma_wait3A_17] : memref<2560x128xi32, #tpu.memory_space<hbm>> -> memref<80x128xi32, #tpu.memory_space<hbm>>
      tpu.wait_dma2 semaphore(%run_scoped3A : memref<!tpu.dma_semaphore, #tpu.memory_space<semaphore_mem>>) src(%dma_wait3A_18 : memref<80x128xi32, #tpu.memory_space<hbm>>) dst(%arg12 : memref<80x128xi32, #tpu.memory_space<vmem>>)
      tpu.yield
    }) : () -> ()
    %scan3A = arith.constant 0 : i32
    %scan3A_5 = arith.constant 0 : i32
    %scan3A_6 = arith.constant 80 : i32
    %scan3A_7 = arith.addi %scan3A_5, %scan3A_6 : i32
    %scan3A_8 = arith.constant 1 : i32
    %scan3A_9 = scf.for %scan3A_13 = %scan3A_5 to %scan3A_7 step %scan3A_8 iter_args(%scan3A_14 = %scan3A) -> (i32)  : i32 {
      %get3A = arith.index_cast %scan3A_13 : i32 to index
      %get3A_15 = arith.constant 0 : index
      %get3A_16 = tpu.vector_load %arg11[%get3A, %get3A_15] {strides = array<i32>} : memref<80x128xi32, #tpu.memory_space<vmem>>, vector<16xi32>,
      %get3A_17 = arith.index_cast %scan3A_13 : i32 to index
      %get3A_18 = arith.constant 0 : index
      %get3A_19 = tpu.vector_load %arg12[%get3A_17, %get3A_18] {strides = array<i32>} : memref<80x128xi32, #tpu.memory_space<vmem>>, vector<16xi32>,
      %broadcast_in_dim3A = arith.constant 0.000000e+00 : f32
      %broadcast_in_dim3A_20 = vector.broadcast %broadcast_in_dim3A : f32 to vector<16xf32>
      %gather3A = tpu.vector_load_idx %arg8[%get3A_16] : memref<10000xf32, #tpu.memory_space<vmem>>[vector<16xi32>], vector<16xf32>,
      %gather3A_21 = tpu.vector_load_idx %arg8[%get3A_19] : memref<10000xf32, #tpu.memory_space<vmem>>[vector<16xi32>], vector<16xf32>,
      %sub3A = arith.subf %gather3A, %gather3A_21 : vector<16xf32>
      %mul3A_22 = arith.mulf %sub3A, %sub3A : vector<16xf32>
      %add3A_23 = arith.addf %broadcast_in_dim3A_20, %mul3A_22 : vector<16xf32>
      %gather3A_24 = tpu.vector_load_idx %arg9[%get3A_16] : memref<10000xf32, #tpu.memory_space<vmem>>[vector<16xi32>], vector<16xf32>,
      %gather3A_25 = tpu.vector_load_idx %arg9[%get3A_19] : memref<10000xf32, #tpu.memory_space<vmem>>[vector<16xi32>], vector<16xf32>,
      %sub3A_26 = arith.subf %gather3A_24, %gather3A_25 : vector<16xf32>
      %mul3A_27 = arith.mulf %sub3A_26, %sub3A_26 : vector<16xf32>
      %add3A_28 = arith.addf %add3A_23, %mul3A_27 : vector<16xf32>
      %gather3A_29 = tpu.vector_load_idx %arg10[%get3A_16] : memref<10000xf32, #tpu.memory_space<vmem>>[vector<16xi32>], vector<16xf32>,
      %gather3A_30 = tpu.vector_load_idx %arg10[%get3A_19] : memref<10000xf32, #tpu.memory_space<vmem>>[vector<16xi32>], vector<16xf32>,
      %sub3A_31 = arith.subf %gather3A_29, %gather3A_30 : vector<16xf32>
      %mul3A_32 = arith.mulf %sub3A_31, %sub3A_31 : vector<16xf32>
      %add3A_33 = arith.addf %add3A_28, %mul3A_32 : vector<16xf32>
      %mul3A_34 = arith.constant 128 : i32
      %mul3A_35 = arith.muli %scan3A_13, %mul3A_34 : i32
      %add3A_36 = arith.constant 0 : i32
      %add3A_37 = arith.addi %mul3A_35, %add3A_36 : i32
      %swap3A = arith.index_cast %add3A_37 : i32 to index
      %swap3A_38 = tpu.vector_load %arg13[%swap3A] {strides = array<i32>} : memref<10240xf32, #tpu.memory_space<vmem>>, vector<16xf32>,
      tpu.vector_store %arg13[%swap3A], %add3A_33 {strides = array<i32>} : memref<10240xf32, #tpu.memory_space<vmem>>, vector<16xf32>,
      %get3A_39 = arith.index_cast %scan3A_13 : i32 to index
      %get3A_40 = arith.constant 16 : index
      %get3A_41 = tpu.vector_load %arg11[%get3A_39, %get3A_40] {strides = array<i32>} : memref<80x128xi32, #tpu.memory_space<vmem>>, vector<16xi32>,
      %get3A_42 = arith.index_cast %scan3A_13 : i32 to index
      %get3A_43 = arith.constant 16 : index
      %get3A_44 = tpu.vector_load %arg12[%get3A_42, %get3A_43] {strides = array<i32>} : memref<80x128xi32, #tpu.memory_space<vmem>>, vector<16xi32>,
      %broadcast_in_dim3A_45 = arith.constant 0.000000e+00 : f32
      %broadcast_in_dim3A_46 = vector.broadcast %broadcast_in_dim3A_45 : f32 to vector<16xf32>
      %gather3A_47 = tpu.vector_load_idx %arg8[%get3A_41] : memref<10000xf32, #tpu.memory_space<vmem>>[vector<16xi32>], vector<16xf32>,
      %gather3A_48 = tpu.vector_load_idx %arg8[%get3A_44] : memref<10000xf32, #tpu.memory_space<vmem>>[vector<16xi32>], vector<16xf32>,
      %sub3A_49 = arith.subf %gather3A_47, %gather3A_48 : vector<16xf32>
      %mul3A_50 = arith.mulf %sub3A_49, %sub3A_49 : vector<16xf32>
      %add3A_51 = arith.addf %broadcast_in_dim3A_46, %mul3A_50 : vector<16xf32>
      %gather3A_52 = tpu.vector_load_idx %arg9[%get3A_41] : memref<10000xf32, #tpu.memory_space<vmem>>[vector<16xi32>], vector<16xf32>,
      %gather3A_53 = tpu.vector_load_idx %arg9[%get3A_44] : memref<10000xf32, #tpu.memory_space<vmem>>[vector<16xi32>], vector<16xf32>,
      %sub3A_54 = arith.subf %gather3A_52, %gather3A_53 : vector<16xf32>
      %mul3A_55 = arith.mulf %sub3A_54, %sub3A_54 : vector<16xf32>
      %add3A_56 = arith.addf %add3A_51, %mul3A_55 : vector<16xf32>
      %gather3A_57 = tpu.vector_load_idx %arg10[%get3A_41] : memref<10000xf32, #tpu.memory_space<vmem>>[vector<16xi32>], vector<16xf32>,
      %gather3A_58 = tpu.vector_load_idx %arg10[%get3A_44] : memref<10000xf32, #tpu.memory_space<vmem>>[vector<16xi32>], vector<16xf32>,
      %sub3A_59 = arith.subf %gather3A_57, %gather3A_58 : vector<16xf32>
      %mul3A_60 = arith.mulf %sub3A_59, %sub3A_59 : vector<16xf32>
      %add3A_61 = arith.addf %add3A_56, %mul3A_60 : vector<16xf32>
      %mul3A_62 = arith.constant 128 : i32
      %mul3A_63 = arith.muli %scan3A_13, %mul3A_62 : i32
      %add3A_64 = arith.constant 16 : i32
      %add3A_65 = arith.addi %mul3A_63, %add3A_64 : i32
      %swap3A_66 = arith.index_cast %add3A_65 : i32 to index
      %swap3A_67 = tpu.vector_load %arg13[%swap3A_66] {strides = array<i32>} : memref<10240xf32, #tpu.memory_space<vmem>>, vector<16xf32>,
      tpu.vector_store %arg13[%swap3A_66], %add3A_61 {strides = array<i32>} : memref<10240xf32, #tpu.memory_space<vmem>>, vector<16xf32>,
      %get3A_68 = arith.index_cast %scan3A_13 : i32 to index
      %get3A_69 = arith.constant 32 : index
      %get3A_70 = tpu.vector_load %arg11[%get3A_68, %get3A_69] {strides = array<i32>} : memref<80x128xi32, #tpu.memory_space<vmem>>, vector<16xi32>,
      %get3A_71 = arith.index_cast %scan3A_13 : i32 to index
      %get3A_72 = arith.constant 32 : index
      %get3A_73 = tpu.vector_load %arg12[%get3A_71, %get3A_72] {strides = array<i32>} : memref<80x128xi32, #tpu.memory_space<vmem>>, vector<16xi32>,
      %broadcast_in_dim3A_74 = arith.constant 0.000000e+00 : f32
      %broadcast_in_dim3A_75 = vector.broadcast %broadcast_in_dim3A_74 : f32 to vector<16xf32>
      %gather3A_76 = tpu.vector_load_idx %arg8[%get3A_70] : memref<10000xf32, #tpu.memory_space<vmem>>[vector<16xi32>], vector<16xf32>,
      %gather3A_77 = tpu.vector_load_idx %arg8[%get3A_73] : memref<10000xf32, #tpu.memory_space<vmem>>[vector<16xi32>], vector<16xf32>,
      %sub3A_78 = arith.subf %gather3A_76, %gather3A_77 : vector<16xf32>
      %mul3A_79 = arith.mulf %sub3A_78, %sub3A_78 : vector<16xf32>
      %add3A_80 = arith.addf %broadcast_in_dim3A_75, %mul3A_79 : vector<16xf32>
      %gather3A_81 = tpu.vector_load_idx %arg9[%get3A_70] : memref<10000xf32, #tpu.memory_space<vmem>>[vector<16xi32>], vector<16xf32>,
      %gather3A_82 = tpu.vector_load_idx %arg9[%get3A_73] : memref<10000xf32, #tpu.memory_space<vmem>>[vector<16xi32>], vector<16xf32>,
      %sub3A_83 = arith.subf %gather3A_81, %gather3A_82 : vector<16xf32>
      %mul3A_84 = arith.mulf %sub3A_83, %sub3A_83 : vector<16xf32>
      %add3A_85 = arith.addf %add3A_80, %mul3A_84 : vector<16xf32>
      %gather3A_86 = tpu.vector_load_idx %arg10[%get3A_70] : memref<10000xf32, #tpu.memory_space<vmem>>[vector<16xi32>], vector<16xf32>,
      %gather3A_87 = tpu.vector_load_idx %arg10[%get3A_73] : memref<10000xf32, #tpu.memory_space<vmem>>[vector<16xi32>], vector<16xf32>,
      %sub3A_88 = arith.subf %gather3A_86, %gather3A_87 : vector<16xf32>
      %mul3A_89 = arith.mulf %sub3A_88, %sub3A_88 : vector<16xf32>
      %add3A_90 = arith.addf %add3A_85, %mul3A_89 : vector<16xf32>
      %mul3A_91 = arith.constant 128 : i32
      %mul3A_92 = arith.muli %scan3A_13, %mul3A_91 : i32
      %add3A_93 = arith.constant 32 : i32
      %add3A_94 = arith.addi %mul3A_92, %add3A_93 : i32
      %swap3A_95 = arith.index_cast %add3A_94 : i32 to index
      %swap3A_96 = tpu.vector_load %arg13[%swap3A_95] {strides = array<i32>} : memref<10240xf32, #tpu.memory_space<vmem>>, vector<16xf32>,
      tpu.vector_store %arg13[%swap3A_95], %add3A_90 {strides = array<i32>} : memref<10240xf32, #tpu.memory_space<vmem>>, vector<16xf32>,
      %get3A_97 = arith.index_cast %scan3A_13 : i32 to index
      %get3A_98 = arith.constant 48 : index
      %get3A_99 = tpu.vector_load %arg11[%get3A_97, %get3A_98] {strides = array<i32>} : memref<80x128xi32, #tpu.memory_space<vmem>>, vector<16xi32>,
      %get3A_100 = arith.index_cast %scan3A_13 : i32 to index
      %get3A_101 = arith.constant 48 : index
      %get3A_102 = tpu.vector_load %arg12[%get3A_100, %get3A_101] {strides = array<i32>} : memref<80x128xi32, #tpu.memory_space<vmem>>, vector<16xi32>,
      %broadcast_in_dim3A_103 = arith.constant 0.000000e+00 : f32
      %broadcast_in_dim3A_104 = vector.broadcast %broadcast_in_dim3A_103 : f32 to vector<16xf32>
      %gather3A_105 = tpu.vector_load_idx %arg8[%get3A_99] : memref<10000xf32, #tpu.memory_space<vmem>>[vector<16xi32>], vector<16xf32>,
      %gather3A_106 = tpu.vector_load_idx %arg8[%get3A_102] : memref<10000xf32, #tpu.memory_space<vmem>>[vector<16xi32>], vector<16xf32>,
      %sub3A_107 = arith.subf %gather3A_105, %gather3A_106 : vector<16xf32>
      %mul3A_108 = arith.mulf %sub3A_107, %sub3A_107 : vector<16xf32>
      %add3A_109 = arith.addf %broadcast_in_dim3A_104, %mul3A_108 : vector<16xf32>
      %gather3A_110 = tpu.vector_load_idx %arg9[%get3A_99] : memref<10000xf32, #tpu.memory_space<vmem>>[vector<16xi32>], vector<16xf32>,
      %gather3A_111 = tpu.vector_load_idx %arg9[%get3A_102] : memref<10000xf32, #tpu.memory_space<vmem>>[vector<16xi32>], vector<16xf32>,
      %sub3A_112 = arith.subf %gather3A_110, %gather3A_111 : vector<16xf32>
      %mul3A_113 = arith.mulf %sub3A_112, %sub3A_112 : vector<16xf32>
      %add3A_114 = arith.addf %add3A_109, %mul3A_113 : vector<16xf32>
      %gather3A_115 = tpu.vector_load_idx %arg10[%get3A_99] : memref<10000xf32, #tpu.memory_space<vmem>>[vector<16xi32>], vector<16xf32>,
      %gather3A_116 = tpu.vector_load_idx %arg10[%get3A_102] : memref<10000xf32, #tpu.memory_space<vmem>>[vector<16xi32>], vector<16xf32>,
      %sub3A_117 = arith.subf %gather3A_115, %gather3A_116 : vector<16xf32>
      %mul3A_118 = arith.mulf %sub3A_117, %sub3A_117 : vector<16xf32>
      %add3A_119 = arith.addf %add3A_114, %mul3A_118 : vector<16xf32>
      %mul3A_120 = arith.constant 128 : i32
      %mul3A_121 = arith.muli %scan3A_13, %mul3A_120 : i32
      %add3A_122 = arith.constant 48 : i32
      %add3A_123 = arith.addi %mul3A_121, %add3A_122 : i32
      %swap3A_124 = arith.index_cast %add3A_123 : i32 to index
      %swap3A_125 = tpu.vector_load %arg13[%swap3A_124] {strides = array<i32>} : memref<10240xf32, #tpu.memory_space<vmem>>, vector<16xf32>,
      tpu.vector_store %arg13[%swap3A_124], %add3A_119 {strides = array<i32>} : memref<10240xf32, #tpu.memory_space<vmem>>, vector<16xf32>,
      %get3A_126 = arith.index_cast %scan3A_13 : i32 to index
      %get3A_127 = arith.constant 64 : index
      %get3A_128 = tpu.vector_load %arg11[%get3A_126, %get3A_127] {strides = array<i32>} : memref<80x128xi32, #tpu.memory_space<vmem>>, vector<16xi32>,
      %get3A_129 = arith.index_cast %scan3A_13 : i32 to index
      %get3A_130 = arith.constant 64 : index
      %get3A_131 = tpu.vector_load %arg12[%get3A_129, %get3A_130] {strides = array<i32>} : memref<80x128xi32, #tpu.memory_space<vmem>>, vector<16xi32>,
      %broadcast_in_dim3A_132 = arith.constant 0.000000e+00 : f32
      %broadcast_in_dim3A_133 = vector.broadcast %broadcast_in_dim3A_132 : f32 to vector<16xf32>
      %gather3A_134 = tpu.vector_load_idx %arg8[%get3A_128] : memref<10000xf32, #tpu.memory_space<vmem>>[vector<16xi32>], vector<16xf32>,
      %gather3A_135 = tpu.vector_load_idx %arg8[%get3A_131] : memref<10000xf32, #tpu.memory_space<vmem>>[vector<16xi32>], vector<16xf32>,
      %sub3A_136 = arith.subf %gather3A_134, %gather3A_135 : vector<16xf32>
      %mul3A_137 = arith.mulf %sub3A_136, %sub3A_136 : vector<16xf32>
      %add3A_138 = arith.addf %broadcast_in_dim3A_133, %mul3A_137 : vector<16xf32>
      %gather3A_139 = tpu.vector_load_idx %arg9[%get3A_128] : memref<10000xf32, #tpu.memory_space<vmem>>[vector<16xi32>], vector<16xf32>,
      %gather3A_140 = tpu.vector_load_idx %arg9[%get3A_131] : memref<10000xf32, #tpu.memory_space<vmem>>[vector<16xi32>], vector<16xf32>,
      %sub3A_141 = arith.subf %gather3A_139, %gather3A_140 : vector<16xf32>
      %mul3A_142 = arith.mulf %sub3A_141, %sub3A_141 : vector<16xf32>
      %add3A_143 = arith.addf %add3A_138, %mul3A_142 : vector<16xf32>
      %gather3A_144 = tpu.vector_load_idx %arg10[%get3A_128] : memref<10000xf32, #tpu.memory_space<vmem>>[vector<16xi32>], vector<16xf32>,
      %gather3A_145 = tpu.vector_load_idx %arg10[%get3A_131] : memref<10000xf32, #tpu.memory_space<vmem>>[vector<16xi32>], vector<16xf32>,
      %sub3A_146 = arith.subf %gather3A_144, %gather3A_145 : vector<16xf32>
      %mul3A_147 = arith.mulf %sub3A_146, %sub3A_146 : vector<16xf32>
      %add3A_148 = arith.addf %add3A_143, %mul3A_147 : vector<16xf32>
      %mul3A_149 = arith.constant 128 : i32
      %mul3A_150 = arith.muli %scan3A_13, %mul3A_149 : i32
      %add3A_151 = arith.constant 64 : i32
      %add3A_152 = arith.addi %mul3A_150, %add3A_151 : i32
      %swap3A_153 = arith.index_cast %add3A_152 : i32 to index
      %swap3A_154 = tpu.vector_load %arg13[%swap3A_153] {strides = array<i32>} : memref<10240xf32, #tpu.memory_space<vmem>>, vector<16xf32>,
      tpu.vector_store %arg13[%swap3A_153], %add3A_148 {strides = array<i32>} : memref<10240xf32, #tpu.memory_space<vmem>>, vector<16xf32>,
      %get3A_155 = arith.index_cast %scan3A_13 : i32 to index
      %get3A_156 = arith.constant 80 : index
      %get3A_157 = tpu.vector_load %arg11[%get3A_155, %get3A_156] {strides = array<i32>} : memref<80x128xi32, #tpu.memory_space<vmem>>, vector<16xi32>,
      %get3A_158 = arith.index_cast %scan3A_13 : i32 to index
      %get3A_159 = arith.constant 80 : index
      %get3A_160 = tpu.vector_load %arg12[%get3A_158, %get3A_159] {strides = array<i32>} : memref<80x128xi32, #tpu.memory_space<vmem>>, vector<16xi32>,
      %broadcast_in_dim3A_161 = arith.constant 0.000000e+00 : f32
      %broadcast_in_dim3A_162 = vector.broadcast %broadcast_in_dim3A_161 : f32 to vector<16xf32>
      %gather3A_163 = tpu.vector_load_idx %arg8[%get3A_157] : memref<10000xf32, #tpu.memory_space<vmem>>[vector<16xi32>], vector<16xf32>,
      %gather3A_164 = tpu.vector_load_idx %arg8[%get3A_160] : memref<10000xf32, #tpu.memory_space<vmem>>[vector<16xi32>], vector<16xf32>,
      %sub3A_165 = arith.subf %gather3A_163, %gather3A_164 : vector<16xf32>
      %mul3A_166 = arith.mulf %sub3A_165, %sub3A_165 : vector<16xf32>
      %add3A_167 = arith.addf %broadcast_in_dim3A_162, %mul3A_166 : vector<16xf32>
      %gather3A_168 = tpu.vector_load_idx %arg9[%get3A_157] : memref<10000xf32, #tpu.memory_space<vmem>>[vector<16xi32>], vector<16xf32>,
      %gather3A_169 = tpu.vector_load_idx %arg9[%get3A_160] : memref<10000xf32, #tpu.memory_space<vmem>>[vector<16xi32>], vector<16xf32>,
      %sub3A_170 = arith.subf %gather3A_168, %gather3A_169 : vector<16xf32>
      %mul3A_171 = arith.mulf %sub3A_170, %sub3A_170 : vector<16xf32>
      %add3A_172 = arith.addf %add3A_167, %mul3A_171 : vector<16xf32>
      %gather3A_173 = tpu.vector_load_idx %arg10[%get3A_157] : memref<10000xf32, #tpu.memory_space<vmem>>[vector<16xi32>], vector<16xf32>,
      %gather3A_174 = tpu.vector_load_idx %arg10[%get3A_160] : memref<10000xf32, #tpu.memory_space<vmem>>[vector<16xi32>], vector<16xf32>,
      %sub3A_175 = arith.subf %gather3A_173, %gather3A_174 : vector<16xf32>
      %mul3A_176 = arith.mulf %sub3A_175, %sub3A_175 : vector<16xf32>
      %add3A_177 = arith.addf %add3A_172, %mul3A_176 : vector<16xf32>
      %mul3A_178 = arith.constant 128 : i32
      %mul3A_179 = arith.muli %scan3A_13, %mul3A_178 : i32
      %add3A_180 = arith.constant 80 : i32
      %add3A_181 = arith.addi %mul3A_179, %add3A_180 : i32
      %swap3A_182 = arith.index_cast %add3A_181 : i32 to index
      %swap3A_183 = tpu.vector_load %arg13[%swap3A_182] {strides = array<i32>} : memref<10240xf32, #tpu.memory_space<vmem>>, vector<16xf32>,
      tpu.vector_store %arg13[%swap3A_182], %add3A_177 {strides = array<i32>} : memref<10240xf32, #tpu.memory_space<vmem>>, vector<16xf32>,
      %get3A_184 = arith.index_cast %scan3A_13 : i32 to index
      %get3A_185 = arith.constant 96 : index
      %get3A_186 = tpu.vector_load %arg11[%get3A_184, %get3A_185] {strides = array<i32>} : memref<80x128xi32, #tpu.memory_space<vmem>>, vector<16xi32>,
      %get3A_187 = arith.index_cast %scan3A_13 : i32 to index
      %get3A_188 = arith.constant 96 : index
      %get3A_189 = tpu.vector_load %arg12[%get3A_187, %get3A_188] {strides = array<i32>} : memref<80x128xi32, #tpu.memory_space<vmem>>, vector<16xi32>,
      %broadcast_in_dim3A_190 = arith.constant 0.000000e+00 : f32
      %broadcast_in_dim3A_191 = vector.broadcast %broadcast_in_dim3A_190 : f32 to vector<16xf32>
      %gather3A_192 = tpu.vector_load_idx %arg8[%get3A_186] : memref<10000xf32, #tpu.memory_space<vmem>>[vector<16xi32>], vector<16xf32>,
      %gather3A_193 = tpu.vector_load_idx %arg8[%get3A_189] : memref<10000xf32, #tpu.memory_space<vmem>>[vector<16xi32>], vector<16xf32>,
      %sub3A_194 = arith.subf %gather3A_192, %gather3A_193 : vector<16xf32>
      %mul3A_195 = arith.mulf %sub3A_194, %sub3A_194 : vector<16xf32>
      %add3A_196 = arith.addf %broadcast_in_dim3A_191, %mul3A_195 : vector<16xf32>
      %gather3A_197 = tpu.vector_load_idx %arg9[%get3A_186] : memref<10000xf32, #tpu.memory_space<vmem>>[vector<16xi32>], vector<16xf32>,
      %gather3A_198 = tpu.vector_load_idx %arg9[%get3A_189] : memref<10000xf32, #tpu.memory_space<vmem>>[vector<16xi32>], vector<16xf32>,
      %sub3A_199 = arith.subf %gather3A_197, %gather3A_198 : vector<16xf32>
      %mul3A_200 = arith.mulf %sub3A_199, %sub3A_199 : vector<16xf32>
      %add3A_201 = arith.addf %add3A_196, %mul3A_200 : vector<16xf32>
      %gather3A_202 = tpu.vector_load_idx %arg10[%get3A_186] : memref<10000xf32, #tpu.memory_space<vmem>>[vector<16xi32>], vector<16xf32>,
      %gather3A_203 = tpu.vector_load_idx %arg10[%get3A_189] : memref<10000xf32, #tpu.memory_space<vmem>>[vector<16xi32>], vector<16xf32>,
      %sub3A_204 = arith.subf %gather3A_202, %gather3A_203 : vector<16xf32>
      %mul3A_205 = arith.mulf %sub3A_204, %sub3A_204 : vector<16xf32>
      %add3A_206 = arith.addf %add3A_201, %mul3A_205 : vector<16xf32>
      %mul3A_207 = arith.constant 128 : i32
      %mul3A_208 = arith.muli %scan3A_13, %mul3A_207 : i32
      %add3A_209 = arith.constant 96 : i32
      %add3A_210 = arith.addi %mul3A_208, %add3A_209 : i32
      %swap3A_211 = arith.index_cast %add3A_210 : i32 to index
      %swap3A_212 = tpu.vector_load %arg13[%swap3A_211] {strides = array<i32>} : memref<10240xf32, #tpu.memory_space<vmem>>, vector<16xf32>,
      tpu.vector_store %arg13[%swap3A_211], %add3A_206 {strides = array<i32>} : memref<10240xf32, #tpu.memory_space<vmem>>, vector<16xf32>,
      %get3A_213 = arith.index_cast %scan3A_13 : i32 to index
      %get3A_214 = arith.constant 112 : index
      %get3A_215 = tpu.vector_load %arg11[%get3A_213, %get3A_214] {strides = array<i32>} : memref<80x128xi32, #tpu.memory_space<vmem>>, vector<16xi32>,
      %get3A_216 = arith.index_cast %scan3A_13 : i32 to index
      %get3A_217 = arith.constant 112 : index
      %get3A_218 = tpu.vector_load %arg12[%get3A_216, %get3A_217] {strides = array<i32>} : memref<80x128xi32, #tpu.memory_space<vmem>>, vector<16xi32>,
      %broadcast_in_dim3A_219 = arith.constant 0.000000e+00 : f32
      %broadcast_in_dim3A_220 = vector.broadcast %broadcast_in_dim3A_219 : f32 to vector<16xf32>
      %gather3A_221 = tpu.vector_load_idx %arg8[%get3A_215] : memref<10000xf32, #tpu.memory_space<vmem>>[vector<16xi32>], vector<16xf32>,
      %gather3A_222 = tpu.vector_load_idx %arg8[%get3A_218] : memref<10000xf32, #tpu.memory_space<vmem>>[vector<16xi32>], vector<16xf32>,
      %sub3A_223 = arith.subf %gather3A_221, %gather3A_222 : vector<16xf32>
      %mul3A_224 = arith.mulf %sub3A_223, %sub3A_223 : vector<16xf32>
      %add3A_225 = arith.addf %broadcast_in_dim3A_220, %mul3A_224 : vector<16xf32>
      %gather3A_226 = tpu.vector_load_idx %arg9[%get3A_215] : memref<10000xf32, #tpu.memory_space<vmem>>[vector<16xi32>], vector<16xf32>,
      %gather3A_227 = tpu.vector_load_idx %arg9[%get3A_218] : memref<10000xf32, #tpu.memory_space<vmem>>[vector<16xi32>], vector<16xf32>,
      %sub3A_228 = arith.subf %gather3A_226, %gather3A_227 : vector<16xf32>
      %mul3A_229 = arith.mulf %sub3A_228, %sub3A_228 : vector<16xf32>
      %add3A_230 = arith.addf %add3A_225, %mul3A_229 : vector<16xf32>
      %gather3A_231 = tpu.vector_load_idx %arg10[%get3A_215] : memref<10000xf32, #tpu.memory_space<vmem>>[vector<16xi32>], vector<16xf32>,
      %gather3A_232 = tpu.vector_load_idx %arg10[%get3A_218] : memref<10000xf32, #tpu.memory_space<vmem>>[vector<16xi32>], vector<16xf32>,
      %sub3A_233 = arith.subf %gather3A_231, %gather3A_232 : vector<16xf32>
      %mul3A_234 = arith.mulf %sub3A_233, %sub3A_233 : vector<16xf32>
      %add3A_235 = arith.addf %add3A_230, %mul3A_234 : vector<16xf32>
      %mul3A_236 = arith.constant 128 : i32
      %mul3A_237 = arith.muli %scan3A_13, %mul3A_236 : i32
      %add3A_238 = arith.constant 112 : i32
      %add3A_239 = arith.addi %mul3A_237, %add3A_238 : i32
      %swap3A_240 = arith.index_cast %add3A_239 : i32 to index
      %swap3A_241 = tpu.vector_load %arg13[%swap3A_240] {strides = array<i32>} : memref<10240xf32, #tpu.memory_space<vmem>>, vector<16xf32>,
      tpu.vector_store %arg13[%swap3A_240], %add3A_235 {strides = array<i32>} : memref<10240xf32, #tpu.memory_space<vmem>>, vector<16xf32>,
      %scan3A_242 = arith.constant 0 : i32
      scf.yield %scan3A_242 : i32
    }
    %scan3A_10 = arith.constant 80 : i32
    %mul3A_11 = arith.constant 10240 : i32
    %mul3A_12 = arith.muli %add3A, %mul3A_11 : i32
    "tpu.region"() ({
      %run_scoped3A = tpu.sem_alloc : memref<!tpu.dma_semaphore, #tpu.memory_space<semaphore_mem>>
      %dma_start3A = tpu.memref_slice %arg7[%mul3A_12] : memref<327680xf32, #tpu.memory_space<hbm>> -> memref<10240xf32, #tpu.memory_space<hbm>>
      %dma_start3A_13 = tpu.memref_slice %arg7[%mul3A_12] : memref<327680xf32, #tpu.memory_space<hbm>> -> memref<10240xf32, #tpu.memory_space<hbm>>
      tpu.enqueue_dma source(%arg13 : memref<10240xf32, #tpu.memory_space<vmem>>) target(%dma_start3A_13 : memref<10240xf32, #tpu.memory_space<hbm>>) target_semaphore(%run_scoped3A : memref<!tpu.dma_semaphore, #tpu.memory_space<semaphore_mem>>)
      %dma_wait3A = tpu.memref_slice %arg7[%mul3A_12] : memref<327680xf32, #tpu.memory_space<hbm>> -> memref<10240xf32, #tpu.memory_space<hbm>>
      %dma_wait3A_14 = tpu.memref_slice %arg7[%mul3A_12] : memref<327680xf32, #tpu.memory_space<hbm>> -> memref<10240xf32, #tpu.memory_space<hbm>>
      tpu.wait_dma2 semaphore(%run_scoped3A : memref<!tpu.dma_semaphore, #tpu.memory_space<semaphore_mem>>) src(%arg13 : memref<10240xf32, #tpu.memory_space<vmem>>) dst(%dma_wait3A_14 : memref<10240xf32, #tpu.memory_space<hbm>>)
      tpu.yield
    }) : () -> ()
    return
  }
}

#map = affine_map<(d0, d1) -> (0, 0)>
#map1 = affine_map<(d0, d1) -> (0, 0, 0)>
module attributes {stable_mosaic.version = 14 : i64} {
  func.func @k(%arg0: i32, %arg1: i32, %arg2: memref<327680x128xf32, #tpu.memory_space<hbm>>, %arg3: memref<2560x128xi32, #tpu.memory_space<hbm>>, %arg4: memref<128x128xf32, #tpu.memory_space<hbm>>, %arg5: memref<2x10240x128xf32, #tpu.memory_space<hbm>>, %arg6: memref<80x128xi32, #tpu.memory_space<vmem>>, %arg7: memref<128x128xf32, #tpu.memory_space<vmem>>, %arg8: memref<10240x128xf32, #tpu.memory_space<vmem_shared>>) attributes {dimension_semantics = [#tpu.dimension_semantics<core_parallel>, #tpu.dimension_semantics<subcore_parallel>], iteration_bounds = array<i64: 2, 16>, scalar_prefetch = 0 : i64, scratch_operands = 3 : i64, tpu.core_type = #tpu.core_type<sc_vector_subcore>, window_params = [{transform_indices = #map}, {transform_indices = #map}, {transform_indices = #map}, {transform_indices = #map1}]} {
    %mul3A = arith.constant 2 : i32
    %mul3A_0 = arith.muli %arg1, %mul3A : i32
    %add3A = arith.addi %mul3A_0, %arg0 : i32
    %mul3A_1 = arith.constant 640 : i32
    %mul3A_2 = arith.muli %arg1, %mul3A_1 : i32
    %add3A_3 = arith.constant 0 : i32
    %add3A_4 = arith.addi %mul3A_2, %add3A_3 : i32
    "tpu.region"() ({
      %run_scoped3A = tpu.sem_alloc : memref<!tpu.dma_semaphore, #tpu.memory_space<semaphore_mem>>
      %dma_start3A = arith.constant 0 : i32
      %dma_start3A_50 = tpu.memref_slice %arg8[%add3A_4, %dma_start3A] : memref<10240x128xf32, #tpu.memory_space<vmem_shared>> -> memref<128x128xf32, #tpu.memory_space<vmem_shared>>
      tpu.enqueue_dma source(%arg4 : memref<128x128xf32, #tpu.memory_space<hbm>>) target(%dma_start3A_50 : memref<128x128xf32, #tpu.memory_space<vmem_shared>>) target_semaphore(%run_scoped3A : memref<!tpu.dma_semaphore, #tpu.memory_space<semaphore_mem>>)
      %dma_wait3A = arith.constant 0 : i32
      %dma_wait3A_51 = tpu.memref_slice %arg8[%add3A_4, %dma_wait3A] : memref<10240x128xf32, #tpu.memory_space<vmem_shared>> -> memref<128x128xf32, #tpu.memory_space<vmem_shared>>
      tpu.wait_dma2 semaphore(%run_scoped3A : memref<!tpu.dma_semaphore, #tpu.memory_space<semaphore_mem>>) src(%arg4 : memref<128x128xf32, #tpu.memory_space<hbm>>) dst(%dma_wait3A_51 : memref<128x128xf32, #tpu.memory_space<vmem_shared>>)
      tpu.yield
    }) : () -> ()
    %mul3A_5 = arith.constant 640 : i32
    %mul3A_6 = arith.muli %arg1, %mul3A_5 : i32
    %add3A_7 = arith.constant 128 : i32
    %add3A_8 = arith.addi %mul3A_6, %add3A_7 : i32
    "tpu.region"() ({
      %run_scoped3A = tpu.sem_alloc : memref<!tpu.dma_semaphore, #tpu.memory_space<semaphore_mem>>
      %dma_start3A = arith.constant 0 : i32
      %dma_start3A_50 = tpu.memref_slice %arg8[%add3A_8, %dma_start3A] : memref<10240x128xf32, #tpu.memory_space<vmem_shared>> -> memref<128x128xf32, #tpu.memory_space<vmem_shared>>
      tpu.enqueue_dma source(%arg4 : memref<128x128xf32, #tpu.memory_space<hbm>>) target(%dma_start3A_50 : memref<128x128xf32, #tpu.memory_space<vmem_shared>>) target_semaphore(%run_scoped3A : memref<!tpu.dma_semaphore, #tpu.memory_space<semaphore_mem>>)
      %dma_wait3A = arith.constant 0 : i32
      %dma_wait3A_51 = tpu.memref_slice %arg8[%add3A_8, %dma_wait3A] : memref<10240x128xf32, #tpu.memory_space<vmem_shared>> -> memref<128x128xf32, #tpu.memory_space<vmem_shared>>
      tpu.wait_dma2 semaphore(%run_scoped3A : memref<!tpu.dma_semaphore, #tpu.memory_space<semaphore_mem>>) src(%arg4 : memref<128x128xf32, #tpu.memory_space<hbm>>) dst(%dma_wait3A_51 : memref<128x128xf32, #tpu.memory_space<vmem_shared>>)
      tpu.yield
    }) : () -> ()
    %mul3A_9 = arith.constant 640 : i32
    %mul3A_10 = arith.muli %arg1, %mul3A_9 : i32
    %add3A_11 = arith.constant 256 : i32
    %add3A_12 = arith.addi %mul3A_10, %add3A_11 : i32
    "tpu.region"() ({
      %run_scoped3A = tpu.sem_alloc : memref<!tpu.dma_semaphore, #tpu.memory_space<semaphore_mem>>
      %dma_start3A = arith.constant 0 : i32
      %dma_start3A_50 = tpu.memref_slice %arg8[%add3A_12, %dma_start3A] : memref<10240x128xf32, #tpu.memory_space<vmem_shared>> -> memref<128x128xf32, #tpu.memory_space<vmem_shared>>
      tpu.enqueue_dma source(%arg4 : memref<128x128xf32, #tpu.memory_space<hbm>>) target(%dma_start3A_50 : memref<128x128xf32, #tpu.memory_space<vmem_shared>>) target_semaphore(%run_scoped3A : memref<!tpu.dma_semaphore, #tpu.memory_space<semaphore_mem>>)
      %dma_wait3A = arith.constant 0 : i32
      %dma_wait3A_51 = tpu.memref_slice %arg8[%add3A_12, %dma_wait3A] : memref<10240x128xf32, #tpu.memory_space<vmem_shared>> -> memref<128x128xf32, #tpu.memory_space<vmem_shared>>
      tpu.wait_dma2 semaphore(%run_scoped3A : memref<!tpu.dma_semaphore, #tpu.memory_space<semaphore_mem>>) src(%arg4 : memref<128x128xf32, #tpu.memory_space<hbm>>) dst(%dma_wait3A_51 : memref<128x128xf32, #tpu.memory_space<vmem_shared>>)
      tpu.yield
    }) : () -> ()
    %mul3A_13 = arith.constant 640 : i32
    %mul3A_14 = arith.muli %arg1, %mul3A_13 : i32
    %add3A_15 = arith.constant 384 : i32
    %add3A_16 = arith.addi %mul3A_14, %add3A_15 : i32
    "tpu.region"() ({
      %run_scoped3A = tpu.sem_alloc : memref<!tpu.dma_semaphore, #tpu.memory_space<semaphore_mem>>
      %dma_start3A = arith.constant 0 : i32
      %dma_start3A_50 = tpu.memref_slice %arg8[%add3A_16, %dma_start3A] : memref<10240x128xf32, #tpu.memory_space<vmem_shared>> -> memref<128x128xf32, #tpu.memory_space<vmem_shared>>
      tpu.enqueue_dma source(%arg4 : memref<128x128xf32, #tpu.memory_space<hbm>>) target(%dma_start3A_50 : memref<128x128xf32, #tpu.memory_space<vmem_shared>>) target_semaphore(%run_scoped3A : memref<!tpu.dma_semaphore, #tpu.memory_space<semaphore_mem>>)
      %dma_wait3A = arith.constant 0 : i32
      %dma_wait3A_51 = tpu.memref_slice %arg8[%add3A_16, %dma_wait3A] : memref<10240x128xf32, #tpu.memory_space<vmem_shared>> -> memref<128x128xf32, #tpu.memory_space<vmem_shared>>
      tpu.wait_dma2 semaphore(%run_scoped3A : memref<!tpu.dma_semaphore, #tpu.memory_space<semaphore_mem>>) src(%arg4 : memref<128x128xf32, #tpu.memory_space<hbm>>) dst(%dma_wait3A_51 : memref<128x128xf32, #tpu.memory_space<vmem_shared>>)
      tpu.yield
    }) : () -> ()
    %mul3A_17 = arith.constant 640 : i32
    %mul3A_18 = arith.muli %arg1, %mul3A_17 : i32
    %add3A_19 = arith.constant 512 : i32
    %add3A_20 = arith.addi %mul3A_18, %add3A_19 : i32
    "tpu.region"() ({
      %run_scoped3A = tpu.sem_alloc : memref<!tpu.dma_semaphore, #tpu.memory_space<semaphore_mem>>
      %dma_start3A = arith.constant 0 : i32
      %dma_start3A_50 = tpu.memref_slice %arg8[%add3A_20, %dma_start3A] : memref<10240x128xf32, #tpu.memory_space<vmem_shared>> -> memref<128x128xf32, #tpu.memory_space<vmem_shared>>
      tpu.enqueue_dma source(%arg4 : memref<128x128xf32, #tpu.memory_space<hbm>>) target(%dma_start3A_50 : memref<128x128xf32, #tpu.memory_space<vmem_shared>>) target_semaphore(%run_scoped3A : memref<!tpu.dma_semaphore, #tpu.memory_space<semaphore_mem>>)
      %dma_wait3A = arith.constant 0 : i32
      %dma_wait3A_51 = tpu.memref_slice %arg8[%add3A_20, %dma_wait3A] : memref<10240x128xf32, #tpu.memory_space<vmem_shared>> -> memref<128x128xf32, #tpu.memory_space<vmem_shared>>
      tpu.wait_dma2 semaphore(%run_scoped3A : memref<!tpu.dma_semaphore, #tpu.memory_space<semaphore_mem>>) src(%arg4 : memref<128x128xf32, #tpu.memory_space<hbm>>) dst(%dma_wait3A_51 : memref<128x128xf32, #tpu.memory_space<vmem_shared>>)
      tpu.yield
    }) : () -> ()
    %barrier3A = arith.constant 0 : index
    tpu.barrier barrier_id(%barrier3A)
    %mul3A_21 = arith.constant 80 : i32
    %mul3A_22 = arith.muli %add3A, %mul3A_21 : i32
    "tpu.region"() ({
      %run_scoped3A = tpu.sem_alloc : memref<!tpu.dma_semaphore, #tpu.memory_space<semaphore_mem>>
      %dma_start3A = arith.constant 0 : i32
      %dma_start3A_50 = tpu.memref_slice %arg3[%mul3A_22, %dma_start3A] : memref<2560x128xi32, #tpu.memory_space<hbm>> -> memref<80x128xi32, #tpu.memory_space<hbm>>
      %dma_start3A_51 = arith.constant 0 : i32
      %dma_start3A_52 = tpu.memref_slice %arg3[%mul3A_22, %dma_start3A_51] : memref<2560x128xi32, #tpu.memory_space<hbm>> -> memref<80x128xi32, #tpu.memory_space<hbm>>
      tpu.enqueue_dma source(%dma_start3A_52 : memref<80x128xi32, #tpu.memory_space<hbm>>) target(%arg6 : memref<80x128xi32, #tpu.memory_space<vmem>>) target_semaphore(%run_scoped3A : memref<!tpu.dma_semaphore, #tpu.memory_space<semaphore_mem>>)
      %dma_wait3A = arith.constant 0 : i32
      %dma_wait3A_53 = tpu.memref_slice %arg3[%mul3A_22, %dma_wait3A] : memref<2560x128xi32, #tpu.memory_space<hbm>> -> memref<80x128xi32, #tpu.memory_space<hbm>>
      %dma_wait3A_54 = arith.constant 0 : i32
      %dma_wait3A_55 = tpu.memref_slice %arg3[%mul3A_22, %dma_wait3A_54] : memref<2560x128xi32, #tpu.memory_space<hbm>> -> memref<80x128xi32, #tpu.memory_space<hbm>>
      tpu.wait_dma2 semaphore(%run_scoped3A : memref<!tpu.dma_semaphore, #tpu.memory_space<semaphore_mem>>) src(%dma_wait3A_55 : memref<80x128xi32, #tpu.memory_space<hbm>>) dst(%arg6 : memref<80x128xi32, #tpu.memory_space<vmem>>)
      tpu.yield
    }) : () -> ()
    %scan3A = arith.constant 0 : i32
    %scan3A_23 = arith.constant 0 : i32
    %scan3A_24 = arith.constant 80 : i32
    %scan3A_25 = arith.addi %scan3A_23, %scan3A_24 : i32
    %scan3A_26 = arith.constant 1 : i32
    %scan3A_27 = scf.for %scan3A_50 = %scan3A_23 to %scan3A_25 step %scan3A_26 iter_args(%scan3A_51 = %scan3A) -> (i32)  : i32 {
      %mul3A_52 = arith.constant 80 : i32
      %mul3A_53 = arith.muli %add3A, %mul3A_52 : i32
      %add3A_54 = arith.addi %mul3A_53, %scan3A_50 : i32
      %mul3A_55 = arith.constant 128 : i32
      %mul3A_56 = arith.muli %add3A_54, %mul3A_55 : i32
      "tpu.region"() ({
        %run_scoped3A = tpu.sem_alloc : memref<!tpu.dma_semaphore, #tpu.memory_space<semaphore_mem>>
        %dma_start3A = arith.constant 0 : i32
        %dma_start3A_58 = tpu.memref_slice %arg2[%mul3A_56, %dma_start3A] : memref<327680x128xf32, #tpu.memory_space<hbm>> -> memref<128x128xf32, #tpu.memory_space<hbm>>
        %dma_start3A_59 = arith.constant 0 : i32
        %dma_start3A_60 = tpu.memref_slice %arg2[%mul3A_56, %dma_start3A_59] : memref<327680x128xf32, #tpu.memory_space<hbm>> -> memref<128x128xf32, #tpu.memory_space<hbm>>
        tpu.enqueue_dma source(%dma_start3A_60 : memref<128x128xf32, #tpu.memory_space<hbm>>) target(%arg7 : memref<128x128xf32, #tpu.memory_space<vmem>>) target_semaphore(%run_scoped3A : memref<!tpu.dma_semaphore, #tpu.memory_space<semaphore_mem>>)
        %dma_wait3A = arith.constant 0 : i32
        %dma_wait3A_61 = tpu.memref_slice %arg2[%mul3A_56, %dma_wait3A] : memref<327680x128xf32, #tpu.memory_space<hbm>> -> memref<128x128xf32, #tpu.memory_space<hbm>>
        %dma_wait3A_62 = arith.constant 0 : i32
        %dma_wait3A_63 = tpu.memref_slice %arg2[%mul3A_56, %dma_wait3A_62] : memref<327680x128xf32, #tpu.memory_space<hbm>> -> memref<128x128xf32, #tpu.memory_space<hbm>>
        tpu.wait_dma2 semaphore(%run_scoped3A : memref<!tpu.dma_semaphore, #tpu.memory_space<semaphore_mem>>) src(%dma_wait3A_63 : memref<128x128xf32, #tpu.memory_space<hbm>>) dst(%arg7 : memref<128x128xf32, #tpu.memory_space<vmem>>)
        tpu.yield
      }) : () -> ()
      "tpu.region"() ({
        %run_scoped3A = tpu.sem_alloc : memref<!tpu.dma_semaphore, #tpu.memory_space<semaphore_mem>>
        %dma_start3A = arith.constant 0 : i32
        %dma_start3A_58 = tpu.memref_slice %arg6[%scan3A_50, %dma_start3A] : memref<80x128xi32, #tpu.memory_space<vmem>> -> memref<1x128xi32, #tpu.memory_space<vmem>>
        %dma_start3A_59 = tpu.memref_squeeze %dma_start3A_58 : memref<1x128xi32, #tpu.memory_space<vmem>> -> memref<128xi32, #tpu.memory_space<vmem>>
        %dma_start3A_60 = arith.constant 0 : i32
        %dma_start3A_61 = arith.constant 0 : i32
        %dma_start3A_62 = tpu.memref_slice %arg8[%dma_start3A_60, %dma_start3A_61] : memref<10240x128xf32, #tpu.memory_space<vmem_shared>> -> memref<10240x128xf32, #tpu.memory_space<vmem_shared>>
        tpu.enqueue_indirect_dma source(%arg7 : memref<128x128xf32, #tpu.memory_space<vmem>>) target(%dma_start3A_62 : memref<10240x128xf32, #tpu.memory_space<vmem_shared>>) offsets(%dma_start3A_59 : memref<128xi32, #tpu.memory_space<vmem>>) semaphore(%run_scoped3A : memref<!tpu.dma_semaphore, #tpu.memory_space<semaphore_mem>>) {add = true}
        %dma_wait3A = arith.constant 0 : i32
        %dma_wait3A_63 = tpu.memref_slice %arg6[%scan3A_50, %dma_wait3A] : memref<80x128xi32, #tpu.memory_space<vmem>> -> memref<1x128xi32, #tpu.memory_space<vmem>>
        %dma_wait3A_64 = tpu.memref_squeeze %dma_wait3A_63 : memref<1x128xi32, #tpu.memory_space<vmem>> -> memref<128xi32, #tpu.memory_space<vmem>>
        %dma_wait3A_65 = arith.constant 0 : i32
        %dma_wait3A_66 = arith.constant 0 : i32
        %dma_wait3A_67 = tpu.memref_slice %arg8[%dma_wait3A_65, %dma_wait3A_66] : memref<10240x128xf32, #tpu.memory_space<vmem_shared>> -> memref<10240x128xf32, #tpu.memory_space<vmem_shared>>
        tpu.wait_indirect_dma semaphore(%run_scoped3A : memref<!tpu.dma_semaphore, #tpu.memory_space<semaphore_mem>>) src(%arg7 : memref<128x128xf32, #tpu.memory_space<vmem>>) dst(%dma_wait3A_67 : memref<10240x128xf32, #tpu.memory_space<vmem_shared>>)
        tpu.yield
      }) : () -> ()
      %scan3A_57 = arith.constant 0 : i32
      scf.yield %scan3A_57 : i32
    }
    %scan3A_28 = arith.constant 80 : i32
    %barrier3A_29 = arith.constant 0 : index
    tpu.barrier barrier_id(%barrier3A_29)
    %mul3A_30 = arith.constant 640 : i32
    %mul3A_31 = arith.muli %arg1, %mul3A_30 : i32
    %add3A_32 = arith.constant 0 : i32
    %add3A_33 = arith.addi %mul3A_31, %add3A_32 : i32
    "tpu.region"() ({
      %run_scoped3A = tpu.sem_alloc : memref<!tpu.dma_semaphore, #tpu.memory_space<semaphore_mem>>
      %dma_start3A = arith.constant 0 : i32
      %dma_start3A_50 = tpu.memref_slice %arg8[%add3A_33, %dma_start3A] : memref<10240x128xf32, #tpu.memory_space<vmem_shared>> -> memref<128x128xf32, #tpu.memory_space<vmem_shared>>
      %dma_start3A_51 = arith.constant 0 : i32
      %dma_start3A_52 = tpu.memref_slice %arg8[%add3A_33, %dma_start3A_51] : memref<10240x128xf32, #tpu.memory_space<vmem_shared>> -> memref<128x128xf32, #tpu.memory_space<vmem_shared>>
      tpu.enqueue_dma source(%dma_start3A_52 : memref<128x128xf32, #tpu.memory_space<vmem_shared>>) target(%arg7 : memref<128x128xf32, #tpu.memory_space<vmem>>) target_semaphore(%run_scoped3A : memref<!tpu.dma_semaphore, #tpu.memory_space<semaphore_mem>>)
      %dma_wait3A = arith.constant 0 : i32
      %dma_wait3A_53 = tpu.memref_slice %arg8[%add3A_33, %dma_wait3A] : memref<10240x128xf32, #tpu.memory_space<vmem_shared>> -> memref<128x128xf32, #tpu.memory_space<vmem_shared>>
      %dma_wait3A_54 = arith.constant 0 : i32
      %dma_wait3A_55 = tpu.memref_slice %arg8[%add3A_33, %dma_wait3A_54] : memref<10240x128xf32, #tpu.memory_space<vmem_shared>> -> memref<128x128xf32, #tpu.memory_space<vmem_shared>>
      tpu.wait_dma2 semaphore(%run_scoped3A : memref<!tpu.dma_semaphore, #tpu.memory_space<semaphore_mem>>) src(%dma_wait3A_55 : memref<128x128xf32, #tpu.memory_space<vmem_shared>>) dst(%arg7 : memref<128x128xf32, #tpu.memory_space<vmem>>)
      tpu.yield
    }) : () -> ()
    "tpu.region"() ({
      %run_scoped3A = tpu.sem_alloc : memref<!tpu.dma_semaphore, #tpu.memory_space<semaphore_mem>>
      %dma_start3A = arith.constant 0 : i32
      %dma_start3A_50 = tpu.memref_slice %arg5[%arg0, %add3A_33, %dma_start3A] : memref<2x10240x128xf32, #tpu.memory_space<hbm>> -> memref<1x128x128xf32, #tpu.memory_space<hbm>>
      %dma_start3A_51 = tpu.memref_squeeze %dma_start3A_50 : memref<1x128x128xf32, #tpu.memory_space<hbm>> -> memref<128x128xf32, #tpu.memory_space<hbm>>
      %dma_start3A_52 = arith.constant 0 : i32
      %dma_start3A_53 = tpu.memref_slice %arg5[%arg0, %add3A_33, %dma_start3A_52] : memref<2x10240x128xf32, #tpu.memory_space<hbm>> -> memref<1x128x128xf32, #tpu.memory_space<hbm>>
      %dma_start3A_54 = tpu.memref_squeeze %dma_start3A_53 : memref<1x128x128xf32, #tpu.memory_space<hbm>> -> memref<128x128xf32, #tpu.memory_space<hbm>>
      tpu.enqueue_dma source(%arg7 : memref<128x128xf32, #tpu.memory_space<vmem>>) target(%dma_start3A_54 : memref<128x128xf32, #tpu.memory_space<hbm>>) target_semaphore(%run_scoped3A : memref<!tpu.dma_semaphore, #tpu.memory_space<semaphore_mem>>)
      %dma_wait3A = arith.constant 0 : i32
      %dma_wait3A_55 = tpu.memref_slice %arg5[%arg0, %add3A_33, %dma_wait3A] : memref<2x10240x128xf32, #tpu.memory_space<hbm>> -> memref<1x128x128xf32, #tpu.memory_space<hbm>>
      %dma_wait3A_56 = tpu.memref_squeeze %dma_wait3A_55 : memref<1x128x128xf32, #tpu.memory_space<hbm>> -> memref<128x128xf32, #tpu.memory_space<hbm>>
      %dma_wait3A_57 = arith.constant 0 : i32
      %dma_wait3A_58 = tpu.memref_slice %arg5[%arg0, %add3A_33, %dma_wait3A_57] : memref<2x10240x128xf32, #tpu.memory_space<hbm>> -> memref<1x128x128xf32, #tpu.memory_space<hbm>>
      %dma_wait3A_59 = tpu.memref_squeeze %dma_wait3A_58 : memref<1x128x128xf32, #tpu.memory_space<hbm>> -> memref<128x128xf32, #tpu.memory_space<hbm>>
      tpu.wait_dma2 semaphore(%run_scoped3A : memref<!tpu.dma_semaphore, #tpu.memory_space<semaphore_mem>>) src(%arg7 : memref<128x128xf32, #tpu.memory_space<vmem>>) dst(%dma_wait3A_59 : memref<128x128xf32, #tpu.memory_space<hbm>>)
      tpu.yield
    }) : () -> ()
    %mul3A_34 = arith.constant 640 : i32
    %mul3A_35 = arith.muli %arg1, %mul3A_34 : i32
    %add3A_36 = arith.constant 128 : i32
    %add3A_37 = arith.addi %mul3A_35, %add3A_36 : i32
    "tpu.region"() ({
      %run_scoped3A = tpu.sem_alloc : memref<!tpu.dma_semaphore, #tpu.memory_space<semaphore_mem>>
      %dma_start3A = arith.constant 0 : i32
      %dma_start3A_50 = tpu.memref_slice %arg8[%add3A_37, %dma_start3A] : memref<10240x128xf32, #tpu.memory_space<vmem_shared>> -> memref<128x128xf32, #tpu.memory_space<vmem_shared>>
      %dma_start3A_51 = arith.constant 0 : i32
      %dma_start3A_52 = tpu.memref_slice %arg8[%add3A_37, %dma_start3A_51] : memref<10240x128xf32, #tpu.memory_space<vmem_shared>> -> memref<128x128xf32, #tpu.memory_space<vmem_shared>>
      tpu.enqueue_dma source(%dma_start3A_52 : memref<128x128xf32, #tpu.memory_space<vmem_shared>>) target(%arg7 : memref<128x128xf32, #tpu.memory_space<vmem>>) target_semaphore(%run_scoped3A : memref<!tpu.dma_semaphore, #tpu.memory_space<semaphore_mem>>)
      %dma_wait3A = arith.constant 0 : i32
      %dma_wait3A_53 = tpu.memref_slice %arg8[%add3A_37, %dma_wait3A] : memref<10240x128xf32, #tpu.memory_space<vmem_shared>> -> memref<128x128xf32, #tpu.memory_space<vmem_shared>>
      %dma_wait3A_54 = arith.constant 0 : i32
      %dma_wait3A_55 = tpu.memref_slice %arg8[%add3A_37, %dma_wait3A_54] : memref<10240x128xf32, #tpu.memory_space<vmem_shared>> -> memref<128x128xf32, #tpu.memory_space<vmem_shared>>
      tpu.wait_dma2 semaphore(%run_scoped3A : memref<!tpu.dma_semaphore, #tpu.memory_space<semaphore_mem>>) src(%dma_wait3A_55 : memref<128x128xf32, #tpu.memory_space<vmem_shared>>) dst(%arg7 : memref<128x128xf32, #tpu.memory_space<vmem>>)
      tpu.yield
    }) : () -> ()
    "tpu.region"() ({
      %run_scoped3A = tpu.sem_alloc : memref<!tpu.dma_semaphore, #tpu.memory_space<semaphore_mem>>
      %dma_start3A = arith.constant 0 : i32
      %dma_start3A_50 = tpu.memref_slice %arg5[%arg0, %add3A_37, %dma_start3A] : memref<2x10240x128xf32, #tpu.memory_space<hbm>> -> memref<1x128x128xf32, #tpu.memory_space<hbm>>
      %dma_start3A_51 = tpu.memref_squeeze %dma_start3A_50 : memref<1x128x128xf32, #tpu.memory_space<hbm>> -> memref<128x128xf32, #tpu.memory_space<hbm>>
      %dma_start3A_52 = arith.constant 0 : i32
      %dma_start3A_53 = tpu.memref_slice %arg5[%arg0, %add3A_37, %dma_start3A_52] : memref<2x10240x128xf32, #tpu.memory_space<hbm>> -> memref<1x128x128xf32, #tpu.memory_space<hbm>>
      %dma_start3A_54 = tpu.memref_squeeze %dma_start3A_53 : memref<1x128x128xf32, #tpu.memory_space<hbm>> -> memref<128x128xf32, #tpu.memory_space<hbm>>
      tpu.enqueue_dma source(%arg7 : memref<128x128xf32, #tpu.memory_space<vmem>>) target(%dma_start3A_54 : memref<128x128xf32, #tpu.memory_space<hbm>>) target_semaphore(%run_scoped3A : memref<!tpu.dma_semaphore, #tpu.memory_space<semaphore_mem>>)
      %dma_wait3A = arith.constant 0 : i32
      %dma_wait3A_55 = tpu.memref_slice %arg5[%arg0, %add3A_37, %dma_wait3A] : memref<2x10240x128xf32, #tpu.memory_space<hbm>> -> memref<1x128x128xf32, #tpu.memory_space<hbm>>
      %dma_wait3A_56 = tpu.memref_squeeze %dma_wait3A_55 : memref<1x128x128xf32, #tpu.memory_space<hbm>> -> memref<128x128xf32, #tpu.memory_space<hbm>>
      %dma_wait3A_57 = arith.constant 0 : i32
      %dma_wait3A_58 = tpu.memref_slice %arg5[%arg0, %add3A_37, %dma_wait3A_57] : memref<2x10240x128xf32, #tpu.memory_space<hbm>> -> memref<1x128x128xf32, #tpu.memory_space<hbm>>
      %dma_wait3A_59 = tpu.memref_squeeze %dma_wait3A_58 : memref<1x128x128xf32, #tpu.memory_space<hbm>> -> memref<128x128xf32, #tpu.memory_space<hbm>>
      tpu.wait_dma2 semaphore(%run_scoped3A : memref<!tpu.dma_semaphore, #tpu.memory_space<semaphore_mem>>) src(%arg7 : memref<128x128xf32, #tpu.memory_space<vmem>>) dst(%dma_wait3A_59 : memref<128x128xf32, #tpu.memory_space<hbm>>)
      tpu.yield
    }) : () -> ()
    %mul3A_38 = arith.constant 640 : i32
    %mul3A_39 = arith.muli %arg1, %mul3A_38 : i32
    %add3A_40 = arith.constant 256 : i32
    %add3A_41 = arith.addi %mul3A_39, %add3A_40 : i32
    "tpu.region"() ({
      %run_scoped3A = tpu.sem_alloc : memref<!tpu.dma_semaphore, #tpu.memory_space<semaphore_mem>>
      %dma_start3A = arith.constant 0 : i32
      %dma_start3A_50 = tpu.memref_slice %arg8[%add3A_41, %dma_start3A] : memref<10240x128xf32, #tpu.memory_space<vmem_shared>> -> memref<128x128xf32, #tpu.memory_space<vmem_shared>>
      %dma_start3A_51 = arith.constant 0 : i32
      %dma_start3A_52 = tpu.memref_slice %arg8[%add3A_41, %dma_start3A_51] : memref<10240x128xf32, #tpu.memory_space<vmem_shared>> -> memref<128x128xf32, #tpu.memory_space<vmem_shared>>
      tpu.enqueue_dma source(%dma_start3A_52 : memref<128x128xf32, #tpu.memory_space<vmem_shared>>) target(%arg7 : memref<128x128xf32, #tpu.memory_space<vmem>>) target_semaphore(%run_scoped3A : memref<!tpu.dma_semaphore, #tpu.memory_space<semaphore_mem>>)
      %dma_wait3A = arith.constant 0 : i32
      %dma_wait3A_53 = tpu.memref_slice %arg8[%add3A_41, %dma_wait3A] : memref<10240x128xf32, #tpu.memory_space<vmem_shared>> -> memref<128x128xf32, #tpu.memory_space<vmem_shared>>
      %dma_wait3A_54 = arith.constant 0 : i32
      %dma_wait3A_55 = tpu.memref_slice %arg8[%add3A_41, %dma_wait3A_54] : memref<10240x128xf32, #tpu.memory_space<vmem_shared>> -> memref<128x128xf32, #tpu.memory_space<vmem_shared>>
      tpu.wait_dma2 semaphore(%run_scoped3A : memref<!tpu.dma_semaphore, #tpu.memory_space<semaphore_mem>>) src(%dma_wait3A_55 : memref<128x128xf32, #tpu.memory_space<vmem_shared>>) dst(%arg7 : memref<128x128xf32, #tpu.memory_space<vmem>>)
      tpu.yield
    }) : () -> ()
    "tpu.region"() ({
      %run_scoped3A = tpu.sem_alloc : memref<!tpu.dma_semaphore, #tpu.memory_space<semaphore_mem>>
      %dma_start3A = arith.constant 0 : i32
      %dma_start3A_50 = tpu.memref_slice %arg5[%arg0, %add3A_41, %dma_start3A] : memref<2x10240x128xf32, #tpu.memory_space<hbm>> -> memref<1x128x128xf32, #tpu.memory_space<hbm>>
      %dma_start3A_51 = tpu.memref_squeeze %dma_start3A_50 : memref<1x128x128xf32, #tpu.memory_space<hbm>> -> memref<128x128xf32, #tpu.memory_space<hbm>>
      %dma_start3A_52 = arith.constant 0 : i32
      %dma_start3A_53 = tpu.memref_slice %arg5[%arg0, %add3A_41, %dma_start3A_52] : memref<2x10240x128xf32, #tpu.memory_space<hbm>> -> memref<1x128x128xf32, #tpu.memory_space<hbm>>
      %dma_start3A_54 = tpu.memref_squeeze %dma_start3A_53 : memref<1x128x128xf32, #tpu.memory_space<hbm>> -> memref<128x128xf32, #tpu.memory_space<hbm>>
      tpu.enqueue_dma source(%arg7 : memref<128x128xf32, #tpu.memory_space<vmem>>) target(%dma_start3A_54 : memref<128x128xf32, #tpu.memory_space<hbm>>) target_semaphore(%run_scoped3A : memref<!tpu.dma_semaphore, #tpu.memory_space<semaphore_mem>>)
      %dma_wait3A = arith.constant 0 : i32
      %dma_wait3A_55 = tpu.memref_slice %arg5[%arg0, %add3A_41, %dma_wait3A] : memref<2x10240x128xf32, #tpu.memory_space<hbm>> -> memref<1x128x128xf32, #tpu.memory_space<hbm>>
      %dma_wait3A_56 = tpu.memref_squeeze %dma_wait3A_55 : memref<1x128x128xf32, #tpu.memory_space<hbm>> -> memref<128x128xf32, #tpu.memory_space<hbm>>
      %dma_wait3A_57 = arith.constant 0 : i32
      %dma_wait3A_58 = tpu.memref_slice %arg5[%arg0, %add3A_41, %dma_wait3A_57] : memref<2x10240x128xf32, #tpu.memory_space<hbm>> -> memref<1x128x128xf32, #tpu.memory_space<hbm>>
      %dma_wait3A_59 = tpu.memref_squeeze %dma_wait3A_58 : memref<1x128x128xf32, #tpu.memory_space<hbm>> -> memref<128x128xf32, #tpu.memory_space<hbm>>
      tpu.wait_dma2 semaphore(%run_scoped3A : memref<!tpu.dma_semaphore, #tpu.memory_space<semaphore_mem>>) src(%arg7 : memref<128x128xf32, #tpu.memory_space<vmem>>) dst(%dma_wait3A_59 : memref<128x128xf32, #tpu.memory_space<hbm>>)
      tpu.yield
    }) : () -> ()
    %mul3A_42 = arith.constant 640 : i32
    %mul3A_43 = arith.muli %arg1, %mul3A_42 : i32
    %add3A_44 = arith.constant 384 : i32
    %add3A_45 = arith.addi %mul3A_43, %add3A_44 : i32
    "tpu.region"() ({
      %run_scoped3A = tpu.sem_alloc : memref<!tpu.dma_semaphore, #tpu.memory_space<semaphore_mem>>
      %dma_start3A = arith.constant 0 : i32
      %dma_start3A_50 = tpu.memref_slice %arg8[%add3A_45, %dma_start3A] : memref<10240x128xf32, #tpu.memory_space<vmem_shared>> -> memref<128x128xf32, #tpu.memory_space<vmem_shared>>
      %dma_start3A_51 = arith.constant 0 : i32
      %dma_start3A_52 = tpu.memref_slice %arg8[%add3A_45, %dma_start3A_51] : memref<10240x128xf32, #tpu.memory_space<vmem_shared>> -> memref<128x128xf32, #tpu.memory_space<vmem_shared>>
      tpu.enqueue_dma source(%dma_start3A_52 : memref<128x128xf32, #tpu.memory_space<vmem_shared>>) target(%arg7 : memref<128x128xf32, #tpu.memory_space<vmem>>) target_semaphore(%run_scoped3A : memref<!tpu.dma_semaphore, #tpu.memory_space<semaphore_mem>>)
      %dma_wait3A = arith.constant 0 : i32
      %dma_wait3A_53 = tpu.memref_slice %arg8[%add3A_45, %dma_wait3A] : memref<10240x128xf32, #tpu.memory_space<vmem_shared>> -> memref<128x128xf32, #tpu.memory_space<vmem_shared>>
      %dma_wait3A_54 = arith.constant 0 : i32
      %dma_wait3A_55 = tpu.memref_slice %arg8[%add3A_45, %dma_wait3A_54] : memref<10240x128xf32, #tpu.memory_space<vmem_shared>> -> memref<128x128xf32, #tpu.memory_space<vmem_shared>>
      tpu.wait_dma2 semaphore(%run_scoped3A : memref<!tpu.dma_semaphore, #tpu.memory_space<semaphore_mem>>) src(%dma_wait3A_55 : memref<128x128xf32, #tpu.memory_space<vmem_shared>>) dst(%arg7 : memref<128x128xf32, #tpu.memory_space<vmem>>)
      tpu.yield
    }) : () -> ()
    "tpu.region"() ({
      %run_scoped3A = tpu.sem_alloc : memref<!tpu.dma_semaphore, #tpu.memory_space<semaphore_mem>>
      %dma_start3A = arith.constant 0 : i32
      %dma_start3A_50 = tpu.memref_slice %arg5[%arg0, %add3A_45, %dma_start3A] : memref<2x10240x128xf32, #tpu.memory_space<hbm>> -> memref<1x128x128xf32, #tpu.memory_space<hbm>>
      %dma_start3A_51 = tpu.memref_squeeze %dma_start3A_50 : memref<1x128x128xf32, #tpu.memory_space<hbm>> -> memref<128x128xf32, #tpu.memory_space<hbm>>
      %dma_start3A_52 = arith.constant 0 : i32
      %dma_start3A_53 = tpu.memref_slice %arg5[%arg0, %add3A_45, %dma_start3A_52] : memref<2x10240x128xf32, #tpu.memory_space<hbm>> -> memref<1x128x128xf32, #tpu.memory_space<hbm>>
      %dma_start3A_54 = tpu.memref_squeeze %dma_start3A_53 : memref<1x128x128xf32, #tpu.memory_space<hbm>> -> memref<128x128xf32, #tpu.memory_space<hbm>>
      tpu.enqueue_dma source(%arg7 : memref<128x128xf32, #tpu.memory_space<vmem>>) target(%dma_start3A_54 : memref<128x128xf32, #tpu.memory_space<hbm>>) target_semaphore(%run_scoped3A : memref<!tpu.dma_semaphore, #tpu.memory_space<semaphore_mem>>)
      %dma_wait3A = arith.constant 0 : i32
      %dma_wait3A_55 = tpu.memref_slice %arg5[%arg0, %add3A_45, %dma_wait3A] : memref<2x10240x128xf32, #tpu.memory_space<hbm>> -> memref<1x128x128xf32, #tpu.memory_space<hbm>>
      %dma_wait3A_56 = tpu.memref_squeeze %dma_wait3A_55 : memref<1x128x128xf32, #tpu.memory_space<hbm>> -> memref<128x128xf32, #tpu.memory_space<hbm>>
      %dma_wait3A_57 = arith.constant 0 : i32
      %dma_wait3A_58 = tpu.memref_slice %arg5[%arg0, %add3A_45, %dma_wait3A_57] : memref<2x10240x128xf32, #tpu.memory_space<hbm>> -> memref<1x128x128xf32, #tpu.memory_space<hbm>>
      %dma_wait3A_59 = tpu.memref_squeeze %dma_wait3A_58 : memref<1x128x128xf32, #tpu.memory_space<hbm>> -> memref<128x128xf32, #tpu.memory_space<hbm>>
      tpu.wait_dma2 semaphore(%run_scoped3A : memref<!tpu.dma_semaphore, #tpu.memory_space<semaphore_mem>>) src(%arg7 : memref<128x128xf32, #tpu.memory_space<vmem>>) dst(%dma_wait3A_59 : memref<128x128xf32, #tpu.memory_space<hbm>>)
      tpu.yield
    }) : () -> ()
    %mul3A_46 = arith.constant 640 : i32
    %mul3A_47 = arith.muli %arg1, %mul3A_46 : i32
    %add3A_48 = arith.constant 512 : i32
    %add3A_49 = arith.addi %mul3A_47, %add3A_48 : i32
    "tpu.region"() ({
      %run_scoped3A = tpu.sem_alloc : memref<!tpu.dma_semaphore, #tpu.memory_space<semaphore_mem>>
      %dma_start3A = arith.constant 0 : i32
      %dma_start3A_50 = tpu.memref_slice %arg8[%add3A_49, %dma_start3A] : memref<10240x128xf32, #tpu.memory_space<vmem_shared>> -> memref<128x128xf32, #tpu.memory_space<vmem_shared>>
      %dma_start3A_51 = arith.constant 0 : i32
      %dma_start3A_52 = tpu.memref_slice %arg8[%add3A_49, %dma_start3A_51] : memref<10240x128xf32, #tpu.memory_space<vmem_shared>> -> memref<128x128xf32, #tpu.memory_space<vmem_shared>>
      tpu.enqueue_dma source(%dma_start3A_52 : memref<128x128xf32, #tpu.memory_space<vmem_shared>>) target(%arg7 : memref<128x128xf32, #tpu.memory_space<vmem>>) target_semaphore(%run_scoped3A : memref<!tpu.dma_semaphore, #tpu.memory_space<semaphore_mem>>)
      %dma_wait3A = arith.constant 0 : i32
      %dma_wait3A_53 = tpu.memref_slice %arg8[%add3A_49, %dma_wait3A] : memref<10240x128xf32, #tpu.memory_space<vmem_shared>> -> memref<128x128xf32, #tpu.memory_space<vmem_shared>>
      %dma_wait3A_54 = arith.constant 0 : i32
      %dma_wait3A_55 = tpu.memref_slice %arg8[%add3A_49, %dma_wait3A_54] : memref<10240x128xf32, #tpu.memory_space<vmem_shared>> -> memref<128x128xf32, #tpu.memory_space<vmem_shared>>
      tpu.wait_dma2 semaphore(%run_scoped3A : memref<!tpu.dma_semaphore, #tpu.memory_space<semaphore_mem>>) src(%dma_wait3A_55 : memref<128x128xf32, #tpu.memory_space<vmem_shared>>) dst(%arg7 : memref<128x128xf32, #tpu.memory_space<vmem>>)
      tpu.yield
    }) : () -> ()
    "tpu.region"() ({
      %run_scoped3A = tpu.sem_alloc : memref<!tpu.dma_semaphore, #tpu.memory_space<semaphore_mem>>
      %dma_start3A = arith.constant 0 : i32
      %dma_start3A_50 = tpu.memref_slice %arg5[%arg0, %add3A_49, %dma_start3A] : memref<2x10240x128xf32, #tpu.memory_space<hbm>> -> memref<1x128x128xf32, #tpu.memory_space<hbm>>
      %dma_start3A_51 = tpu.memref_squeeze %dma_start3A_50 : memref<1x128x128xf32, #tpu.memory_space<hbm>> -> memref<128x128xf32, #tpu.memory_space<hbm>>
      %dma_start3A_52 = arith.constant 0 : i32
      %dma_start3A_53 = tpu.memref_slice %arg5[%arg0, %add3A_49, %dma_start3A_52] : memref<2x10240x128xf32, #tpu.memory_space<hbm>> -> memref<1x128x128xf32, #tpu.memory_space<hbm>>
      %dma_start3A_54 = tpu.memref_squeeze %dma_start3A_53 : memref<1x128x128xf32, #tpu.memory_space<hbm>> -> memref<128x128xf32, #tpu.memory_space<hbm>>
      tpu.enqueue_dma source(%arg7 : memref<128x128xf32, #tpu.memory_space<vmem>>) target(%dma_start3A_54 : memref<128x128xf32, #tpu.memory_space<hbm>>) target_semaphore(%run_scoped3A : memref<!tpu.dma_semaphore, #tpu.memory_space<semaphore_mem>>)
      %dma_wait3A = arith.constant 0 : i32
      %dma_wait3A_55 = tpu.memref_slice %arg5[%arg0, %add3A_49, %dma_wait3A] : memref<2x10240x128xf32, #tpu.memory_space<hbm>> -> memref<1x128x128xf32, #tpu.memory_space<hbm>>
      %dma_wait3A_56 = tpu.memref_squeeze %dma_wait3A_55 : memref<1x128x128xf32, #tpu.memory_space<hbm>> -> memref<128x128xf32, #tpu.memory_space<hbm>>
      %dma_wait3A_57 = arith.constant 0 : i32
      %dma_wait3A_58 = tpu.memref_slice %arg5[%arg0, %add3A_49, %dma_wait3A_57] : memref<2x10240x128xf32, #tpu.memory_space<hbm>> -> memref<1x128x128xf32, #tpu.memory_space<hbm>>
      %dma_wait3A_59 = tpu.memref_squeeze %dma_wait3A_58 : memref<1x128x128xf32, #tpu.memory_space<hbm>> -> memref<128x128xf32, #tpu.memory_space<hbm>>
      tpu.wait_dma2 semaphore(%run_scoped3A : memref<!tpu.dma_semaphore, #tpu.memory_space<semaphore_mem>>) src(%arg7 : memref<128x128xf32, #tpu.memory_space<vmem>>) dst(%dma_wait3A_59 : memref<128x128xf32, #tpu.memory_space<hbm>>)
      tpu.yield
    }) : () -> ()
    return
  }
}

module attributes {stable_mosaic.version = 14 : i64} {
  func.func @body(%arg0: i32, %arg1: memref<2000x11xf32, #tpu.memory_space<vmem>>, %arg2: memref<11x128xf32, #tpu.memory_space<vmem>>, %arg3: memref<1x128xf32, #tpu.memory_space<vmem>>, %arg4: memref<128x128xf32, #tpu.memory_space<vmem>>, %arg5: memref<128x128xf32, #tpu.memory_space<vmem>>, %arg6: memref<2000x128xf32, #tpu.memory_space<vmem>>, %arg7: memref<2000x128xf32, #tpu.memory_space<vmem>>, %arg8: memref<2000x128xf32, #tpu.memory_space<vmem>>) attributes {dimension_semantics = [#tpu.dimension_semantics<arbitrary>], iteration_bounds = array<i64: 5>, scalar_prefetch = 0 : i64, scratch_operands = 0 : i64, tpu.core_type = #tpu.core_type<tc>, window_params = [{transform_indices = @transform_0, window_bounds = array<i64: 2000, 11>}, {pipeline_mode = #tpu.pipeline_mode<synchronous>, transform_indices = @transform_1, window_bounds = array<i64: 11, 128>}, {pipeline_mode = #tpu.pipeline_mode<synchronous>, transform_indices = @transform_2, window_bounds = array<i64: 1, 128>}, {pipeline_mode = #tpu.pipeline_mode<synchronous>, transform_indices = @transform_3, window_bounds = array<i64: 128, 128>}, {pipeline_mode = #tpu.pipeline_mode<synchronous>, transform_indices = @transform_4, window_bounds = array<i64: 128, 128>}, {transform_indices = @transform_5, window_bounds = array<i64: 2000, 128>}, {transform_indices = @transform_6, window_bounds = array<i64: 2000, 128>}, {transform_indices = @transform_7, window_bounds = array<i64: 2000, 128>}]} {
    %get3A = arith.constant 0 : index
    %get3A_0 = arith.constant 0 : index
    %get3A_1 = vector.load %arg1[%get3A, %get3A_0] : memref<2000x11xf32, #tpu.memory_space<vmem>>, vector<2000x11xf32>
    %get3A_2 = arith.constant 0 : index
    %get3A_3 = arith.constant 0 : index
    %get3A_4 = vector.load %arg2[%get3A_2, %get3A_3] : memref<11x128xf32, #tpu.memory_space<vmem>>, vector<11x128xf32>
    %dot_general3A = arith.constant dense<0.000000e+00> : vector<2000x128xf32>
    %dot_general3A_5 = tpu.matmul %get3A_1, %get3A_4, %dot_general3A {dimension_numbers = #tpu.dot_dimension_numbers<[1], [0], [0], [1], [0, 0, 1, 1], [], []>, transpose_lhs_hint = false} : vector<2000x11xf32>, vector<11x128xf32>, vector<2000x128xf32> -> vector<2000x128xf32>
    %get3A_6 = arith.constant 0 : index
    %get3A_7 = arith.constant 0 : index
    %get3A_8 = vector.load %arg3[%get3A_6, %get3A_7] : memref<1x128xf32, #tpu.memory_space<vmem>>, vector<1x128xf32>
    %add3A = vector.broadcast %get3A_8 : vector<1x128xf32> to vector<2000x128xf32>
    %add3A_9 = arith.addf %dot_general3A_5, %add3A : vector<2000x128xf32>
    %swap3A = arith.constant 0 : index
    %swap3A_10 = arith.constant 0 : index
    %swap3A_11 = vector.load %arg6[%swap3A, %swap3A_10] : memref<2000x128xf32, #tpu.memory_space<vmem>>, vector<2000x128xf32>
    tpu.vector_store %arg6[%swap3A, %swap3A_10], %add3A_9 {strides = array<i32>} : memref<2000x128xf32, #tpu.memory_space<vmem>>, vector<2000x128xf32>,
    %get3A_12 = arith.constant 0 : index
    %get3A_13 = arith.constant 0 : index
    %get3A_14 = vector.load %arg4[%get3A_12, %get3A_13] : memref<128x128xf32, #tpu.memory_space<vmem>>, vector<128x128xf32>
    %dot_general3A_15 = arith.constant dense<0.000000e+00> : vector<2000x128xf32>
    %dot_general3A_16 = tpu.matmul %add3A_9, %get3A_14, %dot_general3A_15 {dimension_numbers = #tpu.dot_dimension_numbers<[1], [0], [0], [1], [0, 0, 1, 1], [], []>, transpose_lhs_hint = false} : vector<2000x128xf32>, vector<128x128xf32>, vector<2000x128xf32> -> vector<2000x128xf32>
    %swap3A_17 = arith.constant 0 : index
    %swap3A_18 = arith.constant 0 : index
    %swap3A_19 = vector.load %arg7[%swap3A_17, %swap3A_18] : memref<2000x128xf32, #tpu.memory_space<vmem>>, vector<2000x128xf32>
    tpu.vector_store %arg7[%swap3A_17, %swap3A_18], %dot_general3A_16 {strides = array<i32>} : memref<2000x128xf32, #tpu.memory_space<vmem>>, vector<2000x128xf32>,
    %get3A_20 = arith.constant 0 : index
    %get3A_21 = arith.constant 0 : index
    %get3A_22 = vector.load %arg5[%get3A_20, %get3A_21] : memref<128x128xf32, #tpu.memory_space<vmem>>, vector<128x128xf32>
    %dot_general3A_23 = arith.constant dense<0.000000e+00> : vector<2000x128xf32>
    %dot_general3A_24 = tpu.matmul %add3A_9, %get3A_22, %dot_general3A_23 {dimension_numbers = #tpu.dot_dimension_numbers<[1], [0], [0], [1], [0, 0, 1, 1], [], []>, transpose_lhs_hint = false} : vector<2000x128xf32>, vector<128x128xf32>, vector<2000x128xf32> -> vector<2000x128xf32>
    %swap3A_25 = arith.constant 0 : index
    %swap3A_26 = arith.constant 0 : index
    %swap3A_27 = vector.load %arg8[%swap3A_25, %swap3A_26] : memref<2000x128xf32, #tpu.memory_space<vmem>>, vector<2000x128xf32>
    tpu.vector_store %arg8[%swap3A_25, %swap3A_26], %dot_general3A_24 {strides = array<i32>} : memref<2000x128xf32, #tpu.memory_space<vmem>>, vector<2000x128xf32>,
    return
  }
  func.func @transform_0(%arg0: i32) -> (i32, i32) {
    %c0_i32 = arith.constant 0 : i32
    %c0_i32_0 = arith.constant 0 : i32
    return %arg0, %c0_i32 : i32, i32
  }
  func.func @transform_1(%arg0: i32) -> (i32, i32) {
    %c0_i32 = arith.constant 0 : i32
    %c0_i32_0 = arith.constant 0 : i32
    %c0_i32_1 = arith.constant 0 : i32
    return %c0_i32, %c0_i32_0 : i32, i32
  }
  func.func @transform_2(%arg0: i32) -> (i32, i32) {
    %c0_i32 = arith.constant 0 : i32
    %c0_i32_0 = arith.constant 0 : i32
    %c0_i32_1 = arith.constant 0 : i32
    return %c0_i32, %c0_i32_0 : i32, i32
  }
  func.func @transform_3(%arg0: i32) -> (i32, i32) {
    %c0_i32 = arith.constant 0 : i32
    %c0_i32_0 = arith.constant 0 : i32
    %c0_i32_1 = arith.constant 0 : i32
    return %c0_i32, %c0_i32_0 : i32, i32
  }
  func.func @transform_4(%arg0: i32) -> (i32, i32) {
    %c0_i32 = arith.constant 0 : i32
    %c0_i32_0 = arith.constant 0 : i32
    %c0_i32_1 = arith.constant 0 : i32
    return %c0_i32, %c0_i32_0 : i32, i32
  }
  func.func @transform_5(%arg0: i32) -> (i32, i32) {
    %c0_i32 = arith.constant 0 : i32
    %c0_i32_0 = arith.constant 0 : i32
    return %arg0, %c0_i32 : i32, i32
  }
  func.func @transform_6(%arg0: i32) -> (i32, i32) {
    %c0_i32 = arith.constant 0 : i32
    %c0_i32_0 = arith.constant 0 : i32
    return %arg0, %c0_i32 : i32, i32
  }
  func.func @transform_7(%arg0: i32) -> (i32, i32) {
    %c0_i32 = arith.constant 0 : i32
    %c0_i32_0 = arith.constant 0 : i32
    return %arg0, %c0_i32 : i32, i32
  }
}

module attributes {stable_mosaic.version = 14 : i64} {
  func.func @body(%arg0: i32, %arg1: memref<2048x128xf32, #tpu.memory_space<vmem>>, %arg2: memref<2048x1xf32, #tpu.memory_space<vmem>>, %arg3: memref<2048x4xf32, #tpu.memory_space<vmem>>, %arg4: memref<1x128xf32, #tpu.memory_space<vmem>>, %arg5: memref<4x128xf32, #tpu.memory_space<vmem>>, %arg6: memref<1x128xf32, #tpu.memory_space<vmem>>, %arg7: memref<128x128xf32, #tpu.memory_space<vmem>>, %arg8: memref<1x128xf32, #tpu.memory_space<vmem>>, %arg9: memref<2048x128xf32, #tpu.memory_space<vmem>>) attributes {dimension_semantics = [#tpu.dimension_semantics<arbitrary>], iteration_bounds = array<i64: 160>, scalar_prefetch = 0 : i64, scratch_operands = 0 : i64, tpu.core_type = #tpu.core_type<tc>, window_params = [{transform_indices = @transform_0, window_bounds = array<i64: 2048, 128>}, {transform_indices = @transform_1, window_bounds = array<i64: 2048, 1>}, {transform_indices = @transform_2, window_bounds = array<i64: 2048, 4>}, {pipeline_mode = #tpu.pipeline_mode<synchronous>, transform_indices = @transform_3, window_bounds = array<i64: 1, 128>}, {pipeline_mode = #tpu.pipeline_mode<synchronous>, transform_indices = @transform_4, window_bounds = array<i64: 4, 128>}, {pipeline_mode = #tpu.pipeline_mode<synchronous>, transform_indices = @transform_5, window_bounds = array<i64: 1, 128>}, {pipeline_mode = #tpu.pipeline_mode<synchronous>, transform_indices = @transform_6, window_bounds = array<i64: 128, 128>}, {pipeline_mode = #tpu.pipeline_mode<synchronous>, transform_indices = @transform_7, window_bounds = array<i64: 1, 128>}, {transform_indices = @transform_8, window_bounds = array<i64: 2048, 128>}]} {
    %get3A = arith.constant 0 : index
    %get3A_0 = arith.constant 0 : index
    %get3A_1 = vector.load %arg1[%get3A, %get3A_0] : memref<2048x128xf32, #tpu.memory_space<vmem>>, vector<2048x128xf32>
    %get3A_2 = arith.constant 0 : index
    %get3A_3 = arith.constant 0 : index
    %get3A_4 = vector.load %arg2[%get3A_2, %get3A_3] : memref<2048x1xf32, #tpu.memory_space<vmem>>, vector<2048x1xf32>
    %get3A_5 = arith.constant 0 : index
    %get3A_6 = arith.constant 0 : index
    %get3A_7 = vector.load %arg4[%get3A_5, %get3A_6] : memref<1x128xf32, #tpu.memory_space<vmem>>, vector<1x128xf32>
    %mul3A = vector.broadcast %get3A_4 : vector<2048x1xf32> to vector<2048x128xf32>
    %mul3A_8 = vector.broadcast %get3A_7 : vector<1x128xf32> to vector<2048x128xf32>
    %mul3A_9 = arith.mulf %mul3A, %mul3A_8 : vector<2048x128xf32>
    %add3A = arith.addf %get3A_1, %mul3A_9 : vector<2048x128xf32>
    %get3A_10 = arith.constant 0 : index
    %get3A_11 = arith.constant 0 : index
    %get3A_12 = vector.load %arg3[%get3A_10, %get3A_11] : memref<2048x4xf32, #tpu.memory_space<vmem>>, vector<2048x4xf32>
    %get3A_13 = arith.constant 0 : index
    %get3A_14 = arith.constant 0 : index
    %get3A_15 = vector.load %arg5[%get3A_13, %get3A_14] : memref<4x128xf32, #tpu.memory_space<vmem>>, vector<4x128xf32>
    %dot_general3A = arith.constant dense<0.000000e+00> : vector<2048x128xf32>
    %dot_general3A_16 = tpu.matmul %get3A_12, %get3A_15, %dot_general3A {dimension_numbers = #tpu.dot_dimension_numbers<[1], [0], [0], [1], [0, 0, 1, 1], [], []>, transpose_lhs_hint = false} : vector<2048x4xf32>, vector<4x128xf32>, vector<2048x128xf32> -> vector<2048x128xf32>
    %add3A_17 = arith.addf %add3A, %dot_general3A_16 : vector<2048x128xf32>
    %get3A_18 = arith.constant 0 : index
    %get3A_19 = arith.constant 0 : index
    %get3A_20 = vector.load %arg6[%get3A_18, %get3A_19] : memref<1x128xf32, #tpu.memory_space<vmem>>, vector<1x128xf32>
    %add3A_21 = vector.broadcast %get3A_20 : vector<1x128xf32> to vector<2048x128xf32>
    %add3A_22 = arith.addf %add3A_17, %add3A_21 : vector<2048x128xf32>
    %gt3A = arith.constant 0.000000e+00 : f32
    %gt3A_23 = vector.broadcast %gt3A : f32 to vector<2048x128xf32>
    %gt3A_24 = arith.cmpf ogt, %add3A_22, %gt3A_23 : vector<2048x128xf32>
    %exp3A = math.exp %add3A_22 : vector<2048x128xf32>
    %sub3A = arith.constant 1.000000e+00 : f32
    %sub3A_25 = vector.broadcast %sub3A : f32 to vector<2048x128xf32>
    %sub3A_26 = arith.subf %exp3A, %sub3A_25 : vector<2048x128xf32>
    %select_n3A = arith.select %gt3A_24, %add3A_22, %sub3A_26 : vector<2048x128xi1>, vector<2048x128xf32>
    %get3A_27 = arith.constant 0 : index
    %get3A_28 = arith.constant 0 : index
    %get3A_29 = vector.load %arg7[%get3A_27, %get3A_28] : memref<128x128xf32, #tpu.memory_space<vmem>>, vector<128x128xf32>
    %dot_general3A_30 = arith.constant dense<0.000000e+00> : vector<2048x128xf32>
    %dot_general3A_31 = tpu.matmul %select_n3A, %get3A_29, %dot_general3A_30 {dimension_numbers = #tpu.dot_dimension_numbers<[1], [0], [0], [1], [0, 0, 1, 1], [], []>, transpose_lhs_hint = false} : vector<2048x128xf32>, vector<128x128xf32>, vector<2048x128xf32> -> vector<2048x128xf32>
    %get3A_32 = arith.constant 0 : index
    %get3A_33 = arith.constant 0 : index
    %get3A_34 = vector.load %arg8[%get3A_32, %get3A_33] : memref<1x128xf32, #tpu.memory_space<vmem>>, vector<1x128xf32>
    %add3A_35 = vector.broadcast %get3A_34 : vector<1x128xf32> to vector<2048x128xf32>
    %add3A_36 = arith.addf %dot_general3A_31, %add3A_35 : vector<2048x128xf32>
    %gt3A_37 = arith.constant 0.000000e+00 : f32
    %gt3A_38 = vector.broadcast %gt3A_37 : f32 to vector<2048x128xf32>
    %gt3A_39 = arith.cmpf ogt, %add3A_36, %gt3A_38 : vector<2048x128xf32>
    %exp3A_40 = math.exp %add3A_36 : vector<2048x128xf32>
    %sub3A_41 = arith.constant 1.000000e+00 : f32
    %sub3A_42 = vector.broadcast %sub3A_41 : f32 to vector<2048x128xf32>
    %sub3A_43 = arith.subf %exp3A_40, %sub3A_42 : vector<2048x128xf32>
    %select_n3A_44 = arith.select %gt3A_39, %add3A_36, %sub3A_43 : vector<2048x128xi1>, vector<2048x128xf32>
    %swap3A = arith.constant 0 : index
    %swap3A_45 = arith.constant 0 : index
    %swap3A_46 = vector.load %arg9[%swap3A, %swap3A_45] : memref<2048x128xf32, #tpu.memory_space<vmem>>, vector<2048x128xf32>
    tpu.vector_store %arg9[%swap3A, %swap3A_45], %select_n3A_44 {strides = array<i32>} : memref<2048x128xf32, #tpu.memory_space<vmem>>, vector<2048x128xf32>,
    return
  }
  func.func @transform_0(%arg0: i32) -> (i32, i32) {
    %c0_i32 = arith.constant 0 : i32
    %c0_i32_0 = arith.constant 0 : i32
    return %arg0, %c0_i32 : i32, i32
  }
  func.func @transform_1(%arg0: i32) -> (i32, i32) {
    %c0_i32 = arith.constant 0 : i32
    %c0_i32_0 = arith.constant 0 : i32
    return %arg0, %c0_i32 : i32, i32
  }
  func.func @transform_2(%arg0: i32) -> (i32, i32) {
    %c0_i32 = arith.constant 0 : i32
    %c0_i32_0 = arith.constant 0 : i32
    return %arg0, %c0_i32 : i32, i32
  }
  func.func @transform_3(%arg0: i32) -> (i32, i32) {
    %c0_i32 = arith.constant 0 : i32
    %c0_i32_0 = arith.constant 0 : i32
    %c0_i32_1 = arith.constant 0 : i32
    return %c0_i32, %c0_i32_0 : i32, i32
  }
  func.func @transform_4(%arg0: i32) -> (i32, i32) {
    %c0_i32 = arith.constant 0 : i32
    %c0_i32_0 = arith.constant 0 : i32
    %c0_i32_1 = arith.constant 0 : i32
    return %c0_i32, %c0_i32_0 : i32, i32
  }
  func.func @transform_5(%arg0: i32) -> (i32, i32) {
    %c0_i32 = arith.constant 0 : i32
    %c0_i32_0 = arith.constant 0 : i32
    %c0_i32_1 = arith.constant 0 : i32
    return %c0_i32, %c0_i32_0 : i32, i32
  }
  func.func @transform_6(%arg0: i32) -> (i32, i32) {
    %c0_i32 = arith.constant 0 : i32
    %c0_i32_0 = arith.constant 0 : i32
    %c0_i32_1 = arith.constant 0 : i32
    return %c0_i32, %c0_i32_0 : i32, i32
  }
  func.func @transform_7(%arg0: i32) -> (i32, i32) {
    %c0_i32 = arith.constant 0 : i32
    %c0_i32_0 = arith.constant 0 : i32
    %c0_i32_1 = arith.constant 0 : i32
    return %c0_i32, %c0_i32_0 : i32, i32
  }
  func.func @transform_8(%arg0: i32) -> (i32, i32) {
    %c0_i32 = arith.constant 0 : i32
    %c0_i32_0 = arith.constant 0 : i32
    return %arg0, %c0_i32 : i32, i32
  }
}

module attributes {stable_mosaic.version = 14 : i64} {
  func.func @body(%arg0: i32, %arg1: memref<2000x128xf32, #tpu.memory_space<vmem>>, %arg2: memref<2x2000x128xf32, #tpu.memory_space<vmem>>, %arg3: memref<128x128xf32, #tpu.memory_space<vmem>>, %arg4: memref<128x128xf32, #tpu.memory_space<vmem>>, %arg5: memref<1x128xf32, #tpu.memory_space<vmem>>, %arg6: memref<128x128xf32, #tpu.memory_space<vmem>>, %arg7: memref<1x128xf32, #tpu.memory_space<vmem>>, %arg8: memref<128x128xf32, #tpu.memory_space<vmem>>, %arg9: memref<128x128xf32, #tpu.memory_space<vmem>>, %arg10: memref<2000x128xf32, #tpu.memory_space<vmem>>, %arg11: memref<2000x128xf32, #tpu.memory_space<vmem>>, %arg12: memref<2000x128xf32, #tpu.memory_space<vmem>>) attributes {dimension_semantics = [#tpu.dimension_semantics<arbitrary>], iteration_bounds = array<i64: 5>, scalar_prefetch = 0 : i64, scratch_operands = 0 : i64, tpu.core_type = #tpu.core_type<tc>, window_params = [{transform_indices = @transform_0, window_bounds = array<i64: 2000, 128>}, {transform_indices = @transform_1, window_bounds = array<i64: 2, 2000, 128>}, {pipeline_mode = #tpu.pipeline_mode<synchronous>, transform_indices = @transform_2, window_bounds = array<i64: 128, 128>}, {pipeline_mode = #tpu.pipeline_mode<synchronous>, transform_indices = @transform_3, window_bounds = array<i64: 128, 128>}, {pipeline_mode = #tpu.pipeline_mode<synchronous>, transform_indices = @transform_4, window_bounds = array<i64: 1, 128>}, {pipeline_mode = #tpu.pipeline_mode<synchronous>, transform_indices = @transform_5, window_bounds = array<i64: 128, 128>}, {pipeline_mode = #tpu.pipeline_mode<synchronous>, transform_indices = @transform_6, window_bounds = array<i64: 1, 128>}, {pipeline_mode = #tpu.pipeline_mode<synchronous>, transform_indices = @transform_7, window_bounds = array<i64: 128, 128>}, {pipeline_mode = #tpu.pipeline_mode<synchronous>, transform_indices = @transform_8, window_bounds = array<i64: 128, 128>}, {transform_indices = @transform_9, window_bounds = array<i64: 2000, 128>}, {transform_indices = @transform_10, window_bounds = array<i64: 2000, 128>}, {transform_indices = @transform_11, window_bounds = array<i64: 2000, 128>}]} {
    %get3A = arith.constant 0 : index
    %get3A_0 = arith.constant 0 : index
    %get3A_1 = arith.constant 0 : index
    %get3A_2 = vector.load %arg2[%get3A, %get3A_0, %get3A_1] : memref<2x2000x128xf32, #tpu.memory_space<vmem>>, vector<1x2000x128xf32>
    %get3A_3 = vector.shape_cast %get3A_2 : vector<1x2000x128xf32> to vector<2000x128xf32>
    %get3A_4 = arith.constant 1 : index
    %get3A_5 = arith.constant 0 : index
    %get3A_6 = arith.constant 0 : index
    %get3A_7 = vector.load %arg2[%get3A_4, %get3A_5, %get3A_6] : memref<2x2000x128xf32, #tpu.memory_space<vmem>>, vector<1x2000x128xf32>
    %get3A_8 = vector.shape_cast %get3A_7 : vector<1x2000x128xf32> to vector<2000x128xf32>
    %add3A = arith.addf %get3A_3, %get3A_8 : vector<2000x128xf32>
    %get3A_9 = arith.constant 0 : index
    %get3A_10 = arith.constant 0 : index
    %get3A_11 = vector.load %arg1[%get3A_9, %get3A_10] : memref<2000x128xf32, #tpu.memory_space<vmem>>, vector<2000x128xf32>
    %get3A_12 = arith.constant 0 : index
    %get3A_13 = arith.constant 0 : index
    %get3A_14 = vector.load %arg3[%get3A_12, %get3A_13] : memref<128x128xf32, #tpu.memory_space<vmem>>, vector<128x128xf32>
    %dot_general3A = arith.constant dense<0.000000e+00> : vector<2000x128xf32>
    %dot_general3A_15 = tpu.matmul %get3A_11, %get3A_14, %dot_general3A {dimension_numbers = #tpu.dot_dimension_numbers<[1], [0], [0], [1], [0, 0, 1, 1], [], []>, transpose_lhs_hint = false} : vector<2000x128xf32>, vector<128x128xf32>, vector<2000x128xf32> -> vector<2000x128xf32>
    %get3A_16 = arith.constant 0 : index
    %get3A_17 = arith.constant 0 : index
    %get3A_18 = vector.load %arg4[%get3A_16, %get3A_17] : memref<128x128xf32, #tpu.memory_space<vmem>>, vector<128x128xf32>
    %dot_general3A_19 = arith.constant dense<0.000000e+00> : vector<2000x128xf32>
    %dot_general3A_20 = tpu.matmul %add3A, %get3A_18, %dot_general3A_19 {dimension_numbers = #tpu.dot_dimension_numbers<[1], [0], [0], [1], [0, 0, 1, 1], [], []>, transpose_lhs_hint = false} : vector<2000x128xf32>, vector<128x128xf32>, vector<2000x128xf32> -> vector<2000x128xf32>
    %add3A_21 = arith.addf %dot_general3A_15, %dot_general3A_20 : vector<2000x128xf32>
    %get3A_22 = arith.constant 0 : index
    %get3A_23 = arith.constant 0 : index
    %get3A_24 = vector.load %arg5[%get3A_22, %get3A_23] : memref<1x128xf32, #tpu.memory_space<vmem>>, vector<1x128xf32>
    %add3A_25 = vector.broadcast %get3A_24 : vector<1x128xf32> to vector<2000x128xf32>
    %add3A_26 = arith.addf %add3A_21, %add3A_25 : vector<2000x128xf32>
    %gt3A = arith.constant 0.000000e+00 : f32
    %gt3A_27 = vector.broadcast %gt3A : f32 to vector<2000x128xf32>
    %gt3A_28 = arith.cmpf ogt, %add3A_26, %gt3A_27 : vector<2000x128xf32>
    %exp3A = math.exp %add3A_26 : vector<2000x128xf32>
    %sub3A = arith.constant 1.000000e+00 : f32
    %sub3A_29 = vector.broadcast %sub3A : f32 to vector<2000x128xf32>
    %sub3A_30 = arith.subf %exp3A, %sub3A_29 : vector<2000x128xf32>
    %select_n3A = arith.select %gt3A_28, %add3A_26, %sub3A_30 : vector<2000x128xi1>, vector<2000x128xf32>
    %get3A_31 = arith.constant 0 : index
    %get3A_32 = arith.constant 0 : index
    %get3A_33 = vector.load %arg6[%get3A_31, %get3A_32] : memref<128x128xf32, #tpu.memory_space<vmem>>, vector<128x128xf32>
    %dot_general3A_34 = arith.constant dense<0.000000e+00> : vector<2000x128xf32>
    %dot_general3A_35 = tpu.matmul %select_n3A, %get3A_33, %dot_general3A_34 {dimension_numbers = #tpu.dot_dimension_numbers<[1], [0], [0], [1], [0, 0, 1, 1], [], []>, transpose_lhs_hint = false} : vector<2000x128xf32>, vector<128x128xf32>, vector<2000x128xf32> -> vector<2000x128xf32>
    %get3A_36 = arith.constant 0 : index
    %get3A_37 = arith.constant 0 : index
    %get3A_38 = vector.load %arg7[%get3A_36, %get3A_37] : memref<1x128xf32, #tpu.memory_space<vmem>>, vector<1x128xf32>
    %add3A_39 = vector.broadcast %get3A_38 : vector<1x128xf32> to vector<2000x128xf32>
    %add3A_40 = arith.addf %dot_general3A_35, %add3A_39 : vector<2000x128xf32>
    %swap3A = arith.constant 0 : index
    %swap3A_41 = arith.constant 0 : index
    %swap3A_42 = vector.load %arg10[%swap3A, %swap3A_41] : memref<2000x128xf32, #tpu.memory_space<vmem>>, vector<2000x128xf32>
    tpu.vector_store %arg10[%swap3A, %swap3A_41], %add3A_40 {strides = array<i32>} : memref<2000x128xf32, #tpu.memory_space<vmem>>, vector<2000x128xf32>,
    %get3A_43 = arith.constant 0 : index
    %get3A_44 = arith.constant 0 : index
    %get3A_45 = vector.load %arg8[%get3A_43, %get3A_44] : memref<128x128xf32, #tpu.memory_space<vmem>>, vector<128x128xf32>
    %dot_general3A_46 = arith.constant dense<0.000000e+00> : vector<2000x128xf32>
    %dot_general3A_47 = tpu.matmul %add3A_40, %get3A_45, %dot_general3A_46 {dimension_numbers = #tpu.dot_dimension_numbers<[1], [0], [0], [1], [0, 0, 1, 1], [], []>, transpose_lhs_hint = false} : vector<2000x128xf32>, vector<128x128xf32>, vector<2000x128xf32> -> vector<2000x128xf32>
    %swap3A_48 = arith.constant 0 : index
    %swap3A_49 = arith.constant 0 : index
    %swap3A_50 = vector.load %arg11[%swap3A_48, %swap3A_49] : memref<2000x128xf32, #tpu.memory_space<vmem>>, vector<2000x128xf32>
    tpu.vector_store %arg11[%swap3A_48, %swap3A_49], %dot_general3A_47 {strides = array<i32>} : memref<2000x128xf32, #tpu.memory_space<vmem>>, vector<2000x128xf32>,
    %get3A_51 = arith.constant 0 : index
    %get3A_52 = arith.constant 0 : index
    %get3A_53 = vector.load %arg9[%get3A_51, %get3A_52] : memref<128x128xf32, #tpu.memory_space<vmem>>, vector<128x128xf32>
    %dot_general3A_54 = arith.constant dense<0.000000e+00> : vector<2000x128xf32>
    %dot_general3A_55 = tpu.matmul %add3A_40, %get3A_53, %dot_general3A_54 {dimension_numbers = #tpu.dot_dimension_numbers<[1], [0], [0], [1], [0, 0, 1, 1], [], []>, transpose_lhs_hint = false} : vector<2000x128xf32>, vector<128x128xf32>, vector<2000x128xf32> -> vector<2000x128xf32>
    %swap3A_56 = arith.constant 0 : index
    %swap3A_57 = arith.constant 0 : index
    %swap3A_58 = vector.load %arg12[%swap3A_56, %swap3A_57] : memref<2000x128xf32, #tpu.memory_space<vmem>>, vector<2000x128xf32>
    tpu.vector_store %arg12[%swap3A_56, %swap3A_57], %dot_general3A_55 {strides = array<i32>} : memref<2000x128xf32, #tpu.memory_space<vmem>>, vector<2000x128xf32>,
    return
  }
  func.func @transform_0(%arg0: i32) -> (i32, i32) {
    %c0_i32 = arith.constant 0 : i32
    %c0_i32_0 = arith.constant 0 : i32
    return %arg0, %c0_i32 : i32, i32
  }
  func.func @transform_1(%arg0: i32) -> (i32, i32, i32) {
    %c0_i32 = arith.constant 0 : i32
    %c0_i32_0 = arith.constant 0 : i32
    %c0_i32_1 = arith.constant 0 : i32
    return %c0_i32, %arg0, %c0_i32_0 : i32, i32, i32
  }
  func.func @transform_2(%arg0: i32) -> (i32, i32) {
    %c0_i32 = arith.constant 0 : i32
    %c0_i32_0 = arith.constant 0 : i32
    %c0_i32_1 = arith.constant 0 : i32
    return %c0_i32, %c0_i32_0 : i32, i32
  }
  func.func @transform_3(%arg0: i32) -> (i32, i32) {
    %c0_i32 = arith.constant 0 : i32
    %c0_i32_0 = arith.constant 0 : i32
    %c0_i32_1 = arith.constant 0 : i32
    return %c0_i32, %c0_i32_0 : i32, i32
  }
  func.func @transform_4(%arg0: i32) -> (i32, i32) {
    %c0_i32 = arith.constant 0 : i32
    %c0_i32_0 = arith.constant 0 : i32
    %c0_i32_1 = arith.constant 0 : i32
    return %c0_i32, %c0_i32_0 : i32, i32
  }
  func.func @transform_5(%arg0: i32) -> (i32, i32) {
    %c0_i32 = arith.constant 0 : i32
    %c0_i32_0 = arith.constant 0 : i32
    %c0_i32_1 = arith.constant 0 : i32
    return %c0_i32, %c0_i32_0 : i32, i32
  }
  func.func @transform_6(%arg0: i32) -> (i32, i32) {
    %c0_i32 = arith.constant 0 : i32
    %c0_i32_0 = arith.constant 0 : i32
    %c0_i32_1 = arith.constant 0 : i32
    return %c0_i32, %c0_i32_0 : i32, i32
  }
  func.func @transform_7(%arg0: i32) -> (i32, i32) {
    %c0_i32 = arith.constant 0 : i32
    %c0_i32_0 = arith.constant 0 : i32
    %c0_i32_1 = arith.constant 0 : i32
    return %c0_i32, %c0_i32_0 : i32, i32
  }
  func.func @transform_8(%arg0: i32) -> (i32, i32) {
    %c0_i32 = arith.constant 0 : i32
    %c0_i32_0 = arith.constant 0 : i32
    %c0_i32_1 = arith.constant 0 : i32
    return %c0_i32, %c0_i32_0 : i32, i32
  }
  func.func @transform_9(%arg0: i32) -> (i32, i32) {
    %c0_i32 = arith.constant 0 : i32
    %c0_i32_0 = arith.constant 0 : i32
    return %arg0, %c0_i32 : i32, i32
  }
  func.func @transform_10(%arg0: i32) -> (i32, i32) {
    %c0_i32 = arith.constant 0 : i32
    %c0_i32_0 = arith.constant 0 : i32
    return %arg0, %c0_i32 : i32, i32
  }
  func.func @transform_11(%arg0: i32) -> (i32, i32) {
    %c0_i32 = arith.constant 0 : i32
    %c0_i32_0 = arith.constant 0 : i32
    return %arg0, %c0_i32 : i32, i32
  }
}

module attributes {stable_mosaic.version = 14 : i64} {
  func.func @body(%arg0: i32, %arg1: memref<2000x128xf32, #tpu.memory_space<vmem>>, %arg2: memref<2x2000x128xf32, #tpu.memory_space<vmem>>, %arg3: memref<2000x7xf32, #tpu.memory_space<vmem>>, %arg4: memref<2000x64xf32, #tpu.memory_space<vmem>>, %arg5: memref<128x128xf32, #tpu.memory_space<vmem>>, %arg6: memref<128x128xf32, #tpu.memory_space<vmem>>, %arg7: memref<1x128xf32, #tpu.memory_space<vmem>>, %arg8: memref<128x128xf32, #tpu.memory_space<vmem>>, %arg9: memref<1x128xf32, #tpu.memory_space<vmem>>, %arg10: memref<128x64xf32, #tpu.memory_space<vmem>>, %arg11: memref<7x64xf32, #tpu.memory_space<vmem>>, %arg12: memref<1x64xf32, #tpu.memory_space<vmem>>, %arg13: memref<128x64xf32, #tpu.memory_space<vmem>>, %arg14: memref<7x64xf32, #tpu.memory_space<vmem>>, %arg15: memref<1x64xf32, #tpu.memory_space<vmem>>, %arg16: memref<2000x64xf32, #tpu.memory_space<vmem>>) attributes {dimension_semantics = [#tpu.dimension_semantics<arbitrary>], iteration_bounds = array<i64: 5>, scalar_prefetch = 0 : i64, scratch_operands = 0 : i64, tpu.core_type = #tpu.core_type<tc>, window_params = [{transform_indices = @transform_0, window_bounds = array<i64: 2000, 128>}, {transform_indices = @transform_1, window_bounds = array<i64: 2, 2000, 128>}, {transform_indices = @transform_2, window_bounds = array<i64: 2000, 7>}, {transform_indices = @transform_3, window_bounds = array<i64: 2000, 64>}, {pipeline_mode = #tpu.pipeline_mode<synchronous>, transform_indices = @transform_4, window_bounds = array<i64: 128, 128>}, {pipeline_mode = #tpu.pipeline_mode<synchronous>, transform_indices = @transform_5, window_bounds = array<i64: 128, 128>}, {pipeline_mode = #tpu.pipeline_mode<synchronous>, transform_indices = @transform_6, window_bounds = array<i64: 1, 128>}, {pipeline_mode = #tpu.pipeline_mode<synchronous>, transform_indices = @transform_7, window_bounds = array<i64: 128, 128>}, {pipeline_mode = #tpu.pipeline_mode<synchronous>, transform_indices = @transform_8, window_bounds = array<i64: 1, 128>}, {pipeline_mode = #tpu.pipeline_mode<synchronous>, transform_indices = @transform_9, window_bounds = array<i64: 128, 64>}, {pipeline_mode = #tpu.pipeline_mode<synchronous>, transform_indices = @transform_10, window_bounds = array<i64: 7, 64>}, {pipeline_mode = #tpu.pipeline_mode<synchronous>, transform_indices = @transform_11, window_bounds = array<i64: 1, 64>}, {pipeline_mode = #tpu.pipeline_mode<synchronous>, transform_indices = @transform_12, window_bounds = array<i64: 128, 64>}, {pipeline_mode = #tpu.pipeline_mode<synchronous>, transform_indices = @transform_13, window_bounds = array<i64: 7, 64>}, {pipeline_mode = #tpu.pipeline_mode<synchronous>, transform_indices = @transform_14, window_bounds = array<i64: 1, 64>}, {transform_indices = @transform_15, window_bounds = array<i64: 2000, 64>}]} {
    %get3A = arith.constant 0 : index
    %get3A_0 = arith.constant 0 : index
    %get3A_1 = arith.constant 0 : index
    %get3A_2 = vector.load %arg2[%get3A, %get3A_0, %get3A_1] : memref<2x2000x128xf32, #tpu.memory_space<vmem>>, vector<1x2000x128xf32>
    %get3A_3 = vector.shape_cast %get3A_2 : vector<1x2000x128xf32> to vector<2000x128xf32>
    %get3A_4 = arith.constant 1 : index
    %get3A_5 = arith.constant 0 : index
    %get3A_6 = arith.constant 0 : index
    %get3A_7 = vector.load %arg2[%get3A_4, %get3A_5, %get3A_6] : memref<2x2000x128xf32, #tpu.memory_space<vmem>>, vector<1x2000x128xf32>
    %get3A_8 = vector.shape_cast %get3A_7 : vector<1x2000x128xf32> to vector<2000x128xf32>
    %add3A = arith.addf %get3A_3, %get3A_8 : vector<2000x128xf32>
    %get3A_9 = arith.constant 0 : index
    %get3A_10 = arith.constant 0 : index
    %get3A_11 = vector.load %arg1[%get3A_9, %get3A_10] : memref<2000x128xf32, #tpu.memory_space<vmem>>, vector<2000x128xf32>
    %get3A_12 = arith.constant 0 : index
    %get3A_13 = arith.constant 0 : index
    %get3A_14 = vector.load %arg5[%get3A_12, %get3A_13] : memref<128x128xf32, #tpu.memory_space<vmem>>, vector<128x128xf32>
    %dot_general3A = arith.constant dense<0.000000e+00> : vector<2000x128xf32>
    %dot_general3A_15 = tpu.matmul %get3A_11, %get3A_14, %dot_general3A {dimension_numbers = #tpu.dot_dimension_numbers<[1], [0], [0], [1], [0, 0, 1, 1], [], []>, transpose_lhs_hint = false} : vector<2000x128xf32>, vector<128x128xf32>, vector<2000x128xf32> -> vector<2000x128xf32>
    %get3A_16 = arith.constant 0 : index
    %get3A_17 = arith.constant 0 : index
    %get3A_18 = vector.load %arg6[%get3A_16, %get3A_17] : memref<128x128xf32, #tpu.memory_space<vmem>>, vector<128x128xf32>
    %dot_general3A_19 = arith.constant dense<0.000000e+00> : vector<2000x128xf32>
    %dot_general3A_20 = tpu.matmul %add3A, %get3A_18, %dot_general3A_19 {dimension_numbers = #tpu.dot_dimension_numbers<[1], [0], [0], [1], [0, 0, 1, 1], [], []>, transpose_lhs_hint = false} : vector<2000x128xf32>, vector<128x128xf32>, vector<2000x128xf32> -> vector<2000x128xf32>
    %add3A_21 = arith.addf %dot_general3A_15, %dot_general3A_20 : vector<2000x128xf32>
    %get3A_22 = arith.constant 0 : index
    %get3A_23 = arith.constant 0 : index
    %get3A_24 = vector.load %arg7[%get3A_22, %get3A_23] : memref<1x128xf32, #tpu.memory_space<vmem>>, vector<1x128xf32>
    %add3A_25 = vector.broadcast %get3A_24 : vector<1x128xf32> to vector<2000x128xf32>
    %add3A_26 = arith.addf %add3A_21, %add3A_25 : vector<2000x128xf32>
    %gt3A = arith.constant 0.000000e+00 : f32
    %gt3A_27 = vector.broadcast %gt3A : f32 to vector<2000x128xf32>
    %gt3A_28 = arith.cmpf ogt, %add3A_26, %gt3A_27 : vector<2000x128xf32>
    %exp3A = math.exp %add3A_26 : vector<2000x128xf32>
    %sub3A = arith.constant 1.000000e+00 : f32
    %sub3A_29 = vector.broadcast %sub3A : f32 to vector<2000x128xf32>
    %sub3A_30 = arith.subf %exp3A, %sub3A_29 : vector<2000x128xf32>
    %select_n3A = arith.select %gt3A_28, %add3A_26, %sub3A_30 : vector<2000x128xi1>, vector<2000x128xf32>
    %get3A_31 = arith.constant 0 : index
    %get3A_32 = arith.constant 0 : index
    %get3A_33 = vector.load %arg8[%get3A_31, %get3A_32] : memref<128x128xf32, #tpu.memory_space<vmem>>, vector<128x128xf32>
    %dot_general3A_34 = arith.constant dense<0.000000e+00> : vector<2000x128xf32>
    %dot_general3A_35 = tpu.matmul %select_n3A, %get3A_33, %dot_general3A_34 {dimension_numbers = #tpu.dot_dimension_numbers<[1], [0], [0], [1], [0, 0, 1, 1], [], []>, transpose_lhs_hint = false} : vector<2000x128xf32>, vector<128x128xf32>, vector<2000x128xf32> -> vector<2000x128xf32>
    %get3A_36 = arith.constant 0 : index
    %get3A_37 = arith.constant 0 : index
    %get3A_38 = vector.load %arg9[%get3A_36, %get3A_37] : memref<1x128xf32, #tpu.memory_space<vmem>>, vector<1x128xf32>
    %add3A_39 = vector.broadcast %get3A_38 : vector<1x128xf32> to vector<2000x128xf32>
    %add3A_40 = arith.addf %dot_general3A_35, %add3A_39 : vector<2000x128xf32>
    %get3A_41 = arith.constant 0 : index
    %get3A_42 = arith.constant 0 : index
    %get3A_43 = vector.load %arg10[%get3A_41, %get3A_42] : memref<128x64xf32, #tpu.memory_space<vmem>>, vector<128x64xf32>
    %dot_general3A_44 = arith.constant dense<0.000000e+00> : vector<2000x64xf32>
    %dot_general3A_45 = tpu.matmul %add3A_40, %get3A_43, %dot_general3A_44 {dimension_numbers = #tpu.dot_dimension_numbers<[1], [0], [0], [1], [0, 0, 1, 1], [], []>, transpose_lhs_hint = false} : vector<2000x128xf32>, vector<128x64xf32>, vector<2000x64xf32> -> vector<2000x64xf32>
    %get3A_46 = arith.constant 0 : index
    %get3A_47 = arith.constant 0 : index
    %get3A_48 = vector.load %arg3[%get3A_46, %get3A_47] : memref<2000x7xf32, #tpu.memory_space<vmem>>, vector<2000x7xf32>
    %get3A_49 = arith.constant 0 : index
    %get3A_50 = arith.constant 0 : index
    %get3A_51 = vector.load %arg11[%get3A_49, %get3A_50] : memref<7x64xf32, #tpu.memory_space<vmem>>, vector<7x64xf32>
    %dot_general3A_52 = arith.constant dense<0.000000e+00> : vector<2000x64xf32>
    %dot_general3A_53 = tpu.matmul %get3A_48, %get3A_51, %dot_general3A_52 {dimension_numbers = #tpu.dot_dimension_numbers<[1], [0], [0], [1], [0, 0, 1, 1], [], []>, transpose_lhs_hint = false} : vector<2000x7xf32>, vector<7x64xf32>, vector<2000x64xf32> -> vector<2000x64xf32>
    %add3A_54 = arith.addf %dot_general3A_45, %dot_general3A_53 : vector<2000x64xf32>
    %get3A_55 = arith.constant 0 : index
    %get3A_56 = arith.constant 0 : index
    %get3A_57 = vector.load %arg12[%get3A_55, %get3A_56] : memref<1x64xf32, #tpu.memory_space<vmem>>, vector<1x64xf32>
    %add3A_58 = vector.broadcast %get3A_57 : vector<1x64xf32> to vector<2000x64xf32>
    %add3A_59 = arith.addf %add3A_54, %add3A_58 : vector<2000x64xf32>
    %get3A_60 = arith.constant 0 : index
    %get3A_61 = arith.constant 0 : index
    %get3A_62 = vector.load %arg13[%get3A_60, %get3A_61] : memref<128x64xf32, #tpu.memory_space<vmem>>, vector<128x64xf32>
    %dot_general3A_63 = arith.constant dense<0.000000e+00> : vector<2000x64xf32>
    %dot_general3A_64 = tpu.matmul %add3A_40, %get3A_62, %dot_general3A_63 {dimension_numbers = #tpu.dot_dimension_numbers<[1], [0], [0], [1], [0, 0, 1, 1], [], []>, transpose_lhs_hint = false} : vector<2000x128xf32>, vector<128x64xf32>, vector<2000x64xf32> -> vector<2000x64xf32>
    %get3A_65 = arith.constant 0 : index
    %get3A_66 = arith.constant 0 : index
    %get3A_67 = vector.load %arg3[%get3A_65, %get3A_66] : memref<2000x7xf32, #tpu.memory_space<vmem>>, vector<2000x7xf32>
    %get3A_68 = arith.constant 0 : index
    %get3A_69 = arith.constant 0 : index
    %get3A_70 = vector.load %arg14[%get3A_68, %get3A_69] : memref<7x64xf32, #tpu.memory_space<vmem>>, vector<7x64xf32>
    %dot_general3A_71 = arith.constant dense<0.000000e+00> : vector<2000x64xf32>
    %dot_general3A_72 = tpu.matmul %get3A_67, %get3A_70, %dot_general3A_71 {dimension_numbers = #tpu.dot_dimension_numbers<[1], [0], [0], [1], [0, 0, 1, 1], [], []>, transpose_lhs_hint = false} : vector<2000x7xf32>, vector<7x64xf32>, vector<2000x64xf32> -> vector<2000x64xf32>
    %add3A_73 = arith.addf %dot_general3A_64, %dot_general3A_72 : vector<2000x64xf32>
    %get3A_74 = arith.constant 0 : index
    %get3A_75 = arith.constant 0 : index
    %get3A_76 = vector.load %arg15[%get3A_74, %get3A_75] : memref<1x64xf32, #tpu.memory_space<vmem>>, vector<1x64xf32>
    %add3A_77 = vector.broadcast %get3A_76 : vector<1x64xf32> to vector<2000x64xf32>
    %add3A_78 = arith.addf %add3A_73, %add3A_77 : vector<2000x64xf32>
    %get3A_79 = arith.constant 0 : index
    %get3A_80 = arith.constant 0 : index
    %get3A_81 = vector.load %arg4[%get3A_79, %get3A_80] : memref<2000x64xf32, #tpu.memory_space<vmem>>, vector<2000x64xf32>
    %mul3A = arith.constant 0.00999999977 : f32
    %mul3A_82 = vector.broadcast %mul3A : f32 to vector<2000x64xf32>
    %mul3A_83 = arith.mulf %mul3A_82, %get3A_81 : vector<2000x64xf32>
    %mul3A_84 = arith.constant 5.000000e-01 : f32
    %mul3A_85 = vector.broadcast %mul3A_84 : f32 to vector<2000x64xf32>
    %mul3A_86 = arith.mulf %add3A_78, %mul3A_85 : vector<2000x64xf32>
    %exp3A_87 = math.exp %mul3A_86 : vector<2000x64xf32>
    %mul3A_88 = arith.mulf %mul3A_83, %exp3A_87 : vector<2000x64xf32>
    %add3A_89 = arith.addf %add3A_59, %mul3A_88 : vector<2000x64xf32>
    %swap3A = arith.constant 0 : index
    %swap3A_90 = arith.constant 0 : index
    %swap3A_91 = vector.load %arg16[%swap3A, %swap3A_90] : memref<2000x64xf32, #tpu.memory_space<vmem>>, vector<2000x64xf32>
    tpu.vector_store %arg16[%swap3A, %swap3A_90], %add3A_89 {strides = array<i32>} : memref<2000x64xf32, #tpu.memory_space<vmem>>, vector<2000x64xf32>,
    return
  }
  func.func @transform_0(%arg0: i32) -> (i32, i32) {
    %c0_i32 = arith.constant 0 : i32
    %c0_i32_0 = arith.constant 0 : i32
    return %arg0, %c0_i32 : i32, i32
  }
  func.func @transform_1(%arg0: i32) -> (i32, i32, i32) {
    %c0_i32 = arith.constant 0 : i32
    %c0_i32_0 = arith.constant 0 : i32
    %c0_i32_1 = arith.constant 0 : i32
    return %c0_i32, %arg0, %c0_i32_0 : i32, i32, i32
  }
  func.func @transform_2(%arg0: i32) -> (i32, i32) {
    %c0_i32 = arith.constant 0 : i32
    %c0_i32_0 = arith.constant 0 : i32
    return %arg0, %c0_i32 : i32, i32
  }
  func.func @transform_3(%arg0: i32) -> (i32, i32) {
    %c0_i32 = arith.constant 0 : i32
    %c0_i32_0 = arith.constant 0 : i32
    return %arg0, %c0_i32 : i32, i32
  }
  func.func @transform_4(%arg0: i32) -> (i32, i32) {
    %c0_i32 = arith.constant 0 : i32
    %c0_i32_0 = arith.constant 0 : i32
    %c0_i32_1 = arith.constant 0 : i32
    return %c0_i32, %c0_i32_0 : i32, i32
  }
  func.func @transform_5(%arg0: i32) -> (i32, i32) {
    %c0_i32 = arith.constant 0 : i32
    %c0_i32_0 = arith.constant 0 : i32
    %c0_i32_1 = arith.constant 0 : i32
    return %c0_i32, %c0_i32_0 : i32, i32
  }
  func.func @transform_6(%arg0: i32) -> (i32, i32) {
    %c0_i32 = arith.constant 0 : i32
    %c0_i32_0 = arith.constant 0 : i32
    %c0_i32_1 = arith.constant 0 : i32
    return %c0_i32, %c0_i32_0 : i32, i32
  }
  func.func @transform_7(%arg0: i32) -> (i32, i32) {
    %c0_i32 = arith.constant 0 : i32
    %c0_i32_0 = arith.constant 0 : i32
    %c0_i32_1 = arith.constant 0 : i32
    return %c0_i32, %c0_i32_0 : i32, i32
  }
  func.func @transform_8(%arg0: i32) -> (i32, i32) {
    %c0_i32 = arith.constant 0 : i32
    %c0_i32_0 = arith.constant 0 : i32
    %c0_i32_1 = arith.constant 0 : i32
    return %c0_i32, %c0_i32_0 : i32, i32
  }
  func.func @transform_9(%arg0: i32) -> (i32, i32) {
    %c0_i32 = arith.constant 0 : i32
    %c0_i32_0 = arith.constant 0 : i32
    %c0_i32_1 = arith.constant 0 : i32
    return %c0_i32, %c0_i32_0 : i32, i32
  }
  func.func @transform_10(%arg0: i32) -> (i32, i32) {
    %c0_i32 = arith.constant 0 : i32
    %c0_i32_0 = arith.constant 0 : i32
    %c0_i32_1 = arith.constant 0 : i32
    return %c0_i32, %c0_i32_0 : i32, i32
  }
  func.func @transform_11(%arg0: i32) -> (i32, i32) {
    %c0_i32 = arith.constant 0 : i32
    %c0_i32_0 = arith.constant 0 : i32
    %c0_i32_1 = arith.constant 0 : i32
    return %c0_i32, %c0_i32_0 : i32, i32
  }
  func.func @transform_12(%arg0: i32) -> (i32, i32) {
    %c0_i32 = arith.constant 0 : i32
    %c0_i32_0 = arith.constant 0 : i32
    %c0_i32_1 = arith.constant 0 : i32
    return %c0_i32, %c0_i32_0 : i32, i32
  }
  func.func @transform_13(%arg0: i32) -> (i32, i32) {
    %c0_i32 = arith.constant 0 : i32
    %c0_i32_0 = arith.constant 0 : i32
    %c0_i32_1 = arith.constant 0 : i32
    return %c0_i32, %c0_i32_0 : i32, i32
  }
  func.func @transform_14(%arg0: i32) -> (i32, i32) {
    %c0_i32 = arith.constant 0 : i32
    %c0_i32_0 = arith.constant 0 : i32
    %c0_i32_1 = arith.constant 0 : i32
    return %c0_i32, %c0_i32_0 : i32, i32
  }
  func.func @transform_15(%arg0: i32) -> (i32, i32) {
    %c0_i32 = arith.constant 0 : i32
    %c0_i32_0 = arith.constant 0 : i32
    return %arg0, %c0_i32 : i32, i32
  }
}

</mosaic_0001>

<sc_bundles>
// kernel: kernel.12.cloned.1.call-start
scs
__scs_entry_jumppad:
0x0: {  	(pc) =	sbr.rel $0x88, $3  }
0x1: {  	(tag) =	ssettag $0x0;
	lr =	simm.s32 $0x1  }
0x2: {  	[smem:$0x3F86] =	sst lr;
	_ =	strace $0xD0000000  }
0x3: {  	_ = 	snop  }
0x4: {  	_ = 	snop  }
0x5: {  	_ = 	snop  }
0x6: {  	_ = 	snop  }
0x7: {  	_ = 	snop  }
__scs_overlays_trampoline_lowered:
0x8: {  	[smem:$0x3F95] =	sst s0  }
0x9: {  	[smem:$0x3F96] =	sst s1  }
0xa: {  	[smem:$0x3F97] =	sst s2  }
0xb: {  	[smem:$0x3F98] =	sst s3  }
0xc: {  	[smem:$0x3F99] =	sst s4  }
0xd: {  	[smem:$0x3F9A] =	sst s5  }
0xe: {  	[smem:$0x3F9B] =	sst s6  }
0xf: {  	[smem:$0x3F9C] =	sst s7  }
0x10: {  	[smem:$0x3F9D] =	sst s8  }
0x11: {  	[smem:$0x3F9E] =	sst s9;
	s0 =	simm.s32 @!p0 $0x0  }
0x12: {  	s1 =	sld [smem:$0x3F84];
	s0 =	simm.s32 @p0 $0x1  }
0x13: {  	[smem:$0x3F9F] =	sst s0;
	s0 =	simm.s32 @!p1 $0x0  }
0x14: {  	s2 =	sld [smem:$0x3F83];
	s0 =	simm.s32 @p1 $0x1  }
0x15: {  	[smem:$0x3FA0] =	sst s0;
	s0 =	simm.s32 @!p2 $0x0  }
0x16: {  	s3 =	sld [smem:$0x3FDB];
	s0 =	simm.s32 @p2 $0x1  }
0x17: {  	s4 =	simm.s32 $0x1BF5;
	[smem:$0x3FA2] =	sst s0  }
0x18: {  	s0 =	sld [smem:$0x3F85];
	_ =	swait.ge [sflag:s4], $0x0  }
0x19: {  	s7 =	sld [smem:$0x3F86]  }
0x1a: {  	s8 =	sadd.s32 $0xFFFFE003, lr  }
0x1b: {  	s9 =	sadd.s32 $0xFFFFFEF7, lr;
	s5 =	simm.s32 $0xFFFFFFFF;
	p2 =	slt.u32 s8, $0xFFFFF086  }
0x1c: {  	p1 =	slt.u32 s9, $0xF7A;
	s5 =	simm.s32 @!p2 $0x0  }
0x1d: {  	s5 =	simm.s32 @p1 $0x1;
	p0 =	seq.s32 s7, s2  }
0x1e: {  	s7 =	smul.u32 @!p0 $0xF7A, s2;
	p2 =	seq.s32 @!p0 s5, $0x0  }
0x1f: {  	s9 =	smul.u32 $0xF7A, s1;
	s8 =	simm.s32 @!p0 $0x1BF5;
	p2 =	por !p2, p0  }
0x20: {  	[sflag:s8] =	ssyncset.s32 @!p0 $0xFFFFF086;
	s6 =	sadd.s32 @!p0 s3, s7;
	s7 =	simm.s32 @!p0 $0x108  }
0x21: {  	s3 =	sadd.s32 s3, s9;
	s6 =	sadd.s32 @!p0 $0x88, s6;
	s7 =	simm.s32 @p2 $0x1082  }
0x22: {  	[simem:s7], [sflag:s8] =	dma.local @!p0 [hbm:s6], $0xF7A  }
0x23: {  	s9 =	sor.u32 $0xD0000000, s2;
	s6 =	simm.s32 $0x108;
	_ =	swait.ge @!p0 [sflag:s8], $0x0  }
0x24: {  	s3 =	sadd.s32 $0x88, s3;
	s6 =	simm.s32 @!p1 $0x1082;
	[sflag:s4] =	ssyncset.s32 $0xFFFFF086  }
0x25: {  	[simem:s6], [sflag:s4] =	dma.local [hbm:s3], $0xF7A  }
0x26: {  	[smem:$0x3F86] =	sst s1;
	(tag) =	ssettag s2;
	_ =	strace s9  }
0x27: {  	s1 =	sld [smem:$0x3F96]  }
0x28: {  	s2 =	sld [smem:$0x3F97]  }
0x29: {  	s4 =	sld [smem:$0x3F99]  }
0x2a: {  	p0 =	seq.s32 s5, $0x0;
	s5 =	sld [smem:$0x3F9A]  }
0x2b: {  	s6 =	sld [smem:$0x3F9B]  }
0x2c: {  	s7 =	sld [smem:$0x3F9C]  }
0x2d: {  	s3 =	simm.s32 $0x108;
	s8 =	sld [smem:$0x3F9D]  }
0x2e: {  	s3 =	simm.s32 @!p0 $0x1082;
	s9 =	sld [smem:$0x3F9E]  }
0x2f: {  	lr =	sadd.s32 s0, s3;
	s0 =	sld [smem:$0x3F95]  }
0x30: {  	s3 =	sld [smem:$0x3F98]  }
0x31: {  	[smem:$0x3FA1] =	sst s10  }
0x32: {  	s10 =	sld [smem:$0x3F9F];
	_ =	sdelay $0x3  }
0x33: {  	p0 =	seq.s32 s10, $0x1;
	s10 =	sld [smem:$0x3FA1];
	_ =	sdelay $0x3  }
0x34: {  	[smem:$0x3FA1] =	sst s10  }
0x35: {  	s10 =	sld [smem:$0x3FA0];
	_ =	sdelay $0x3  }
0x36: {  	p1 =	seq.s32 s10, $0x1;
	s10 =	sld [smem:$0x3FA1];
	_ =	sdelay $0x3  }
0x37: {  	[smem:$0x3FA1] =	sst s10  }
0x38: {  	s10 =	sld [smem:$0x3FA2]  }
0x39: {  	_ = 	snop;
	(pc) =	sbr.ind lr, $3  }
0x3a: {  	_ = 	snop  }
0x3b: {  	_ = 	snop  }
0x3c: {  	p2 =	seq.s32 s10, $0x1;
	s10 =	sld [smem:$0x3FA1]  }
0x3d: {  	_ =	shalt  }
0x3e: {  	_ =	shalt  }
0x3f: {  	_ =	shalt  }
0x40: {  	_ =	shalt  }
0x41: {  	_ =	shalt  }
0x42: {  	_ =	shalt  }
0x43: {  	_ =	shalt  }
0x44: {  	_ =	shalt  }
0x45: {  	_ =	shalt  }
0x46: {  	_ =	shalt  }
0x47: {  	_ =	shalt  }
0x48: {  	_ =	shalt  }
0x49: {  	_ =	shalt  }
0x4a: {  	_ =	shalt  }
0x4b: {  	_ =	shalt  }
0x4c: {  	_ =	shalt  }
0x4d: {  	_ =	shalt  }
0x4e: {  	_ =	shalt  }
0x4f: {  	_ =	shalt  }
0x50: {  	_ =	shalt  }
0x51: {  	_ =	shalt  }
0x52: {  	_ =	shalt  }
0x53: {  	_ =	shalt  }
0x54: {  	_ =	shalt  }
0x55: {  	_ =	shalt  }
0x56: {  	_ =	shalt  }
0x57: {  	_ =	shalt  }
0x58: {  	_ =	shalt  }
0x59: {  	_ =	shalt  }
0x5a: {  	_ =	shalt  }
0x5b: {  	_ =	shalt  }
0x5c: {  	_ =	shalt  }
0x5d: {  	_ =	shalt  }
0x5e: {  	_ =	shalt  }
0x5f: {  	_ =	shalt  }
0x60: {  	_ =	shalt  }
0x61: {  	_ =	shalt  }
0x62: {  	_ =	shalt  }
0x63: {  	_ =	shalt  }
0x64: {  	_ =	shalt  }
0x65: {  	_ =	shalt  }
0x66: {  	_ =	shalt  }
0x67: {  	_ =	shalt  }
0x68: {  	_ =	shalt  }
0x69: {  	_ =	shalt  }
0x6a: {  	_ =	shalt  }
0x6b: {  	_ =	shalt  }
0x6c: {  	_ =	shalt  }
0x6d: {  	_ =	shalt  }
0x6e: {  	_ =	shalt  }
0x6f: {  	_ =	shalt  }
0x70: {  	_ =	shalt  }
0x71: {  	_ =	shalt  }
0x72: {  	_ =	shalt  }
0x73: {  	_ =	shalt  }
0x74: {  	_ =	shalt  }
0x75: {  	_ =	shalt  }
0x76: {  	_ =	shalt  }
0x77: {  	_ =	shalt  }
0x78: {  	_ =	shalt  }
0x79: {  	_ =	shalt  }
0x7a: {  	_ =	shalt  }
0x7b: {  	_ =	shalt  }
0x7c: {  	_ =	shalt  }
0x7d: {  	_ =	shalt  }
0x7e: {  	_ =	shalt  }
0x7f: {  	_ =	shalt  }
0x80: {  	_ =	shalt  }
0x81: {  	_ =	shalt  }
0x82: {  	_ =	shalt  }
0x83: {  	_ =	shalt  }
0x84: {  	_ =	shalt  }
0x85: {  	_ =	shalt  }
0x86: {  	_ =	shalt  }
0x87: {  	_ =	shalt  }
.Lfunc_end0:
.L_simem_size_0:
called_computation_lowered:
.L_overlay_start_0:
0x88: {  	s2 =	sld [smem:$0x3FD9]  }
0x89: {  	s3 =	sld [smem:$0x3FFE];
	_ =	sdelay $0x1  }
0x8a: {  	s1 =	srdreg.scid  }
0x8b: {  	s0 =	sand.u32 $0x1, s1  }
0x8c: {  	s17 =	sshll.u32 s0, $0xA;
	s2 =	sadd.s32 s3, s2  }
0x8d: {  	s2 =	sadd.s32 s2, s17  }
0x8e: {  	[smem:$0x3FAD] =	sst s2  }
0x8f: {  	_ = 	snop  }
0x90: {  	(tm) =	ssettm $0x1  }
0x91: {  	s18 =	sld [smem:$0x3FFB];
	_ =	sdelay $0x3  }
0x92: {  	_ =	strace s18  }
0x93: {  	s2 =	sld [smem:$0x3FFC];
	_ =	sdelay $0x3  }
0x94: {  	_ =	strace s2  }
0x95: {  	s2 =	sld [smem:$0x3FFD];
	_ =	sdelay $0x3  }
0x96: {  	_ =	strace s2  }
0x97: {  	_ =	strace $0x8FFFFFFF  }
0x98: {  	s19 =	sld [smem:$0x3FDB];
	_ =	sdelay $0x1  }
0x99: {  	s20 =	simm.s32 $_scs_section_size  }
0x9a: {  	s4 =	simm.s32 $_size__tile_overlayer_lowered;
	s5 =	simm.s32 $_tile_overlayer_lowered  }
0x9b: {  	s6 =	simm.s32 $0x1BFF;
	s21 =	sshll.u32 s5, $0x1;
	s3 =	sadd.s32 s20, s19  }
0x9c: {  	s22 =	simm.s32 $0x0;
	s4 =	sshll.u32 s4, $0x1;
	s5 =	sadd.s32 s21, s3  }
0x9d: {  	[timem:s22], [sflag:s6] =	dma.local [hbm:s5], s4  }
0x9e: {  	_ =	swait.ge [sflag:s6], s4  }
0x9f: {  	s4 =	ssub.s32 $0x0, s4;
	[sflag:s6] =	ssyncset.done $0x0  }
0xa0: {  	[sflag:s6] =	ssyncadd.s32 s4;
	_ =	sdelay $0x1  }
0xa1: {  	s23 =	simm.s32 $0x1B8B  }
0xa2: {  	_ =	swait.ge [sflag:s23], $0x1  }
0xa3: {  	[sflag:s23] =	ssyncset.done $0x0  }
0xa4: {  	[sflag:s23] =	ssyncadd.s32 $0xFFFFFFFF  }
0xa5: {  	s4 =	sld [smem:$0x0]  }
0xa6: {  	s5 =	sand.u32 $0xFFFFFFFE, s1  }
0xa7: {  	p0 =	sne.s32 s1, s5  }
0xa8: {  	s5 =	sshll.u32 @p0 s5, $0xE  }
0xa9: {  	s5 =	sadd.s32 @p0 $0x11B8D, s5;
	s6 =	sshll.u32 @p0 s4, $0x11  }
0xaa: {  	s5 =	sor.u32 @p0 s6, s5  }
0xab: {  	[sflag:s5] =	ssyncadd.remote.s32 @p0 $0x1;
	_ =	sdelay $0x1  }
0xac: {  	s5 =	simm.s32 @p0 $0x1B8D  }
0xad: {  	_ =	swait.eq @p0 [sflag:s5], $0x1  }
0xae: {  	[sflag:s5] =	ssyncadd.s32 @p0 $0xFFFFFFFF  }
0xaf: {  	s6 =	sshll.u32 @!p0 s1, $0xE  }
0xb0: {  	s6 =	sor.u32 @!p0 $0x4000, s6;
	s5 =	simm.s32 @!p0 $0x1B8D  }
0xb1: {  	s4 =	sshll.u32 @!p0 s4, $0x11;
	s6 =	sadd.s32 @!p0 $0x11B8D, s6;
	_ =	swait.eq @!p0 [sflag:s5], $0x1  }
0xb2: {  	s4 =	sor.u32 @!p0 s4, s6;
	[sflag:s5] =	ssyncadd.s32 @!p0 $0xFFFFFFFF  }
0xb3: {  	s25 =	simm.s32 $0x1B8E;
	s24 =	sld [smem:$0x3FFE];
	[sflag:s4] =	ssyncadd.remote.s32 @!p0 $0x1  }
0xb4: {  	s26 =	simm.s32 $execute0_lowered;
	[smem:$0x3FD2] =	sst s25  }
0xb5: {  	s5 =	sshll.u32 s26, $0x1;
	_ =	strace $0x80000049;
	[dreg:$0x1] =	wrdreg $0xFFFFFFFF  }
0xb6: {  	s28 =	simm.s32 $_size_execute0_lowered;
	s3 =	sadd.s32 s3, s5;
	[dreg:$0x0] =	wrdreg $0x0  }
0xb7: {  	s5 =	sshll.u32 s28, $0x1;
	[dreg:$0x2] =	wrdreg s3  }
0xb8: {  	[dreg:$0x3] =	wrdreg s5  }
0xb9: {  	[dreg:$0x4] =	wrdreg $0xC0  }
0xba: {  	_ =	task [dreg:s22], $0x5FFFF  }
0xbb: {  	[dreg:$0x1] =	wrdreg $0xFFFFFFFF  }
0xbc: {  	[dreg:$0x0] =	wrdreg $0x60  }
0xbd: {  	[dreg:$0x2] =	wrdreg s24  }
0xbe: {  	[dreg:$0x3] =	wrdreg $0x9  }
0xbf: {  	_ =	task.clear_ibuf [dreg:s22], $0x4FFFF;
	_ =	strace $0x90000049  }
0xc0: {  	s29 =	simm.s32 $0x9;
	_ =	strace $0x8000004B  }
0xc1: {  	_ =	swait.ge [sflag:s29], $0x1  }
0xc2: {  	[sflag:s29] =	ssyncadd.s32 $0xFFFFFFFF  }
0xc3: {  	_ =	strace $0x9000004B  }
0xc4: {  	_ =	sfence  }
0xc5: {  	s30 =	sld [smem:$0x0];
	_ =	sdelay $0x2  }
0xc6: {  	s31 =	sshll.u32 s1, $0xD;
	s1 =	sshrl.u32 s1, $0x2  }
0xc7: {  	s4 =	sand.u32 $0x4000, s31;
	s1 =	sadd.s32 s1, s30  }
0xc8: {  	s0 =	sor.u32 s4, s0;
	s1 =	sshll.u32 s1, $0x11  }
0xc9: {  	s0 =	sor.u32 s1, s0  }
0xca: {  	s0 =	sadd.s32 $0x8F2B, s0  }
0xcb: {  	[sflag:s0] =	ssyncadd.remote.s32 $0x1  }
0xcc: {  	_ =	sfence.sel $0xFFFF  }
0xcd: {  	[dreg:$0x0] =	wrdreg $0xFFFFFFFF;
	(pc) =	sbr.abs _section_cstart, $3  }
0xce: {  	[dreg:$0x1] =	wrdreg $0xFFFFFFFF  }
0xcf: {  	_ =	task.clear_ibuf [dreg:s22], $0x2FFFF;
	_ =	strace $0x9FFFFFFF  }
0xd0: {  	(tm) =	ssettm $0x7FFFFFFF  }
0xd1: {  	_ =	shalt  }
tec
execute0_lowered:
.L_overlay_start_1:
0x0: {  	(tag) =	ssettag $0x1  }
0x1: {  	s5 =	rddreg [dreg:$0x0]  }
0x2: {  	s0 =	rddreg [dreg:$0x1];
	s3 =	srdreg.scid  }
0x3: {  	s1 =	stileid.u32;
	s2 =	simm.s32 $0x0;
	s11 =	simm.s32 $0x2800  }
0x4: {  	s12 =	simm.s32 $0x80;
	s13 =	simm.s32 $0x5000;
	s14 =	simm.s32 $0x9000  }
0x5: {  	s15 =	simm.s32 $0x1;
	s16 =	simm.s32 $0x2;
	s17 =	simm.s32 $0x0  }
0x6: {  	s3 =	sand.u32 $0x1, s3;
	s4 =	sshll.u32 s1, $0x1;
	[smem:$0x7FF] =	sst s2  }
0x7: {  	s6 =	sor.u32 s3, s4;
	_ =	strace $0x8000004A;
	s8 =	ssub.s32 $0x2, s3  }
0x8: {  	s3 =	sadd.s32 $0x25000, s5;
	s7 =	smul.u32 $0x500, s6;
	s9 =	sshrl.u32 s8, $0x1  }
0x9: {  	s4 =	sadd.s32 $0x4C200, s5;
	s6 =	smul.u32 $0x50, s6;
	s9 =	ssub.s32 s8, s9  }
0xa: {  	s10 =	sadd.s32 s7, s5;
	s5 =	sadd.s32 $0x9A600, s5;
	s9 =	smax.u32 s9, $0x1  }
0xb: {  	s7 =	sadd.s32 $0x7000, s10;
	s8 =	sadd.s32 $0x11000, s10;
	s10 =	simm.s32 $0x3  }
.LBB2_1:
0xc: {  	[tilespmem:s2], [sflag:$0x3] =	stream.linear.gather [hbm4b:s7+s2], $0x2800, $0x38;
	[tilespmem:$0xD000] =	vst v63  }
0xd: {  	_ =	swait.ge [sflag:s10], $0x2800  }
0xe: {  	[sflag:s10] =	ssyncset.done $0x0  }
0xf: {  	[sflag:s10] =	ssyncadd.s32 $0xFFFFD800  }
0x10: {  	[tilespmem:s11], [sflag:$0x3] =	stream.linear.gather [hbm4b:s8+s2], $0x2800, $0x38;
	[tilespmem:$0xD000] =	vst v63  }
0x11: {  	_ =	swait.ge [sflag:s10], $0x2800  }
0x12: {  	[sflag:s10] =	ssyncset.done $0x0  }
0x13: {  	s18 =	simm.s32 $0x0;
	[sflag:s10] =	ssyncadd.s32 $0xFFFFD800  }
.LBB2_2:
0x14: {  	s19 =	sshll.u32 s18, $0x7  }
0x15: {  	[tilespmem:s13], [sflag:$0x1] =	stream.indirect.gather [hbm4b:s3+s12], $0x80, s19, s12, $0xb8;
	[tilespmem:$0xD000] =	vst v63  }
0x16: {  	s19 =	sadd.s32 $0x2800, s19  }
0x17: {  	[tilespmem:s14], [sflag:$0x2] =	stream.indirect.gather [hbm4b:s4+s12], $0x80, s19, s12, $0xb8;
	[tilespmem:$0xD000] =	vst v63  }
0x18: {  	_ =	swait.ge [sflag:s15], $0x4000  }
0x19: {  	[sflag:s15] =	ssyncset.done $0x0  }
0x1a: {  	[sflag:s15] =	ssyncadd.s32 $0xFFFFC000  }
0x1b: {  	_ =	swait.ge [sflag:s16], $0x4000  }
0x1c: {  	[sflag:s16] =	ssyncset.done $0x0  }
0x1d: {  	s19 =	simm.s32 $0x0;
	[sflag:s16] =	ssyncadd.s32 $0xFFFFC000  }
0x1e: {  	v7 =	vld [tilespmem:s19+$0x9000]  }
0x1f: {  	v11 =	vld [tilespmem:s19+$0x9010]  }
0x20: {  	v5 =	vld [tilespmem:s19+$0x9020]  }
0x21: {  	v4 =	vld [tilespmem:s19+$0x9030]  }
0x22: {  	v3 =	vld [tilespmem:s19+$0x9040]  }
0x23: {  	v2 =	vld [tilespmem:s19+$0x9050]  }
0x24: {  	v1 =	vld [tilespmem:s19+$0x9060]  }
0x25: {  	v0 =	vld [tilespmem:s19+$0x9070]  }
0x26: {  	v12 =	vld [tilespmem:s19+$0x5000]  }
0x27: {  	v13 =	vld [tilespmem:s19+$0x5010]  }
0x28: {  	v10 =	vld [tilespmem:s19+$0x5020]  }
0x29: {  	v9 =	vld [tilespmem:s19+$0x5030]  }
0x2a: {  	v8 =	vld [tilespmem:s19+$0x5040]  }
0x2b: {  	v6 =	vld [tilespmem:s19+$0x5050];
	v12 =	vadd.f32 v7, v12  }
0x2c: {  	s20 =	simm.s32 $0x200;
	v11 =	vadd.f32 v11, v13;
	v7 =	vld [tilespmem:s19+$0x5060]  }
.LBB2_3:
0x2d: {  	s21 =	sshra.s32 s20, $0x2;
	p0 =	sne.s32 s20, $0xFE00;
	[tilespmem:s19+$0x5000] =	vst v12;
	v5 =	vadd.f32 v5, v10;
	v10 =	vld [tilespmem:s19+$0x5070]  }
0x2e: {  	v12 =	vld [tilespmem:s21+$0x9000];
	[tilespmem:s19+$0x5010] =	vst v11;
	v4 =	vadd.f32 v4, v9  }
0x2f: {  	v11 =	vld [tilespmem:s21+$0x9010];
	[tilespmem:s19+$0x5020] =	vst v5;
	v3 =	vadd.f32 v3, v8  }
0x30: {  	v5 =	vld [tilespmem:s21+$0x9020];
	[tilespmem:s19+$0x5030] =	vst v4;
	v2 =	vadd.f32 v2, v6  }
0x31: {  	v4 =	vld [tilespmem:s21+$0x9030];
	[tilespmem:s19+$0x5040] =	vst v3;
	v1 =	vadd.f32 v1, v7  }
0x32: {  	v3 =	vld [tilespmem:s21+$0x9040];
	[tilespmem:s19+$0x5050] =	vst v2;
	v0 =	vadd.f32 v0, v10  }
0x33: {  	v2 =	vld [tilespmem:s21+$0x9050];
	[tilespmem:s19+$0x5060] =	vst v1  }
0x34: {  	v1 =	vld [tilespmem:s21+$0x9060];
	[tilespmem:s19+$0x5070] =	vst v0;
	s19 =	smov.u32 s21  }
0x35: {  	v0 =	vld [tilespmem:s19+$0x9070]  }
0x36: {  	v6 =	vld [tilespmem:s19+$0x5000]  }
0x37: {  	v7 =	vld [tilespmem:s19+$0x5010]  }
.Ltmp0:
0x38: {  	v10 =	vld [tilespmem:s19+$0x5020];
	(pc) =	sbr.rel @p0 .LBB2_3-.Ltmp0, $4  }
0x39: {  	v9 =	vld [tilespmem:s19+$0x5030]  }
0x3a: {  	v8 =	vld [tilespmem:s19+$0x5040]  }
0x3b: {  	v12 =	vadd.f32 v12, v6;
	v6 =	vld [tilespmem:s19+$0x5050]  }
0x3c: {  	s20 =	sadd.s32 $0x200, s20;
	v11 =	vadd.f32 v11, v7;
	v7 =	vld [tilespmem:s19+$0x5060]  }
0x3d: {  	[tilespmem:s19+$0x5000] =	vst v12;
	v5 =	vadd.f32 v5, v10;
	v63 =	vld [tilespmem:s19+$0x5070]  }
0x3e: {  	[tilespmem:s19+$0x5010] =	vst v11;
	v4 =	vadd.f32 v4, v9  }
0x3f: {  	[tilespmem:s19+$0x5020] =	vst v5;
	v3 =	vadd.f32 v3, v8  }
0x40: {  	[tilespmem:s19+$0x5030] =	vst v4;
	v2 =	vadd.f32 v2, v6  }
0x41: {  	[tilespmem:s19+$0x5040] =	vst v3;
	v1 =	vadd.f32 v1, v7  }
0x42: {  	s20 =	sadd.s32 s6, s18;
	s18 =	sadd.s32 $0x1, s18;
	[tilespmem:s19+$0x5050] =	vst v2;
	v0 =	vadd.f32 v0, v63  }
0x43: {  	s20 =	sshll.u32 s20, $0xB;
	p0 =	sne.s32 s18, $0x50;
	[tilespmem:s19+$0x5060] =	vst v1  }
.Ltmp1:
0x44: {  	s31 =	sadd.s32 s5, s20;
	[tilespmem:s19+$0x5070] =	vst v0;
	(pc) =	sbr.rel @p0 .LBB2_2-.Ltmp1, $4  }
0x45: {  	[hbm4b:s31+s2] =	stream.linear.scatter [tilespmem:s13], [sflag:$0x3], $0x4000, $0x38;
	[tilespmem:$0xD000] =	vst v63  }
0x46: {  	_ =	swait.ge [sflag:s10], $0x4000  }
0x47: {  	[sflag:s10] =	ssyncset.done $0x0  }
0x48: {  	[sflag:s10] =	ssyncadd.s32 $0xFFFFC000  }
0x49: {  	s17 =	sadd.s32 $0x1, s17  }
0x4a: {  	p0 =	sne.s32 s17, s9  }
.Ltmp2:
0x4b: {  	_ = 	snop;
	(pc) =	sbr.rel @p0 .LBB2_1-.Ltmp2, $1  }
0x4c: {  	_ =	sdelay $0x3  }
0x4d: {  	_ =	sfence.sel $0x180000  }
0x4e: {  	[bflag:$0x0] =	sbarrier.arrive $0xFFFF  }
0x4f: {  	p0 =	sne.s32 s1, $0x0;
	_ =	strace $0x9000004A  }
0x50: {  	s0 =	sadd.s32 @!p0 $0x100000, s0;
	[bflag:$0x2] =	sbarrier.arrive $0xFFFF  }
0x51: {  	[sflag:s0] =	ssyncadd.tile.s32 @!p0 $0x1;
	_ =	shalt  }
.Lfunc_end2:
_tile_overlayer_lowered:
.L_overlay_start_2:
0x52: {  	(tag) =	ssettag $0x2  }
0x53: {  	s0 =	rddreg [dreg:$0x0];
	s2 =	stileid.u32  }
0x54: {  	s1 =	rddreg [dreg:$0x1];
	p0 =	sne.s32 s2, $0x0  }
0x55: {  	s3 =	rddreg [dreg:$0x2];
	[bflag:$0x3] =	sbarrier.arrive $0xFFFF;
	s2 =	simm.s32 @!p0 $0x1C03  }
0x56: {  	[timem:s3], [sflag:s2] =	dma.local @!p0 [hbm:s0], s1  }
0x57: {  	s0 =	simm.s32 @!p0 $0x3  }
0x58: {  	_ =	swait.ge @!p0 [sflag:s0], s1  }
0x59: {  	s1 =	ssub.s32 @!p0 $0x0, s1;
	[sflag:s0] =	ssyncset.done @!p0 $0x0  }
0x5a: {  	[sflag:s0] =	ssyncadd.s32 @!p0 s1  }
0x5b: {  	[bflag:$0x3] =	sbarrier.arrive $0xFFFF  }
0x5c: {  	_ =	shalt  }

// kernel: kernel.15.cloned.1.call-start
scs
__scs_entry_jumppad:
0x0: {  	(pc) =	sbr.rel $0x88, $3  }
0x1: {  	(tag) =	ssettag $0x0;
	lr =	simm.s32 $0x1  }
0x2: {  	[smem:$0x3F86] =	sst lr;
	_ =	strace $0xD0000000  }
0x3: {  	_ = 	snop  }
0x4: {  	_ = 	snop  }
0x5: {  	_ = 	snop  }
0x6: {  	_ = 	snop  }
0x7: {  	_ = 	snop  }
__scs_overlays_trampoline_lowered:
0x8: {  	[smem:$0x3F95] =	sst s0  }
0x9: {  	[smem:$0x3F96] =	sst s1  }
0xa: {  	[smem:$0x3F97] =	sst s2  }
0xb: {  	[smem:$0x3F98] =	sst s3  }
0xc: {  	[smem:$0x3F99] =	sst s4  }
0xd: {  	[smem:$0x3F9A] =	sst s5  }
0xe: {  	[smem:$0x3F9B] =	sst s6  }
0xf: {  	[smem:$0x3F9C] =	sst s7  }
0x10: {  	[smem:$0x3F9D] =	sst s8  }
0x11: {  	[smem:$0x3F9E] =	sst s9;
	s0 =	simm.s32 @!p0 $0x0  }
0x12: {  	s1 =	sld [smem:$0x3F84];
	s0 =	simm.s32 @p0 $0x1  }
0x13: {  	[smem:$0x3F9F] =	sst s0;
	s0 =	simm.s32 @!p1 $0x0  }
0x14: {  	s2 =	sld [smem:$0x3F83];
	s0 =	simm.s32 @p1 $0x1  }
0x15: {  	[smem:$0x3FA0] =	sst s0;
	s0 =	simm.s32 @!p2 $0x0  }
0x16: {  	s3 =	sld [smem:$0x3FDB];
	s0 =	simm.s32 @p2 $0x1  }
0x17: {  	s4 =	simm.s32 $0x1BF5;
	[smem:$0x3FA2] =	sst s0  }
0x18: {  	s0 =	sld [smem:$0x3F85];
	_ =	swait.ge [sflag:s4], $0x0  }
0x19: {  	s7 =	sld [smem:$0x3F86]  }
0x1a: {  	s8 =	sadd.s32 $0xFFFFE003, lr  }
0x1b: {  	s9 =	sadd.s32 $0xFFFFFEF7, lr;
	s5 =	simm.s32 $0xFFFFFFFF;
	p2 =	slt.u32 s8, $0xFFFFF086  }
0x1c: {  	p1 =	slt.u32 s9, $0xF7A;
	s5 =	simm.s32 @!p2 $0x0  }
0x1d: {  	s5 =	simm.s32 @p1 $0x1;
	p0 =	seq.s32 s7, s2  }
0x1e: {  	s7 =	smul.u32 @!p0 $0xF7A, s2;
	p2 =	seq.s32 @!p0 s5, $0x0  }
0x1f: {  	s9 =	smul.u32 $0xF7A, s1;
	s8 =	simm.s32 @!p0 $0x1BF5;
	p2 =	por !p2, p0  }
0x20: {  	[sflag:s8] =	ssyncset.s32 @!p0 $0xFFFFF086;
	s6 =	sadd.s32 @!p0 s3, s7;
	s7 =	simm.s32 @!p0 $0x108  }
0x21: {  	s3 =	sadd.s32 s3, s9;
	s6 =	sadd.s32 @!p0 $0x88, s6;
	s7 =	simm.s32 @p2 $0x1082  }
0x22: {  	[simem:s7], [sflag:s8] =	dma.local @!p0 [hbm:s6], $0xF7A  }
0x23: {  	s9 =	sor.u32 $0xD0000000, s2;
	s6 =	simm.s32 $0x108;
	_ =	swait.ge @!p0 [sflag:s8], $0x0  }
0x24: {  	s3 =	sadd.s32 $0x88, s3;
	s6 =	simm.s32 @!p1 $0x1082;
	[sflag:s4] =	ssyncset.s32 $0xFFFFF086  }
0x25: {  	[simem:s6], [sflag:s4] =	dma.local [hbm:s3], $0xF7A  }
0x26: {  	[smem:$0x3F86] =	sst s1;
	(tag) =	ssettag s2;
	_ =	strace s9  }
0x27: {  	s1 =	sld [smem:$0x3F96]  }
0x28: {  	s2 =	sld [smem:$0x3F97]  }
0x29: {  	s4 =	sld [smem:$0x3F99]  }
0x2a: {  	p0 =	seq.s32 s5, $0x0;
	s5 =	sld [smem:$0x3F9A]  }
0x2b: {  	s6 =	sld [smem:$0x3F9B]  }
0x2c: {  	s7 =	sld [smem:$0x3F9C]  }
0x2d: {  	s3 =	simm.s32 $0x108;
	s8 =	sld [smem:$0x3F9D]  }
0x2e: {  	s3 =	simm.s32 @!p0 $0x1082;
	s9 =	sld [smem:$0x3F9E]  }
0x2f: {  	lr =	sadd.s32 s0, s3;
	s0 =	sld [smem:$0x3F95]  }
0x30: {  	s3 =	sld [smem:$0x3F98]  }
0x31: {  	[smem:$0x3FA1] =	sst s10  }
0x32: {  	s10 =	sld [smem:$0x3F9F];
	_ =	sdelay $0x3  }
0x33: {  	p0 =	seq.s32 s10, $0x1;
	s10 =	sld [smem:$0x3FA1];
	_ =	sdelay $0x3  }
0x34: {  	[smem:$0x3FA1] =	sst s10  }
0x35: {  	s10 =	sld [smem:$0x3FA0];
	_ =	sdelay $0x3  }
0x36: {  	p1 =	seq.s32 s10, $0x1;
	s10 =	sld [smem:$0x3FA1];
	_ =	sdelay $0x3  }
0x37: {  	[smem:$0x3FA1] =	sst s10  }
0x38: {  	s10 =	sld [smem:$0x3FA2]  }
0x39: {  	_ = 	snop;
	(pc) =	sbr.ind lr, $3  }
0x3a: {  	_ = 	snop  }
0x3b: {  	_ = 	snop  }
0x3c: {  	p2 =	seq.s32 s10, $0x1;
	s10 =	sld [smem:$0x3FA1]  }
0x3d: {  	_ =	shalt  }
0x3e: {  	_ =	shalt  }
0x3f: {  	_ =	shalt  }
0x40: {  	_ =	shalt  }
0x41: {  	_ =	shalt  }
0x42: {  	_ =	shalt  }
0x43: {  	_ =	shalt  }
0x44: {  	_ =	shalt  }
0x45: {  	_ =	shalt  }
0x46: {  	_ =	shalt  }
0x47: {  	_ =	shalt  }
0x48: {  	_ =	shalt  }
0x49: {  	_ =	shalt  }
0x4a: {  	_ =	shalt  }
0x4b: {  	_ =	shalt  }
0x4c: {  	_ =	shalt  }
0x4d: {  	_ =	shalt  }
0x4e: {  	_ =	shalt  }
0x4f: {  	_ =	shalt  }
0x50: {  	_ =	shalt  }
0x51: {  	_ =	shalt  }
0x52: {  	_ =	shalt  }
0x53: {  	_ =	shalt  }
0x54: {  	_ =	shalt  }
0x55: {  	_ =	shalt  }
0x56: {  	_ =	shalt  }
0x57: {  	_ =	shalt  }
0x58: {  	_ =	shalt  }
0x59: {  	_ =	shalt  }
0x5a: {  	_ =	shalt  }
0x5b: {  	_ =	shalt  }
0x5c: {  	_ =	shalt  }
0x5d: {  	_ =	shalt  }
0x5e: {  	_ =	shalt  }
0x5f: {  	_ =	shalt  }
0x60: {  	_ =	shalt  }
0x61: {  	_ =	shalt  }
0x62: {  	_ =	shalt  }
0x63: {  	_ =	shalt  }
0x64: {  	_ =	shalt  }
0x65: {  	_ =	shalt  }
0x66: {  	_ =	shalt  }
0x67: {  	_ =	shalt  }
0x68: {  	_ =	shalt  }
0x69: {  	_ =	shalt  }
0x6a: {  	_ =	shalt  }
0x6b: {  	_ =	shalt  }
0x6c: {  	_ =	shalt  }
0x6d: {  	_ =	shalt  }
0x6e: {  	_ =	shalt  }
0x6f: {  	_ =	shalt  }
0x70: {  	_ =	shalt  }
0x71: {  	_ =	shalt  }
0x72: {  	_ =	shalt  }
0x73: {  	_ =	shalt  }
0x74: {  	_ =	shalt  }
0x75: {  	_ =	shalt  }
0x76: {  	_ =	shalt  }
0x77: {  	_ =	shalt  }
0x78: {  	_ =	shalt  }
0x79: {  	_ =	shalt  }
0x7a: {  	_ =	shalt  }
0x7b: {  	_ =	shalt  }
0x7c: {  	_ =	shalt  }
0x7d: {  	_ =	shalt  }
0x7e: {  	_ =	shalt  }
0x7f: {  	_ =	shalt  }
0x80: {  	_ =	shalt  }
0x81: {  	_ =	shalt  }
0x82: {  	_ =	shalt  }
0x83: {  	_ =	shalt  }
0x84: {  	_ =	shalt  }
0x85: {  	_ =	shalt  }
0x86: {  	_ =	shalt  }
0x87: {  	_ =	shalt  }
.Lfunc_end0:
.L_simem_size_0:
called_computation.1_lowered:
.L_overlay_start_0:
0x88: {  	s2 =	sld [smem:$0x3FD9]  }
0x89: {  	s3 =	sld [smem:$0x3FFE];
	_ =	sdelay $0x1  }
0x8a: {  	s1 =	srdreg.scid  }
0x8b: {  	s0 =	sand.u32 $0x1, s1  }
0x8c: {  	s16 =	sshll.u32 s0, $0xA;
	s2 =	sadd.s32 s3, s2  }
0x8d: {  	s2 =	sadd.s32 s2, s16  }
0x8e: {  	[smem:$0x3FAD] =	sst s2  }
0x8f: {  	_ = 	snop  }
0x90: {  	(tm) =	ssettm $0x1  }
0x91: {  	s17 =	sld [smem:$0x3FFB];
	_ =	sdelay $0x3  }
0x92: {  	_ =	strace s17  }
0x93: {  	s2 =	sld [smem:$0x3FFC];
	_ =	sdelay $0x3  }
0x94: {  	_ =	strace s2  }
0x95: {  	s2 =	sld [smem:$0x3FFD];
	_ =	sdelay $0x3  }
0x96: {  	_ =	strace s2  }
0x97: {  	_ =	strace $0x8FFFFFFF  }
0x98: {  	s18 =	sld [smem:$0x3FDB];
	_ =	sdelay $0x1  }
0x99: {  	s19 =	simm.s32 $_scs_section_size  }
0x9a: {  	s4 =	simm.s32 $_size__tile_overlayer_lowered;
	s5 =	simm.s32 $_tile_overlayer_lowered  }
0x9b: {  	s22 =	simm.s32 $0x1BFF;
	s21 =	sshll.u32 s5, $0x1;
	s2 =	sadd.s32 s19, s18  }
0x9c: {  	s6 =	simm.s32 $0x0;
	s20 =	sshll.u32 s4, $0x1;
	s4 =	sadd.s32 s21, s2  }
0x9d: {  	[timem:s6], [sflag:s22] =	dma.local [hbm:s4], s20  }
0x9e: {  	_ =	swait.ge [sflag:s22], s20  }
0x9f: {  	s3 =	ssub.s32 $0x0, s20;
	[sflag:s22] =	ssyncset.done $0x0  }
0xa0: {  	[sflag:s22] =	ssyncadd.s32 s3;
	_ =	sdelay $0x1  }
0xa1: {  	s23 =	simm.s32 $0x1B8B  }
0xa2: {  	_ =	swait.ge [sflag:s23], $0x1  }
0xa3: {  	[sflag:s23] =	ssyncset.done $0x0  }
0xa4: {  	s25 =	simm.s32 $0x1B8E;
	s24 =	sld [smem:$0x3FFE];
	[sflag:s23] =	ssyncadd.s32 $0xFFFFFFFF  }
0xa5: {  	s26 =	simm.s32 $execute0_lowered;
	[smem:$0x3FD2] =	sst s25  }
0xa6: {  	s4 =	sshll.u32 s26, $0x1;
	_ =	strace $0x80000046;
	[dreg:$0x1] =	wrdreg $0xFFFFFFFF  }
0xa7: {  	s28 =	simm.s32 $_size_execute0_lowered;
	s2 =	sadd.s32 s2, s4;
	[dreg:$0x0] =	wrdreg $0x0  }
0xa8: {  	s4 =	sshll.u32 s28, $0x1;
	[dreg:$0x2] =	wrdreg s2  }
0xa9: {  	[dreg:$0x3] =	wrdreg s4  }
0xaa: {  	[dreg:$0x4] =	wrdreg $0xC0  }
0xab: {  	_ =	task [dreg:s6], $0x5FFFF  }
0xac: {  	[dreg:$0x1] =	wrdreg $0xFFFFFFFF  }
0xad: {  	[dreg:$0x0] =	wrdreg $0x60  }
0xae: {  	[dreg:$0x2] =	wrdreg s24  }
0xaf: {  	[dreg:$0x3] =	wrdreg $0xA  }
0xb0: {  	_ =	task.clear_ibuf [dreg:s6], $0x4FFFF;
	_ =	strace $0x90000046  }
0xb1: {  	s29 =	simm.s32 $0xA;
	_ =	strace $0x80000048  }
0xb2: {  	_ =	swait.ge [sflag:s29], $0x1  }
0xb3: {  	[sflag:s29] =	ssyncadd.s32 $0xFFFFFFFF  }
0xb4: {  	_ =	strace $0x90000048  }
0xb5: {  	_ =	sfence  }
0xb6: {  	s30 =	sld [smem:$0x0];
	_ =	sdelay $0x2  }
0xb7: {  	s31 =	sshll.u32 s1, $0xD;
	s1 =	sshrl.u32 s1, $0x2  }
0xb8: {  	s3 =	sand.u32 $0x4000, s31;
	s1 =	sadd.s32 s1, s30  }
0xb9: {  	s0 =	sor.u32 s3, s0;
	s1 =	sshll.u32 s1, $0x11  }
0xba: {  	s0 =	sor.u32 s1, s0  }
0xbb: {  	s0 =	sadd.s32 $0x8F2B, s0  }
0xbc: {  	[sflag:s0] =	ssyncadd.remote.s32 $0x1  }
0xbd: {  	_ =	sfence.sel $0xFFFF  }
0xbe: {  	[dreg:$0x0] =	wrdreg $0xFFFFFFFF;
	(pc) =	sbr.abs _section_cstart, $3  }
0xbf: {  	[dreg:$0x1] =	wrdreg $0xFFFFFFFF  }
0xc0: {  	_ =	task.clear_ibuf [dreg:s6], $0x2FFFF;
	_ =	strace $0x9FFFFFFF  }
0xc1: {  	(tm) =	ssettm $0x7FFFFFFF  }
tec
execute0_lowered:
.L_overlay_start_1:
0x0: {  	(tag) =	ssettag $0x1  }
0x1: {  	s6 =	rddreg [dreg:$0x0]  }
0x2: {  	s0 =	rddreg [dreg:$0x1]  }
0x3: {  	s3 =	srdreg.scid;
	s1 =	stileid.u32;
	s2 =	simm.s32 $0x0  }
0x4: {  	s11 =	simm.s32 $0x2780;
	s12 =	simm.s32 $0x4F00;
	s13 =	simm.s32 $0x7680  }
0x5: {  	s14 =	simm.s32 $0x9E80;
	s5 =	sand.u32 $0x1, s3;
	s30 =	sshll.u32 s1, $0x1  }
0x6: {  	s15 =	simm.s32 $0xC680;
	s16 =	simm.s32 $0x0;
	s3 =	sor.u32 s5, s30  }
0x7: {  	[smem:$0x7FF] =	sst s2;
	s4 =	sadd.s32 $0x6400, s6;
	s7 =	smul.u32 $0x500, s3  }
0x8: {  	_ =	strace $0x80000047;
	s8 =	ssub.s32 $0x2, s5;
	s5 =	sadd.s32 $0x5E00, s6  }
0x9: {  	s3 =	sadd.s32 $0x6A00, s6;
	s31 =	sshrl.u32 s8, $0x1;
	s9 =	sadd.s32 s7, s6  }
0xa: {  	s10 =	ssub.s32 s8, s31;
	s6 =	sadd.s32 $0x7000, s9;
	s7 =	sadd.s32 $0x11000, s9  }
0xb: {  	s8 =	sadd.s32 $0x1B000, s9;
	s9 =	smax.u32 s10, $0x1;
	s10 =	simm.s32 $0x1  }
.LBB2_1:
0xc: {  	[tilespmem:s2], [sflag:$0x1] =	stream.linear.gather [hbm4b:s3+s2], $0x2780, $0x38;
	[tilespmem:$0xEE80] =	vst v63  }
0xd: {  	_ =	swait.ge [sflag:s10], $0x2780  }
0xe: {  	[sflag:s10] =	ssyncset.done $0x0  }
0xf: {  	[sflag:s10] =	ssyncadd.s32 $0xFFFFD880  }
0x10: {  	[tilespmem:s11], [sflag:$0x1] =	stream.linear.gather [hbm4b:s4+s2], $0x2780, $0x38;
	[tilespmem:$0xEE80] =	vst v63  }
0x11: {  	_ =	swait.ge [sflag:s10], $0x2780  }
0x12: {  	[sflag:s10] =	ssyncset.done $0x0  }
0x13: {  	[sflag:s10] =	ssyncadd.s32 $0xFFFFD880  }
0x14: {  	[tilespmem:s12], [sflag:$0x1] =	stream.linear.gather [hbm4b:s5+s2], $0x2780, $0x38;
	[tilespmem:$0xEE80] =	vst v63  }
0x15: {  	_ =	swait.ge [sflag:s10], $0x2780  }
0x16: {  	[sflag:s10] =	ssyncset.done $0x0  }
0x17: {  	[sflag:s10] =	ssyncadd.s32 $0xFFFFD880  }
0x18: {  	[tilespmem:s13], [sflag:$0x1] =	stream.linear.gather [hbm4b:s6+s2], $0x2800, $0x38;
	[tilespmem:$0xEE80] =	vst v63  }
0x19: {  	_ =	swait.ge [sflag:s10], $0x2800  }
0x1a: {  	[sflag:s10] =	ssyncset.done $0x0  }
0x1b: {  	[sflag:s10] =	ssyncadd.s32 $0xFFFFD800  }
0x1c: {  	[tilespmem:s14], [sflag:$0x1] =	stream.linear.gather [hbm4b:s7+s2], $0x2800, $0x38;
	[tilespmem:$0xEE80] =	vst v63  }
0x1d: {  	_ =	swait.ge [sflag:s10], $0x2800  }
0x1e: {  	[sflag:s10] =	ssyncset.done $0x0  }
0x1f: {  	s17 =	simm.s32 $0x0;
	[sflag:s10] =	ssyncadd.s32 $0xFFFFD800  }
0x20: {  	v0 =	vld [tilespmem:s17+$0x7680];
	_ =	sdelay $0x1  }
0x21: {  	v1 =	vld [tilespmem:s17+$0x9E80];
	_ =	sdelay $0x5  }
0x22: {  	v2 =	vld.idx.msk [tilespmem:v0+s2+$0x0], $0xffff  }
0x23: {  	v3 =	vld.idx.msk [tilespmem:v0+s11+$0x0], $0xffff  }
0x24: {  	v4 =	vld.idx.msk [tilespmem:v1+s2+$0x0], $0xffff  }
0x25: {  	v5 =	vld.idx.msk [tilespmem:v1+s11+$0x0], $0xffff  }
0x26: {  	v1 =	vld.idx.msk [tilespmem:v1+s12+$0x0], $0xffff  }
0x27: {  	v0 =	vld.idx.msk [tilespmem:v0+s12+$0x0], $0xffff;
	_ =	sdelay $0x2  }
0x28: {  	v2 =	vsub.f32 v2, v4;
	v3 =	vsub.f32 v3, v5  }
0x29: {  	v4 =	vld [tilespmem:s17+$0x7690]  }
0x2a: {  	v0 =	vsub.f32 v0, v1;
	v1 =	vld [tilespmem:s17+$0x9E90];
	v2 =	vmul.f32 v2, v2;
	v3 =	vmul.f32 v3, v3;
	_ =	sdelay $0x1  }
0x2b: {  	v0 =	vmul.f32 v0, v0;
	v2 =	vadd.f32 v3, v2;
	_ =	sdelay $0x1  }
0x2c: {  	v2 =	vadd.f32 v0, v2;
	_ =	sdelay $0x1  }
0x2d: {  	[tilespmem:s17+$0xC680] =	vst v2  }
0x2e: {  	v2 =	vld.idx.msk [tilespmem:v4+s11+$0x0], $0xffff  }
0x2f: {  	v3 =	vld.idx.msk [tilespmem:v1+s2+$0x0], $0xffff  }
0x30: {  	v5 =	vld.idx.msk [tilespmem:v4+s2+$0x0], $0xffff  }
0x31: {  	v6 =	vld.idx.msk [tilespmem:v1+s11+$0x0], $0xffff  }
0x32: {  	v1 =	vld.idx.msk [tilespmem:v1+s12+$0x0], $0xffff  }
0x33: {  	v4 =	vld.idx.msk [tilespmem:v4+s12+$0x0], $0xffff;
	_ =	sdelay $0x2  }
0x34: {  	v3 =	vsub.f32 v5, v3;
	v2 =	vsub.f32 v2, v6  }
0x35: {  	v5 =	vld [tilespmem:s17+$0x76A0]  }
0x36: {  	v1 =	vsub.f32 v4, v1;
	v4 =	vld [tilespmem:s17+$0x9EA0];
	v3 =	vmul.f32 v3, v3;
	v2 =	vmul.f32 v2, v2;
	_ =	sdelay $0x1  }
0x37: {  	v1 =	vmul.f32 v1, v1;
	v2 =	vadd.f32 v2, v3;
	_ =	sdelay $0x1  }
0x38: {  	v1 =	vadd.f32 v1, v2;
	_ =	sdelay $0x1  }
0x39: {  	[tilespmem:s17+$0xC690] =	vst v1  }
0x3a: {  	v1 =	vld.idx.msk [tilespmem:v5+s11+$0x0], $0xffff  }
0x3b: {  	v2 =	vld.idx.msk [tilespmem:v4+s2+$0x0], $0xffff  }
0x3c: {  	v3 =	vld.idx.msk [tilespmem:v5+s2+$0x0], $0xffff  }
0x3d: {  	v6 =	vld.idx.msk [tilespmem:v4+s11+$0x0], $0xffff  }
0x3e: {  	v4 =	vld.idx.msk [tilespmem:v4+s12+$0x0], $0xffff  }
0x3f: {  	v5 =	vld.idx.msk [tilespmem:v5+s12+$0x0], $0xffff;
	_ =	sdelay $0x2  }
0x40: {  	v2 =	vsub.f32 v3, v2;
	v1 =	vsub.f32 v1, v6  }
0x41: {  	v3 =	vld [tilespmem:s17+$0x9EB0]  }
0x42: {  	v4 =	vsub.f32 v5, v4;
	v5 =	vld [tilespmem:s17+$0x76B0];
	v2 =	vmul.f32 v2, v2;
	v1 =	vmul.f32 v1, v1;
	_ =	sdelay $0x1  }
0x43: {  	v1 =	vadd.f32 v1, v2;
	v2 =	vmul.f32 v4, v4;
	_ =	sdelay $0x1  }
0x44: {  	v1 =	vadd.f32 v2, v1;
	_ =	sdelay $0x1  }
0x45: {  	[tilespmem:s17+$0xC6A0] =	vst v1  }
0x46: {  	v1 =	vld.idx.msk [tilespmem:v3+s11+$0x0], $0xffff  }
0x47: {  	v2 =	vld.idx.msk [tilespmem:v5+s2+$0x0], $0xffff  }
0x48: {  	v4 =	vld.idx.msk [tilespmem:v5+s11+$0x0], $0xffff  }
0x49: {  	v6 =	vld.idx.msk [tilespmem:v3+s2+$0x0], $0xffff  }
0x4a: {  	v3 =	vld.idx.msk [tilespmem:v3+s12+$0x0], $0xffff  }
0x4b: {  	v5 =	vld.idx.msk [tilespmem:v5+s12+$0x0], $0xffff;
	_ =	sdelay $0x2  }
0x4c: {  	v1 =	vsub.f32 v4, v1;
	v2 =	vsub.f32 v2, v6  }
0x4d: {  	v4 =	vld [tilespmem:s17+$0x9EC0]  }
0x4e: {  	v3 =	vsub.f32 v5, v3;
	v1 =	vmul.f32 v1, v1;
	v2 =	vmul.f32 v2, v2  }
0x4f: {  	v5 =	vld [tilespmem:s17+$0x76C0]  }
0x50: {  	v1 =	vadd.f32 v1, v2;
	v2 =	vmul.f32 v3, v3;
	_ =	sdelay $0x1  }
0x51: {  	v1 =	vadd.f32 v2, v1;
	_ =	sdelay $0x1  }
0x52: {  	[tilespmem:s17+$0xC6B0] =	vst v1  }
0x53: {  	v1 =	vld.idx.msk [tilespmem:v4+s11+$0x0], $0xffff  }
0x54: {  	v2 =	vld.idx.msk [tilespmem:v4+s2+$0x0], $0xffff  }
0x55: {  	v3 =	vld.idx.msk [tilespmem:v5+s2+$0x0], $0xffff  }
0x56: {  	v6 =	vld.idx.msk [tilespmem:v5+s11+$0x0], $0xffff  }
0x57: {  	v4 =	vld.idx.msk [tilespmem:v4+s12+$0x0], $0xffff  }
0x58: {  	v5 =	vld.idx.msk [tilespmem:v5+s12+$0x0], $0xffff;
	_ =	sdelay $0x2  }
0x59: {  	v2 =	vsub.f32 v3, v2;
	v1 =	vsub.f32 v6, v1  }
0x5a: {  	v3 =	vld [tilespmem:s17+$0x9ED0]  }
0x5b: {  	v4 =	vsub.f32 v5, v4;
	v2 =	vmul.f32 v2, v2;
	v1 =	vmul.f32 v1, v1  }
0x5c: {  	v5 =	vld [tilespmem:s17+$0x76D0]  }
0x5d: {  	v1 =	vadd.f32 v1, v2;
	v2 =	vmul.f32 v4, v4;
	_ =	sdelay $0x1  }
0x5e: {  	v1 =	vadd.f32 v2, v1;
	_ =	sdelay $0x1  }
0x5f: {  	[tilespmem:s17+$0xC6C0] =	vst v1  }
0x60: {  	v1 =	vld.idx.msk [tilespmem:v3+s2+$0x0], $0xffff  }
0x61: {  	v2 =	vld.idx.msk [tilespmem:v3+s11+$0x0], $0xffff  }
0x62: {  	v4 =	vld.idx.msk [tilespmem:v5+s2+$0x0], $0xffff  }
0x63: {  	v6 =	vld.idx.msk [tilespmem:v5+s11+$0x0], $0xffff  }
0x64: {  	v5 =	vld.idx.msk [tilespmem:v5+s12+$0x0], $0xffff  }
0x65: {  	v3 =	vld.idx.msk [tilespmem:v3+s12+$0x0], $0xffff;
	_ =	sdelay $0x2  }
0x66: {  	v1 =	vsub.f32 v4, v1;
	v2 =	vsub.f32 v6, v2  }
0x67: {  	v4 =	vld [tilespmem:s17+$0x76E0]  }
0x68: {  	v3 =	vsub.f32 v5, v3;
	v5 =	vld [tilespmem:s17+$0x9EE0];
	v1 =	vmul.f32 v1, v1;
	v2 =	vmul.f32 v2, v2;
	_ =	sdelay $0x1  }
0x69: {  	v1 =	vadd.f32 v2, v1;
	v2 =	vmul.f32 v3, v3;
	_ =	sdelay $0x1  }
0x6a: {  	v1 =	vadd.f32 v2, v1;
	_ =	sdelay $0x1  }
0x6b: {  	[tilespmem:s17+$0xC6D0] =	vst v1  }
0x6c: {  	v1 =	vld.idx.msk [tilespmem:v4+s2+$0x0], $0xffff  }
0x6d: {  	v2 =	vld.idx.msk [tilespmem:v5+s2+$0x0], $0xffff;
	_ =	sdelay $0x2  }
0x6e: {  	v6 =	vld.idx.msk [tilespmem:v4+s11+$0x0], $0xffff  }
0x6f: {  	v7 =	vld.idx.msk [tilespmem:v5+s11+$0x0], $0xffff  }
0x70: {  	v3 =	vsub.f32 v1, v2;
	v1 =	vld.idx.msk [tilespmem:v4+s12+$0x0], $0xffff  }
0x71: {  	v2 =	vld.idx.msk [tilespmem:v5+s12+$0x0], $0xffff;
	_ =	sdelay $0x2  }
0x72: {  	s18 =	simm.s32 $0x200;
	v0 =	vld [tilespmem:s17+$0x76F0];
	v4 =	vsub.f32 v6, v7;
	v3 =	vmul.f32 v3, v3  }
.LBB2_2:
0x73: {  	p0 =	sne.s32 s18, $0x9E00;
	s19 =	smov.u32 s18;
	s18 =	sadd.s32 $0x200, s18  }
0x74: {  	v1 =	vsub.f32 v1, v2;
	v4 =	vmul.f32 v4, v4;
	v2 =	vld [tilespmem:s17+$0x9EF0];
	_ =	sdelay $0x1  }
0x75: {  	v1 =	vmul.f32 v1, v1;
	v3 =	vadd.f32 v4, v3;
	_ =	sdelay $0x1  }
0x76: {  	v1 =	vadd.f32 v1, v3;
	_ =	sdelay $0x1  }
0x77: {  	[tilespmem:s17+$0xC6E0] =	vst v1  }
0x78: {  	v1 =	vld.idx.msk [tilespmem:v0+s12+$0x0], $0xffff  }
0x79: {  	v3 =	vld.idx.msk [tilespmem:v2+s12+$0x0], $0xffff  }
0x7a: {  	v4 =	vld.idx.msk [tilespmem:v2+s2+$0x0], $0xffff  }
0x7b: {  	v2 =	vld.idx.msk [tilespmem:v2+s11+$0x0], $0xffff  }
0x7c: {  	v5 =	vld.idx.msk [tilespmem:v0+s2+$0x0], $0xffff  }
0x7d: {  	v0 =	vld.idx.msk [tilespmem:v0+s11+$0x0], $0xffff;
	_ =	sdelay $0x4  }
0x7e: {  	s19 =	sshra.s32 s19, $0x2;
	v1 =	vsub.f32 v1, v3;
	v4 =	vsub.f32 v5, v4  }
0x7f: {  	v2 =	vsub.f32 v0, v2;
	v3 =	vld [tilespmem:s19+$0x7680]  }
0x80: {  	v1 =	vmul.f32 v1, v1;
	v4 =	vmul.f32 v4, v4;
	v5 =	vld [tilespmem:s19+$0x9E80]  }
0x81: {  	v2 =	vmul.f32 v2, v2;
	v0 =	vld [tilespmem:s19+$0x76F0];
	_ =	sdelay $0x1  }
0x82: {  	v2 =	vadd.f32 v2, v4;
	_ =	sdelay $0x1  }
0x83: {  	v1 =	vadd.f32 v1, v2;
	_ =	sdelay $0x1  }
0x84: {  	[tilespmem:s17+$0xC6F0] =	vst v1;
	s17 =	smov.u32 s19  }
0x85: {  	v1 =	vld.idx.msk [tilespmem:v3+s2+$0x0], $0xffff  }
0x86: {  	v2 =	vld.idx.msk [tilespmem:v3+s11+$0x0], $0xffff  }
0x87: {  	v4 =	vld.idx.msk [tilespmem:v5+s2+$0x0], $0xffff  }
0x88: {  	v6 =	vld.idx.msk [tilespmem:v5+s11+$0x0], $0xffff  }
0x89: {  	v5 =	vld.idx.msk [tilespmem:v5+s12+$0x0], $0xffff  }
0x8a: {  	v3 =	vld.idx.msk [tilespmem:v3+s12+$0x0], $0xffff;
	_ =	sdelay $0x2  }
0x8b: {  	v1 =	vsub.f32 v1, v4  }
0x8c: {  	v2 =	vsub.f32 v2, v6  }
0x8d: {  	v1 =	vmul.f32 v1, v1;
	v4 =	vld [tilespmem:s17+$0x7690]  }
0x8e: {  	v2 =	vmul.f32 v2, v2;
	v3 =	vsub.f32 v3, v5;
	v5 =	vld [tilespmem:s17+$0x9E90];
	_ =	sdelay $0x1  }
0x8f: {  	v1 =	vadd.f32 v2, v1;
	v2 =	vmul.f32 v3, v3;
	_ =	sdelay $0x1  }
0x90: {  	v1 =	vadd.f32 v2, v1;
	_ =	sdelay $0x1  }
0x91: {  	[tilespmem:s17+$0xC680] =	vst v1  }
0x92: {  	v1 =	vld.idx.msk [tilespmem:v4+s11+$0x0], $0xffff  }
0x93: {  	v2 =	vld.idx.msk [tilespmem:v5+s2+$0x0], $0xffff  }
0x94: {  	v3 =	vld.idx.msk [tilespmem:v4+s2+$0x0], $0xffff  }
0x95: {  	v6 =	vld.idx.msk [tilespmem:v5+s11+$0x0], $0xffff  }
0x96: {  	v5 =	vld.idx.msk [tilespmem:v5+s12+$0x0], $0xffff  }
0x97: {  	v4 =	vld.idx.msk [tilespmem:v4+s12+$0x0], $0xffff;
	_ =	sdelay $0x2  }
0x98: {  	v2 =	vsub.f32 v3, v2  }
0x99: {  	v1 =	vsub.f32 v1, v6  }
0x9a: {  	v3 =	vld [tilespmem:s17+$0x76A0]  }
0x9b: {  	v2 =	vmul.f32 v2, v2;
	v1 =	vmul.f32 v1, v1;
	v4 =	vsub.f32 v4, v5;
	v5 =	vld [tilespmem:s17+$0x9EA0];
	_ =	sdelay $0x1  }
0x9c: {  	v1 =	vadd.f32 v1, v2;
	v2 =	vmul.f32 v4, v4;
	_ =	sdelay $0x1  }
0x9d: {  	v1 =	vadd.f32 v2, v1;
	_ =	sdelay $0x1  }
0x9e: {  	[tilespmem:s17+$0xC690] =	vst v1  }
0x9f: {  	v1 =	vld.idx.msk [tilespmem:v3+s11+$0x0], $0xffff  }
0xa0: {  	v2 =	vld.idx.msk [tilespmem:v5+s2+$0x0], $0xffff  }
0xa1: {  	v4 =	vld.idx.msk [tilespmem:v3+s2+$0x0], $0xffff  }
0xa2: {  	v6 =	vld.idx.msk [tilespmem:v5+s11+$0x0], $0xffff  }
0xa3: {  	v5 =	vld.idx.msk [tilespmem:v5+s12+$0x0], $0xffff  }
0xa4: {  	v3 =	vld.idx.msk [tilespmem:v3+s12+$0x0], $0xffff;
	_ =	sdelay $0x2  }
0xa5: {  	v2 =	vsub.f32 v4, v2  }
0xa6: {  	v1 =	vsub.f32 v1, v6  }
0xa7: {  	v4 =	vld [tilespmem:s17+$0x9EB0]  }
0xa8: {  	v2 =	vmul.f32 v2, v2;
	v1 =	vmul.f32 v1, v1;
	v3 =	vsub.f32 v3, v5;
	v5 =	vld [tilespmem:s17+$0x76B0];
	_ =	sdelay $0x1  }
0xa9: {  	v1 =	vadd.f32 v1, v2;
	v2 =	vmul.f32 v3, v3;
	_ =	sdelay $0x1  }
0xaa: {  	v1 =	vadd.f32 v2, v1;
	_ =	sdelay $0x1  }
0xab: {  	[tilespmem:s17+$0xC6A0] =	vst v1  }
0xac: {  	v1 =	vld.idx.msk [tilespmem:v4+s11+$0x0], $0xffff  }
0xad: {  	v2 =	vld.idx.msk [tilespmem:v5+s2+$0x0], $0xffff  }
0xae: {  	v3 =	vld.idx.msk [tilespmem:v5+s11+$0x0], $0xffff  }
0xaf: {  	v6 =	vld.idx.msk [tilespmem:v4+s2+$0x0], $0xffff  }
0xb0: {  	v4 =	vld.idx.msk [tilespmem:v4+s12+$0x0], $0xffff  }
0xb1: {  	v5 =	vld.idx.msk [tilespmem:v5+s12+$0x0], $0xffff;
	_ =	sdelay $0x2  }
0xb2: {  	v1 =	vsub.f32 v3, v1  }
0xb3: {  	v2 =	vsub.f32 v2, v6  }
0xb4: {  	v1 =	vmul.f32 v1, v1;
	v3 =	vld [tilespmem:s17+$0x9EC0]  }
0xb5: {  	v2 =	vmul.f32 v2, v2;
	v4 =	vsub.f32 v5, v4  }
0xb6: {  	v5 =	vld [tilespmem:s17+$0x76C0]  }
0xb7: {  	v1 =	vadd.f32 v1, v2;
	v2 =	vmul.f32 v4, v4;
	_ =	sdelay $0x1  }
0xb8: {  	v1 =	vadd.f32 v2, v1;
	_ =	sdelay $0x1  }
0xb9: {  	[tilespmem:s17+$0xC6B0] =	vst v1  }
0xba: {  	v1 =	vld.idx.msk [tilespmem:v3+s11+$0x0], $0xffff  }
0xbb: {  	v2 =	vld.idx.msk [tilespmem:v3+s2+$0x0], $0xffff  }
0xbc: {  	v4 =	vld.idx.msk [tilespmem:v5+s2+$0x0], $0xffff  }
0xbd: {  	v6 =	vld.idx.msk [tilespmem:v5+s11+$0x0], $0xffff  }
0xbe: {  	v3 =	vld.idx.msk [tilespmem:v3+s12+$0x0], $0xffff  }
0xbf: {  	v5 =	vld.idx.msk [tilespmem:v5+s12+$0x0], $0xffff;
	_ =	sdelay $0x2  }
0xc0: {  	v2 =	vsub.f32 v4, v2  }
0xc1: {  	v1 =	vsub.f32 v6, v1  }
0xc2: {  	v4 =	vld [tilespmem:s17+$0x9ED0]  }
0xc3: {  	v2 =	vmul.f32 v2, v2;
	v1 =	vmul.f32 v1, v1;
	v3 =	vsub.f32 v5, v3  }
0xc4: {  	v5 =	vld [tilespmem:s17+$0x76D0]  }
0xc5: {  	v1 =	vadd.f32 v1, v2;
	v2 =	vmul.f32 v3, v3;
	_ =	sdelay $0x1  }
0xc6: {  	v1 =	vadd.f32 v2, v1;
	_ =	sdelay $0x1  }
0xc7: {  	[tilespmem:s17+$0xC6C0] =	vst v1  }
0xc8: {  	v1 =	vld.idx.msk [tilespmem:v4+s2+$0x0], $0xffff  }
0xc9: {  	v2 =	vld.idx.msk [tilespmem:v4+s11+$0x0], $0xffff  }
0xca: {  	v3 =	vld.idx.msk [tilespmem:v5+s2+$0x0], $0xffff  }
0xcb: {  	v6 =	vld.idx.msk [tilespmem:v5+s11+$0x0], $0xffff  }
0xcc: {  	v5 =	vld.idx.msk [tilespmem:v5+s12+$0x0], $0xffff  }
0xcd: {  	v4 =	vld.idx.msk [tilespmem:v4+s12+$0x0], $0xffff;
	_ =	sdelay $0x2  }
0xce: {  	v1 =	vsub.f32 v3, v1  }
0xcf: {  	v2 =	vsub.f32 v6, v2  }
0xd0: {  	v3 =	vld [tilespmem:s17+$0x76E0]  }
0xd1: {  	v1 =	vmul.f32 v1, v1;
	v2 =	vmul.f32 v2, v2;
	v4 =	vsub.f32 v5, v4;
	v5 =	vld [tilespmem:s17+$0x9EE0];
	_ =	sdelay $0x1  }
0xd2: {  	v1 =	vadd.f32 v2, v1;
	v2 =	vmul.f32 v4, v4;
	_ =	sdelay $0x1  }
0xd3: {  	v1 =	vadd.f32 v2, v1;
	_ =	sdelay $0x1  }
0xd4: {  	[tilespmem:s17+$0xC6D0] =	vst v1  }
0xd5: {  	v4 =	vld.idx.msk [tilespmem:v3+s2+$0x0], $0xffff  }
0xd6: {  	v6 =	vld.idx.msk [tilespmem:v5+s2+$0x0], $0xffff  }
0xd7: {  	v7 =	vld.idx.msk [tilespmem:v3+s11+$0x0], $0xffff  }
0xd8: {  	v8 =	vld.idx.msk [tilespmem:v5+s11+$0x0], $0xffff  }
0xd9: {  	v1 =	vld.idx.msk [tilespmem:v3+s12+$0x0], $0xffff  }
.Ltmp0:
0xda: {  	v2 =	vld.idx.msk [tilespmem:v5+s12+$0x0], $0xffff;
	(pc) =	sbr.rel @p0 .LBB2_2-.Ltmp0, $3  }
0xdb: {  	_ = 	snop  }
0xdc: {  	v3 =	vsub.f32 v4, v6;
	_ =	sdelay $0x1  }
0xdd: {  	v3 =	vmul.f32 v3, v3;
	v4 =	vsub.f32 v7, v8  }
0xde: {  	v5 =	vld [tilespmem:s17+$0x9EF0]  }
0xdf: {  	v1 =	vsub.f32 v1, v2;
	v4 =	vmul.f32 v4, v4;
	_ =	sdelay $0x1  }
0xe0: {  	v1 =	vmul.f32 v1, v1;
	v59 =	vadd.f32 v4, v3;
	_ =	sdelay $0x1  }
0xe1: {  	v1 =	vadd.f32 v1, v59;
	_ =	sdelay $0x1  }
0xe2: {  	[tilespmem:s17+$0xC6E0] =	vst v1  }
0xe3: {  	v1 =	vld.idx.msk [tilespmem:v5+s2+$0x0], $0xffff  }
0xe4: {  	v60 =	vld.idx.msk [tilespmem:v5+s11+$0x0], $0xffff  }
0xe5: {  	v61 =	vld.idx.msk [tilespmem:v0+s2+$0x0], $0xffff  }
0xe6: {  	v62 =	vld.idx.msk [tilespmem:v0+s11+$0x0], $0xffff  }
0xe7: {  	v63 =	vld.idx.msk [tilespmem:v0+s12+$0x0], $0xffff  }
0xe8: {  	v5 =	vld.idx.msk [tilespmem:v5+s12+$0x0], $0xffff;
	_ =	sdelay $0x2  }
0xe9: {  	v1 =	vsub.f32 v61, v1;
	v2 =	vsub.f32 v62, v60;
	_ =	sdelay $0x1  }
0xea: {  	v0 =	vsub.f32 v63, v5;
	v1 =	vmul.f32 v1, v1;
	v2 =	vmul.f32 v2, v2;
	_ =	sdelay $0x1  }
0xeb: {  	v0 =	vmul.f32 v0, v0;
	v1 =	vadd.f32 v2, v1;
	_ =	sdelay $0x1  }
0xec: {  	s16 =	sadd.s32 $0x1, s16;
	v0 =	vadd.f32 v0, v1  }
0xed: {  	p0 =	sne.s32 s16, s9  }
.Ltmp1:
0xee: {  	[tilespmem:s17+$0xC6F0] =	vst v0;
	(pc) =	sbr.rel @p0 .LBB2_1-.Ltmp1, $4  }
0xef: {  	[hbm4b:s8+s2] =	stream.linear.scatter [tilespmem:s15], [sflag:$0x1], $0x2800, $0x38;
	[tilespmem:$0xEE80] =	vst v63  }
0xf0: {  	_ =	swait.ge [sflag:s10], $0x2800  }
0xf1: {  	[sflag:s10] =	ssyncset.done $0x0  }
0xf2: {  	[sflag:s10] =	ssyncadd.s32 $0xFFFFD800  }
0xf3: {  	_ =	sfence.sel $0x180000  }
0xf4: {  	[bflag:$0x0] =	sbarrier.arrive $0xFFFF  }
0xf5: {  	p0 =	sne.s32 s1, $0x0;
	_ =	strace $0x90000047  }
0xf6: {  	s0 =	sadd.s32 @!p0 $0x100000, s0;
	[bflag:$0x2] =	sbarrier.arrive $0xFFFF  }
0xf7: {  	[sflag:s0] =	ssyncadd.tile.s32 @!p0 $0x1;
	_ =	shalt  }
.Lfunc_end2:
_tile_overlayer_lowered:
.L_overlay_start_2:
0xf8: {  	(tag) =	ssettag $0x2  }
0xf9: {  	s0 =	rddreg [dreg:$0x0];
	s2 =	stileid.u32  }
0xfa: {  	s1 =	rddreg [dreg:$0x1];
	p0 =	sne.s32 s2, $0x0  }
0xfb: {  	s3 =	rddreg [dreg:$0x2];
	[bflag:$0x3] =	sbarrier.arrive $0xFFFF;
	s2 =	simm.s32 @!p0 $0x1C01  }
0xfc: {  	[timem:s3], [sflag:s2] =	dma.local @!p0 [hbm:s0], s1  }
0xfd: {  	s0 =	simm.s32 @!p0 $0x1  }
0xfe: {  	_ =	swait.ge @!p0 [sflag:s0], s1  }
0xff: {  	s1 =	ssub.s32 @!p0 $0x0, s1;
	[sflag:s0] =	ssyncset.done @!p0 $0x0  }
0x100: {  	[sflag:s0] =	ssyncadd.s32 @!p0 s1  }
0x101: {  	[bflag:$0x3] =	sbarrier.arrive $0xFFFF  }
0x102: {  	_ =	shalt  }

// kernel: kernel.18.cloned.1.call-start
scs
__scs_entry_jumppad:
0x0: {  	(pc) =	sbr.rel $0x88, $3  }
0x1: {  	(tag) =	ssettag $0x0;
	lr =	simm.s32 $0x1  }
0x2: {  	[smem:$0x3F86] =	sst lr;
	_ =	strace $0xD0000000  }
0x3: {  	_ = 	snop  }
0x4: {  	_ = 	snop  }
0x5: {  	_ = 	snop  }
0x6: {  	_ = 	snop  }
0x7: {  	_ = 	snop  }
__scs_overlays_trampoline_lowered:
0x8: {  	[smem:$0x3F95] =	sst s0  }
0x9: {  	[smem:$0x3F96] =	sst s1  }
0xa: {  	[smem:$0x3F97] =	sst s2  }
0xb: {  	[smem:$0x3F98] =	sst s3  }
0xc: {  	[smem:$0x3F99] =	sst s4  }
0xd: {  	[smem:$0x3F9A] =	sst s5  }
0xe: {  	[smem:$0x3F9B] =	sst s6  }
0xf: {  	[smem:$0x3F9C] =	sst s7  }
0x10: {  	[smem:$0x3F9D] =	sst s8  }
0x11: {  	[smem:$0x3F9E] =	sst s9;
	s0 =	simm.s32 @!p0 $0x0  }
0x12: {  	s1 =	sld [smem:$0x3F84];
	s0 =	simm.s32 @p0 $0x1  }
0x13: {  	[smem:$0x3F9F] =	sst s0;
	s0 =	simm.s32 @!p1 $0x0  }
0x14: {  	s2 =	sld [smem:$0x3F83];
	s0 =	simm.s32 @p1 $0x1  }
0x15: {  	[smem:$0x3FA0] =	sst s0;
	s0 =	simm.s32 @!p2 $0x0  }
0x16: {  	s3 =	sld [smem:$0x3FDB];
	s0 =	simm.s32 @p2 $0x1  }
0x17: {  	s4 =	simm.s32 $0x1BF5;
	[smem:$0x3FA2] =	sst s0  }
0x18: {  	s0 =	sld [smem:$0x3F85];
	_ =	swait.ge [sflag:s4], $0x0  }
0x19: {  	s7 =	sld [smem:$0x3F86]  }
0x1a: {  	s8 =	sadd.s32 $0xFFFFE003, lr  }
0x1b: {  	s9 =	sadd.s32 $0xFFFFFEF7, lr;
	s5 =	simm.s32 $0xFFFFFFFF;
	p2 =	slt.u32 s8, $0xFFFFF086  }
0x1c: {  	p1 =	slt.u32 s9, $0xF7A;
	s5 =	simm.s32 @!p2 $0x0  }
0x1d: {  	s5 =	simm.s32 @p1 $0x1;
	p0 =	seq.s32 s7, s2  }
0x1e: {  	s7 =	smul.u32 @!p0 $0xF7A, s2;
	p2 =	seq.s32 @!p0 s5, $0x0  }
0x1f: {  	s9 =	smul.u32 $0xF7A, s1;
	s8 =	simm.s32 @!p0 $0x1BF5;
	p2 =	por !p2, p0  }
0x20: {  	[sflag:s8] =	ssyncset.s32 @!p0 $0xFFFFF086;
	s6 =	sadd.s32 @!p0 s3, s7;
	s7 =	simm.s32 @!p0 $0x108  }
0x21: {  	s3 =	sadd.s32 s3, s9;
	s6 =	sadd.s32 @!p0 $0x88, s6;
	s7 =	simm.s32 @p2 $0x1082  }
0x22: {  	[simem:s7], [sflag:s8] =	dma.local @!p0 [hbm:s6], $0xF7A  }
0x23: {  	s9 =	sor.u32 $0xD0000000, s2;
	s6 =	simm.s32 $0x108;
	_ =	swait.ge @!p0 [sflag:s8], $0x0  }
0x24: {  	s3 =	sadd.s32 $0x88, s3;
	s6 =	simm.s32 @!p1 $0x1082;
	[sflag:s4] =	ssyncset.s32 $0xFFFFF086  }
0x25: {  	[simem:s6], [sflag:s4] =	dma.local [hbm:s3], $0xF7A  }
0x26: {  	[smem:$0x3F86] =	sst s1;
	(tag) =	ssettag s2;
	_ =	strace s9  }
0x27: {  	s1 =	sld [smem:$0x3F96]  }
0x28: {  	s2 =	sld [smem:$0x3F97]  }
0x29: {  	s4 =	sld [smem:$0x3F99]  }
0x2a: {  	p0 =	seq.s32 s5, $0x0;
	s5 =	sld [smem:$0x3F9A]  }
0x2b: {  	s6 =	sld [smem:$0x3F9B]  }
0x2c: {  	s7 =	sld [smem:$0x3F9C]  }
0x2d: {  	s3 =	simm.s32 $0x108;
	s8 =	sld [smem:$0x3F9D]  }
0x2e: {  	s3 =	simm.s32 @!p0 $0x1082;
	s9 =	sld [smem:$0x3F9E]  }
0x2f: {  	lr =	sadd.s32 s0, s3;
	s0 =	sld [smem:$0x3F95]  }
0x30: {  	s3 =	sld [smem:$0x3F98]  }
0x31: {  	[smem:$0x3FA1] =	sst s10  }
0x32: {  	s10 =	sld [smem:$0x3F9F];
	_ =	sdelay $0x3  }
0x33: {  	p0 =	seq.s32 s10, $0x1;
	s10 =	sld [smem:$0x3FA1];
	_ =	sdelay $0x3  }
0x34: {  	[smem:$0x3FA1] =	sst s10  }
0x35: {  	s10 =	sld [smem:$0x3FA0];
	_ =	sdelay $0x3  }
0x36: {  	p1 =	seq.s32 s10, $0x1;
	s10 =	sld [smem:$0x3FA1];
	_ =	sdelay $0x3  }
0x37: {  	[smem:$0x3FA1] =	sst s10  }
0x38: {  	s10 =	sld [smem:$0x3FA2]  }
0x39: {  	_ = 	snop;
	(pc) =	sbr.ind lr, $3  }
0x3a: {  	_ = 	snop  }
0x3b: {  	_ = 	snop  }
0x3c: {  	p2 =	seq.s32 s10, $0x1;
	s10 =	sld [smem:$0x3FA1]  }
0x3d: {  	_ =	shalt  }
0x3e: {  	_ =	shalt  }
0x3f: {  	_ =	shalt  }
0x40: {  	_ =	shalt  }
0x41: {  	_ =	shalt  }
0x42: {  	_ =	shalt  }
0x43: {  	_ =	shalt  }
0x44: {  	_ =	shalt  }
0x45: {  	_ =	shalt  }
0x46: {  	_ =	shalt  }
0x47: {  	_ =	shalt  }
0x48: {  	_ =	shalt  }
0x49: {  	_ =	shalt  }
0x4a: {  	_ =	shalt  }
0x4b: {  	_ =	shalt  }
0x4c: {  	_ =	shalt  }
0x4d: {  	_ =	shalt  }
0x4e: {  	_ =	shalt  }
0x4f: {  	_ =	shalt  }
0x50: {  	_ =	shalt  }
0x51: {  	_ =	shalt  }
0x52: {  	_ =	shalt  }
0x53: {  	_ =	shalt  }
0x54: {  	_ =	shalt  }
0x55: {  	_ =	shalt  }
0x56: {  	_ =	shalt  }
0x57: {  	_ =	shalt  }
0x58: {  	_ =	shalt  }
0x59: {  	_ =	shalt  }
0x5a: {  	_ =	shalt  }
0x5b: {  	_ =	shalt  }
0x5c: {  	_ =	shalt  }
0x5d: {  	_ =	shalt  }
0x5e: {  	_ =	shalt  }
0x5f: {  	_ =	shalt  }
0x60: {  	_ =	shalt  }
0x61: {  	_ =	shalt  }
0x62: {  	_ =	shalt  }
0x63: {  	_ =	shalt  }
0x64: {  	_ =	shalt  }
0x65: {  	_ =	shalt  }
0x66: {  	_ =	shalt  }
0x67: {  	_ =	shalt  }
0x68: {  	_ =	shalt  }
0x69: {  	_ =	shalt  }
0x6a: {  	_ =	shalt  }
0x6b: {  	_ =	shalt  }
0x6c: {  	_ =	shalt  }
0x6d: {  	_ =	shalt  }
0x6e: {  	_ =	shalt  }
0x6f: {  	_ =	shalt  }
0x70: {  	_ =	shalt  }
0x71: {  	_ =	shalt  }
0x72: {  	_ =	shalt  }
0x73: {  	_ =	shalt  }
0x74: {  	_ =	shalt  }
0x75: {  	_ =	shalt  }
0x76: {  	_ =	shalt  }
0x77: {  	_ =	shalt  }
0x78: {  	_ =	shalt  }
0x79: {  	_ =	shalt  }
0x7a: {  	_ =	shalt  }
0x7b: {  	_ =	shalt  }
0x7c: {  	_ =	shalt  }
0x7d: {  	_ =	shalt  }
0x7e: {  	_ =	shalt  }
0x7f: {  	_ =	shalt  }
0x80: {  	_ =	shalt  }
0x81: {  	_ =	shalt  }
0x82: {  	_ =	shalt  }
0x83: {  	_ =	shalt  }
0x84: {  	_ =	shalt  }
0x85: {  	_ =	shalt  }
0x86: {  	_ =	shalt  }
0x87: {  	_ =	shalt  }
.Lfunc_end0:
.L_simem_size_0:
called_computation.2_lowered:
.L_overlay_start_0:
0x88: {  	s2 =	sld [smem:$0x3FD9]  }
0x89: {  	s3 =	sld [smem:$0x3FFE];
	_ =	sdelay $0x1  }
0x8a: {  	s1 =	srdreg.scid  }
0x8b: {  	s0 =	sand.u32 $0x1, s1  }
0x8c: {  	s17 =	sshll.u32 s0, $0xA;
	s2 =	sadd.s32 s3, s2  }
0x8d: {  	s2 =	sadd.s32 s2, s17  }
0x8e: {  	[smem:$0x3FAD] =	sst s2  }
0x8f: {  	_ = 	snop  }
0x90: {  	s2 =	sld [smem:$0x3FD0];
	(tm) =	ssettm $0x1  }
0x91: {  	s18 =	sld [smem:$0x3FFB];
	_ =	sdelay $0x3  }
0x92: {  	_ =	strace s18  }
0x93: {  	s3 =	sld [smem:$0x3FFC];
	_ =	sdelay $0x3  }
0x94: {  	_ =	strace s3  }
0x95: {  	s3 =	sld [smem:$0x3FFD];
	_ =	sdelay $0x3  }
0x96: {  	_ =	strace s3  }
0x97: {  	_ =	strace $0x8FFFFFFF  }
0x98: {  	s19 =	sld [smem:$0x3FDB];
	_ =	sdelay $0x1  }
0x99: {  	s4 =	simm.s32 $_scs_section_size  }
0x9a: {  	s5 =	simm.s32 $_size__tile_overlayer_lowered;
	s6 =	simm.s32 $_tile_overlayer_lowered  }
0x9b: {  	s22 =	simm.s32 $0x1BFF;
	s21 =	sshll.u32 s6, $0x1;
	s3 =	sadd.s32 s4, s19  }
0x9c: {  	s7 =	simm.s32 $0x0;
	s20 =	sshll.u32 s5, $0x1;
	s5 =	sadd.s32 s21, s3  }
0x9d: {  	[timem:s7], [sflag:s22] =	dma.local [hbm:s5], s20  }
0x9e: {  	_ =	swait.ge [sflag:s22], s20  }
0x9f: {  	s4 =	ssub.s32 $0x0, s20;
	[sflag:s22] =	ssyncset.done $0x0  }
0xa0: {  	[sflag:s22] =	ssyncadd.s32 s4;
	_ =	sdelay $0x1  }
0xa1: {  	s23 =	simm.s32 $0x1B8B  }
0xa2: {  	_ =	swait.ge [sflag:s23], $0x1  }
0xa3: {  	[sflag:s23] =	ssyncset.done $0x0  }
0xa4: {  	s25 =	simm.s32 $0x1B8E;
	s24 =	sld [smem:$0x3FFE];
	[sflag:s23] =	ssyncadd.s32 $0xFFFFFFFF  }
0xa5: {  	s26 =	simm.s32 $execute0_lowered;
	[smem:$0x3FD2] =	sst s25  }
0xa6: {  	s5 =	sshll.u32 s26, $0x1;
	_ =	strace $0x8000004C;
	[dreg:$0x1] =	wrdreg $0xFFFFFFFF  }
0xa7: {  	s28 =	simm.s32 $_size_execute0_lowered;
	s3 =	sadd.s32 s3, s5;
	[dreg:$0x0] =	wrdreg $0x0  }
0xa8: {  	s5 =	sshll.u32 s28, $0x1;
	[dreg:$0x2] =	wrdreg s3  }
0xa9: {  	[dreg:$0x3] =	wrdreg s5  }
0xaa: {  	[dreg:$0x4] =	wrdreg $0xC0  }
0xab: {  	_ =	task [dreg:s7], $0x5FFFF  }
0xac: {  	[dreg:$0x1] =	wrdreg $0xFFFFFFFF  }
0xad: {  	[dreg:$0x0] =	wrdreg $0x60  }
0xae: {  	[dreg:$0x2] =	wrdreg s24  }
0xaf: {  	[dreg:$0x3] =	wrdreg s2  }
0xb0: {  	[dreg:$0x4] =	wrdreg $0x68000  }
0xb1: {  	[dreg:$0x5] =	wrdreg $0x9  }
0xb2: {  	_ =	task.clear_ibuf [dreg:s7], $0x6FFFF;
	_ =	strace $0x9000004C  }
0xb3: {  	s29 =	simm.s32 $0x9;
	_ =	strace $0x8000004E  }
0xb4: {  	_ =	swait.ge [sflag:s29], $0x1  }
0xb5: {  	[sflag:s29] =	ssyncadd.s32 $0xFFFFFFFF  }
0xb6: {  	_ =	strace $0x9000004E  }
0xb7: {  	_ =	sfence  }
0xb8: {  	s30 =	sld [smem:$0x0];
	_ =	sdelay $0x2  }
0xb9: {  	s31 =	sshll.u32 s1, $0xD;
	s1 =	sshrl.u32 s1, $0x2  }
0xba: {  	s3 =	sand.u32 $0x4000, s31;
	s1 =	sadd.s32 s1, s30  }
0xbb: {  	s0 =	sor.u32 s3, s0;
	s1 =	sshll.u32 s1, $0x11  }
0xbc: {  	s0 =	sor.u32 s1, s0  }
0xbd: {  	s0 =	sadd.s32 $0x8F2B, s0  }
0xbe: {  	[sflag:s0] =	ssyncadd.remote.s32 $0x1  }
0xbf: {  	_ =	sfence.sel $0xFFFF  }
0xc0: {  	[dreg:$0x0] =	wrdreg $0xFFFFFFFF;
	(pc) =	sbr.abs _section_cstart, $3  }
0xc1: {  	[dreg:$0x1] =	wrdreg $0xFFFFFFFF  }
0xc2: {  	_ =	task.clear_ibuf [dreg:s7], $0x2FFFF;
	_ =	strace $0x9FFFFFFF  }
0xc3: {  	(tm) =	ssettm $0x7FFFFFFF  }
tec
execute0_lowered:
.L_overlay_start_1:
0x0: {  	(tag) =	ssettag $0x1  }
0x1: {  	s5 =	rddreg [dreg:$0x0]  }
0x2: {  	s11 =	rddreg [dreg:$0x1]  }
0x3: {  	s2 =	rddreg [dreg:$0x2]  }
0x4: {  	s0 =	rddreg [dreg:$0x3];
	s1 =	stileid.u32  }
0x5: {  	s4 =	srdreg.scid;
	s3 =	simm.s32 $0x0;
	s23 =	simm.s32 $0x0  }
0x6: {  	s6 =	smul.u32 $0x50000, s1;
	s14 =	sand.u32 $0x1, s4;
	[smem:$0x7FF] =	sst s3  }
0x7: {  	s4 =	sadd.s32 $0x5E00, s5;
	s16 =	sadd.s32 $0x1B000, s5;
	s29 =	sshll.u32 s1, $0x1  }
0x8: {  	s12 =	smul.u32 $0x14000, s1;
	s30 =	sshll.u32 s1, $0x6;
	s7 =	ssub.s32 $0x2, s14  }
0x9: {  	_ =	strace $0x8000004D;
	s9 =	sor.u32 s14, s29;
	s19 =	smul.u32 $0x140000, s14  }
0xa: {  	s31 =	smul.u32 $0x28000, s14;
	s18 =	sadd.s32 s6, s5;
	s8 =	sshrl.u32 s7, $0x1  }
0xb: {  	s6 =	sshrl.u32 s6, $0x2;
	s13 =	sadd.s32 $0x4000, s12;
	s15 =	sadd.s32 $0x8000, s12  }
0xc: {  	s20 =	sadd.s32 $0xC000, s12;
	s21 =	sadd.s32 $0x10000, s12;
	s22 =	smul.u32 $0x500, s9  }
0xd: {  	s17 =	ssub.s32 s7, s8;
	s5 =	sadd.s32 s6, s2;
	s6 =	sor.u32 $0x1C01, s30  }
0xe: {  	s7 =	sadd.s32 s13, s2;
	s8 =	sadd.s32 s15, s2;
	s9 =	sadd.s32 s20, s2  }
0xf: {  	s10 =	sadd.s32 s21, s2;
	s12 =	sadd.s32 s12, s19;
	s13 =	sadd.s32 s19, s13  }
0x10: {  	s15 =	sadd.s32 s19, s15;
	s20 =	sadd.s32 s19, s20;
	s19 =	sadd.s32 s19, s21  }
0x11: {  	s18 =	sadd.s32 s31, s18;
	s21 =	simm.s32 $0x2800;
	s11 =	sadd.s32 s11, s22  }
0x12: {  	s12 =	sshrl.u32 s12, $0x3;
	s13 =	sshrl.u32 s13, $0x3;
	s15 =	sshrl.u32 s15, $0x3  }
0x13: {  	s20 =	sshrl.u32 s20, $0x3;
	s19 =	sshrl.u32 s19, $0x3;
	s17 =	smax.u32 s17, $0x1  }
0x14: {  	s18 =	sadd.s32 $0x147CA00, s18;
	s22 =	simm.s32 $0x80;
	s12 =	sadd.s32 s16, s12  }
0x15: {  	s13 =	sadd.s32 s16, s13;
	s14 =	sadd.s32 s16, s15;
	s15 =	sadd.s32 s16, s20  }
0x16: {  	s16 =	sadd.s32 s16, s19;
	s19 =	sshrl.u32 s5, $0x3;
	s20 =	simm.s32 $0x1  }
.LBB2_1:
0x17: {  	[spmem:s19], [sflag:s6] =	dma.local [hbm:s4], $0x800  }
0x18: {  	_ =	swait.ge [sflag:s20], $0x800  }
0x19: {  	[sflag:s20] =	ssyncset.done $0x0  }
0x1a: {  	s24 =	sshrl.u32 s7, $0x3;
	[sflag:s20] =	ssyncadd.s32 $0xFFFFF800  }
0x1b: {  	[spmem:s24], [sflag:s6] =	dma.local [hbm:s4], $0x800  }
0x1c: {  	_ =	swait.ge [sflag:s20], $0x800  }
0x1d: {  	[sflag:s20] =	ssyncset.done $0x0  }
0x1e: {  	s28 =	sshrl.u32 s8, $0x3;
	[sflag:s20] =	ssyncadd.s32 $0xFFFFF800  }
0x1f: {  	[spmem:s28], [sflag:s6] =	dma.local [hbm:s4], $0x800  }
0x20: {  	_ =	swait.ge [sflag:s20], $0x800  }
0x21: {  	[sflag:s20] =	ssyncset.done $0x0  }
0x22: {  	s29 =	sshrl.u32 s9, $0x3;
	[sflag:s20] =	ssyncadd.s32 $0xFFFFF800  }
0x23: {  	[spmem:s29], [sflag:s6] =	dma.local [hbm:s4], $0x800  }
0x24: {  	_ =	swait.ge [sflag:s20], $0x800  }
0x25: {  	[sflag:s20] =	ssyncset.done $0x0  }
0x26: {  	s30 =	sshrl.u32 s10, $0x3;
	[sflag:s20] =	ssyncadd.s32 $0xFFFFF800  }
0x27: {  	[spmem:s30], [sflag:s6] =	dma.local [hbm:s4], $0x800  }
0x28: {  	_ =	swait.ge [sflag:s20], $0x800  }
0x29: {  	[sflag:s20] =	ssyncset.done $0x0  }
0x2a: {  	[sflag:s20] =	ssyncadd.s32 $0xFFFFF800  }
0x2b: {  	[bflag:$0x0] =	sbarrier.arrive $0xFFFF  }
0x2c: {  	[tilespmem:s3], [sflag:$0x1] =	stream.linear.gather [hbm4b:s11+s3], $0x2800, $0x38;
	[tilespmem:$0x1A800] =	vst v63  }
0x2d: {  	_ =	swait.ge [sflag:s20], $0x2800  }
0x2e: {  	[sflag:s20] =	ssyncset.done $0x0  }
0x2f: {  	[sflag:s20] =	ssyncadd.s32 $0xFFFFD800  }
0x30: {  	[tilespmem:s21], [sflag:$0x1] =	stream.linear.gather [hbm4b:s18+s3], $0x4000, $0x38;
	[tilespmem:$0x1A800] =	vst v63  }
0x31: {  	_ =	swait.ge [sflag:s20], $0x4000  }
0x32: {  	[sflag:s20] =	ssyncset.done $0x0  }
0x33: {  	s31 =	simm.s32 $0x0;
	[sflag:s20] =	ssyncadd.s32 $0xFFFFC000  }
0x34: {  	[spmem:s2] =	stream.indirect.scatter.add.f32 [tilespmem:s21], [sflag:$0x1], $0x80, s31, s22, $0xb8;
	[tilespmem:$0x1A800] =	vst v63  }
0x35: {  	_ =	swait.ge [sflag:s20], $0x4000  }
0x36: {  	s25 =	smov.u32 s18;
	s24 =	simm.s32 $0x200;
	[sflag:s20] =	ssyncset.done $0x0  }
.LBB2_2:
0x37: {  	p0 =	sne.s32 s24, $0x9E00;
	[sflag:s20] =	ssyncadd.s32 $0xFFFFC000;
	s25 =	sadd.s32 $0x800, s25  }
0x38: {  	[tilespmem:s21], [sflag:$0x1] =	stream.linear.gather [hbm4b:s25+s3], $0x4000, $0x38;
	[tilespmem:$0x1A800] =	vst v63  }
0x39: {  	s26 =	smov.u32 s24;
	s24 =	sadd.s32 $0x200, s24;
	_ =	swait.ge [sflag:s20], $0x4000  }
.Ltmp0:
0x3a: {  	[sflag:s20] =	ssyncset.done $0x0;
	(pc) =	sbr.rel @p0 .LBB2_2-.Ltmp0, $4  }
0x3b: {  	s26 =	sshra.s32 s26, $0x2;
	[sflag:s20] =	ssyncadd.s32 $0xFFFFC000  }
0x3c: {  	[spmem:s2] =	stream.indirect.scatter.add.f32 [tilespmem:s21], [sflag:$0x1], $0x80, s26, s22, $0xb8;
	[tilespmem:$0x1A800] =	vst v63  }
0x3d: {  	_ =	swait.ge [sflag:s20], $0x4000  }
0x3e: {  	[sflag:s20] =	ssyncset.done $0x0  }
0x3f: {  	[sflag:s20] =	ssyncadd.s32 $0xFFFFC000  }
0x40: {  	[bflag:$0x0] =	sbarrier.arrive $0xFFFF  }
0x41: {  	[tilespmem:s21], [sflag:$0x1] =	stream.linear.gather [spmem:s5], $0x4000, $0x38;
	[tilespmem:$0x1A800] =	vst v63  }
0x42: {  	_ =	swait.ge [sflag:s20], $0x4000  }
0x43: {  	[sflag:s20] =	ssyncset.done $0x0  }
0x44: {  	[sflag:s20] =	ssyncadd.s32 $0xFFFFC000  }
0x45: {  	[hbm4b:s12+s3] =	stream.linear.scatter [tilespmem:s21], [sflag:$0x1], $0x4000, $0x38;
	[tilespmem:$0x1A800] =	vst v63  }
0x46: {  	_ =	swait.ge [sflag:s20], $0x4000  }
0x47: {  	[sflag:s20] =	ssyncset.done $0x0  }
0x48: {  	[sflag:s20] =	ssyncadd.s32 $0xFFFFC000  }
0x49: {  	[tilespmem:s21], [sflag:$0x1] =	stream.linear.gather [spmem:s7], $0x4000, $0x38;
	[tilespmem:$0x1A800] =	vst v63  }
0x4a: {  	_ =	swait.ge [sflag:s20], $0x4000  }
0x4b: {  	[sflag:s20] =	ssyncset.done $0x0  }
0x4c: {  	[sflag:s20] =	ssyncadd.s32 $0xFFFFC000  }
0x4d: {  	[hbm4b:s13+s3] =	stream.linear.scatter [tilespmem:s21], [sflag:$0x1], $0x4000, $0x38;
	[tilespmem:$0x1A800] =	vst v63  }
0x4e: {  	_ =	swait.ge [sflag:s20], $0x4000  }
0x4f: {  	[sflag:s20] =	ssyncset.done $0x0  }
0x50: {  	[sflag:s20] =	ssyncadd.s32 $0xFFFFC000  }
0x51: {  	[tilespmem:s21], [sflag:$0x1] =	stream.linear.gather [spmem:s8], $0x4000, $0x38;
	[tilespmem:$0x1A800] =	vst v63  }
0x52: {  	_ =	swait.ge [sflag:s20], $0x4000  }
0x53: {  	[sflag:s20] =	ssyncset.done $0x0  }
0x54: {  	[sflag:s20] =	ssyncadd.s32 $0xFFFFC000  }
0x55: {  	[hbm4b:s14+s3] =	stream.linear.scatter [tilespmem:s21], [sflag:$0x1], $0x4000, $0x38;
	[tilespmem:$0x1A800] =	vst v63  }
0x56: {  	_ =	swait.ge [sflag:s20], $0x4000  }
0x57: {  	[sflag:s20] =	ssyncset.done $0x0  }
0x58: {  	[sflag:s20] =	ssyncadd.s32 $0xFFFFC000  }
0x59: {  	[tilespmem:s21], [sflag:$0x1] =	stream.linear.gather [spmem:s9], $0x4000, $0x38;
	[tilespmem:$0x1A800] =	vst v63  }
0x5a: {  	_ =	swait.ge [sflag:s20], $0x4000  }
0x5b: {  	[sflag:s20] =	ssyncset.done $0x0  }
0x5c: {  	[sflag:s20] =	ssyncadd.s32 $0xFFFFC000  }
0x5d: {  	[hbm4b:s15+s3] =	stream.linear.scatter [tilespmem:s21], [sflag:$0x1], $0x4000, $0x38;
	[tilespmem:$0x1A800] =	vst v63  }
0x5e: {  	_ =	swait.ge [sflag:s20], $0x4000  }
0x5f: {  	[sflag:s20] =	ssyncset.done $0x0  }
0x60: {  	[sflag:s20] =	ssyncadd.s32 $0xFFFFC000  }
0x61: {  	[tilespmem:s21], [sflag:$0x1] =	stream.linear.gather [spmem:s10], $0x4000, $0x38;
	[tilespmem:$0x1A800] =	vst v63  }
0x62: {  	s23 =	sadd.s32 $0x1, s23;
	_ =	swait.ge [sflag:s20], $0x4000  }
0x63: {  	p0 =	sne.s32 s23, s17;
	[sflag:s20] =	ssyncset.done $0x0  }
.Ltmp1:
0x64: {  	[sflag:s20] =	ssyncadd.s32 $0xFFFFC000;
	(pc) =	sbr.rel @p0 .LBB2_1-.Ltmp1, $4  }
0x65: {  	[hbm4b:s16+s3] =	stream.linear.scatter [tilespmem:s21], [sflag:$0x1], $0x4000, $0x38;
	[tilespmem:$0x1A800] =	vst v63  }
0x66: {  	_ =	swait.ge [sflag:s20], $0x4000  }
0x67: {  	[sflag:s20] =	ssyncset.done $0x0  }
0x68: {  	[sflag:s20] =	ssyncadd.s32 $0xFFFFC000  }
0x69: {  	_ =	sfence.sel $0x180000  }
0x6a: {  	[bflag:$0x0] =	sbarrier.arrive $0xFFFF  }
0x6b: {  	p0 =	sne.s32 s1, $0x0;
	_ =	strace $0x9000004D  }
0x6c: {  	s0 =	sadd.s32 @!p0 $0x100000, s0;
	[bflag:$0x2] =	sbarrier.arrive $0xFFFF  }
0x6d: {  	[sflag:s0] =	ssyncadd.tile.s32 @!p0 $0x1;
	_ =	shalt  }
.Lfunc_end2:
_tile_overlayer_lowered:
.L_overlay_start_2:
0x6e: {  	(tag) =	ssettag $0x2  }
0x6f: {  	s0 =	rddreg [dreg:$0x0];
	s2 =	stileid.u32  }
0x70: {  	s1 =	rddreg [dreg:$0x1];
	p0 =	sne.s32 s2, $0x0  }
0x71: {  	s3 =	rddreg [dreg:$0x2];
	[bflag:$0x3] =	sbarrier.arrive $0xFFFF;
	s2 =	simm.s32 @!p0 $0x1C01  }
0x72: {  	[timem:s3], [sflag:s2] =	dma.local @!p0 [hbm:s0], s1  }
0x73: {  	s0 =	simm.s32 @!p0 $0x1  }
0x74: {  	_ =	swait.ge @!p0 [sflag:s0], s1  }
0x75: {  	s1 =	ssub.s32 @!p0 $0x0, s1;
	[sflag:s0] =	ssyncset.done @!p0 $0x0  }
0x76: {  	[sflag:s0] =	ssyncadd.s32 @!p0 s1  }
0x77: {  	[bflag:$0x3] =	sbarrier.arrive $0xFFFF  }
0x78: {  	_ =	shalt  }

// kernel: kernel.21.cloned.1.call-start
scs
__scs_entry_jumppad:
0x0: {  	(pc) =	sbr.rel $0x88, $3  }
0x1: {  	(tag) =	ssettag $0x0;
	lr =	simm.s32 $0x1  }
0x2: {  	[smem:$0x3F86] =	sst lr;
	_ =	strace $0xD0000000  }
0x3: {  	_ = 	snop  }
0x4: {  	_ = 	snop  }
0x5: {  	_ = 	snop  }
0x6: {  	_ = 	snop  }
0x7: {  	_ = 	snop  }
__scs_overlays_trampoline_lowered:
0x8: {  	[smem:$0x3F95] =	sst s0  }
0x9: {  	[smem:$0x3F96] =	sst s1  }
0xa: {  	[smem:$0x3F97] =	sst s2  }
0xb: {  	[smem:$0x3F98] =	sst s3  }
0xc: {  	[smem:$0x3F99] =	sst s4  }
0xd: {  	[smem:$0x3F9A] =	sst s5  }
0xe: {  	[smem:$0x3F9B] =	sst s6  }
0xf: {  	[smem:$0x3F9C] =	sst s7  }
0x10: {  	[smem:$0x3F9D] =	sst s8  }
0x11: {  	[smem:$0x3F9E] =	sst s9;
	s0 =	simm.s32 @!p0 $0x0  }
0x12: {  	s1 =	sld [smem:$0x3F84];
	s0 =	simm.s32 @p0 $0x1  }
0x13: {  	[smem:$0x3F9F] =	sst s0;
	s0 =	simm.s32 @!p1 $0x0  }
0x14: {  	s2 =	sld [smem:$0x3F83];
	s0 =	simm.s32 @p1 $0x1  }
0x15: {  	[smem:$0x3FA0] =	sst s0;
	s0 =	simm.s32 @!p2 $0x0  }
0x16: {  	s3 =	sld [smem:$0x3FDB];
	s0 =	simm.s32 @p2 $0x1  }
0x17: {  	s4 =	simm.s32 $0x1BF5;
	[smem:$0x3FA2] =	sst s0  }
0x18: {  	s0 =	sld [smem:$0x3F85];
	_ =	swait.ge [sflag:s4], $0x0  }
0x19: {  	s7 =	sld [smem:$0x3F86]  }
0x1a: {  	s8 =	sadd.s32 $0xFFFFE003, lr  }
0x1b: {  	s9 =	sadd.s32 $0xFFFFFEF7, lr;
	s5 =	simm.s32 $0xFFFFFFFF;
	p2 =	slt.u32 s8, $0xFFFFF086  }
0x1c: {  	p1 =	slt.u32 s9, $0xF7A;
	s5 =	simm.s32 @!p2 $0x0  }
0x1d: {  	s5 =	simm.s32 @p1 $0x1;
	p0 =	seq.s32 s7, s2  }
0x1e: {  	s7 =	smul.u32 @!p0 $0xF7A, s2;
	p2 =	seq.s32 @!p0 s5, $0x0  }
0x1f: {  	s9 =	smul.u32 $0xF7A, s1;
	s8 =	simm.s32 @!p0 $0x1BF5;
	p2 =	por !p2, p0  }
0x20: {  	[sflag:s8] =	ssyncset.s32 @!p0 $0xFFFFF086;
	s6 =	sadd.s32 @!p0 s3, s7;
	s7 =	simm.s32 @!p0 $0x108  }
0x21: {  	s3 =	sadd.s32 s3, s9;
	s6 =	sadd.s32 @!p0 $0x88, s6;
	s7 =	simm.s32 @p2 $0x1082  }
0x22: {  	[simem:s7], [sflag:s8] =	dma.local @!p0 [hbm:s6], $0xF7A  }
0x23: {  	s9 =	sor.u32 $0xD0000000, s2;
	s6 =	simm.s32 $0x108;
	_ =	swait.ge @!p0 [sflag:s8], $0x0  }
0x24: {  	s3 =	sadd.s32 $0x88, s3;
	s6 =	simm.s32 @!p1 $0x1082;
	[sflag:s4] =	ssyncset.s32 $0xFFFFF086  }
0x25: {  	[simem:s6], [sflag:s4] =	dma.local [hbm:s3], $0xF7A  }
0x26: {  	[smem:$0x3F86] =	sst s1;
	(tag) =	ssettag s2;
	_ =	strace s9  }
0x27: {  	s1 =	sld [smem:$0x3F96]  }
0x28: {  	s2 =	sld [smem:$0x3F97]  }
0x29: {  	s4 =	sld [smem:$0x3F99]  }
0x2a: {  	p0 =	seq.s32 s5, $0x0;
	s5 =	sld [smem:$0x3F9A]  }
0x2b: {  	s6 =	sld [smem:$0x3F9B]  }
0x2c: {  	s7 =	sld [smem:$0x3F9C]  }
0x2d: {  	s3 =	simm.s32 $0x108;
	s8 =	sld [smem:$0x3F9D]  }
0x2e: {  	s3 =	simm.s32 @!p0 $0x1082;
	s9 =	sld [smem:$0x3F9E]  }
0x2f: {  	lr =	sadd.s32 s0, s3;
	s0 =	sld [smem:$0x3F95]  }
0x30: {  	s3 =	sld [smem:$0x3F98]  }
0x31: {  	[smem:$0x3FA1] =	sst s10  }
0x32: {  	s10 =	sld [smem:$0x3F9F];
	_ =	sdelay $0x3  }
0x33: {  	p0 =	seq.s32 s10, $0x1;
	s10 =	sld [smem:$0x3FA1];
	_ =	sdelay $0x3  }
0x34: {  	[smem:$0x3FA1] =	sst s10  }
0x35: {  	s10 =	sld [smem:$0x3FA0];
	_ =	sdelay $0x3  }
0x36: {  	p1 =	seq.s32 s10, $0x1;
	s10 =	sld [smem:$0x3FA1];
	_ =	sdelay $0x3  }
0x37: {  	[smem:$0x3FA1] =	sst s10  }
0x38: {  	s10 =	sld [smem:$0x3FA2]  }
0x39: {  	_ = 	snop;
	(pc) =	sbr.ind lr, $3  }
0x3a: {  	_ = 	snop  }
0x3b: {  	_ = 	snop  }
0x3c: {  	p2 =	seq.s32 s10, $0x1;
	s10 =	sld [smem:$0x3FA1]  }
0x3d: {  	_ =	shalt  }
0x3e: {  	_ =	shalt  }
0x3f: {  	_ =	shalt  }
0x40: {  	_ =	shalt  }
0x41: {  	_ =	shalt  }
0x42: {  	_ =	shalt  }
0x43: {  	_ =	shalt  }
0x44: {  	_ =	shalt  }
0x45: {  	_ =	shalt  }
0x46: {  	_ =	shalt  }
0x47: {  	_ =	shalt  }
0x48: {  	_ =	shalt  }
0x49: {  	_ =	shalt  }
0x4a: {  	_ =	shalt  }
0x4b: {  	_ =	shalt  }
0x4c: {  	_ =	shalt  }
0x4d: {  	_ =	shalt  }
0x4e: {  	_ =	shalt  }
0x4f: {  	_ =	shalt  }
0x50: {  	_ =	shalt  }
0x51: {  	_ =	shalt  }
0x52: {  	_ =	shalt  }
0x53: {  	_ =	shalt  }
0x54: {  	_ =	shalt  }
0x55: {  	_ =	shalt  }
0x56: {  	_ =	shalt  }
0x57: {  	_ =	shalt  }
0x58: {  	_ =	shalt  }
0x59: {  	_ =	shalt  }
0x5a: {  	_ =	shalt  }
0x5b: {  	_ =	shalt  }
0x5c: {  	_ =	shalt  }
0x5d: {  	_ =	shalt  }
0x5e: {  	_ =	shalt  }
0x5f: {  	_ =	shalt  }
0x60: {  	_ =	shalt  }
0x61: {  	_ =	shalt  }
0x62: {  	_ =	shalt  }
0x63: {  	_ =	shalt  }
0x64: {  	_ =	shalt  }
0x65: {  	_ =	shalt  }
0x66: {  	_ =	shalt  }
0x67: {  	_ =	shalt  }
0x68: {  	_ =	shalt  }
0x69: {  	_ =	shalt  }
0x6a: {  	_ =	shalt  }
0x6b: {  	_ =	shalt  }
0x6c: {  	_ =	shalt  }
0x6d: {  	_ =	shalt  }
0x6e: {  	_ =	shalt  }
0x6f: {  	_ =	shalt  }
0x70: {  	_ =	shalt  }
0x71: {  	_ =	shalt  }
0x72: {  	_ =	shalt  }
0x73: {  	_ =	shalt  }
0x74: {  	_ =	shalt  }
0x75: {  	_ =	shalt  }
0x76: {  	_ =	shalt  }
0x77: {  	_ =	shalt  }
0x78: {  	_ =	shalt  }
0x79: {  	_ =	shalt  }
0x7a: {  	_ =	shalt  }
0x7b: {  	_ =	shalt  }
0x7c: {  	_ =	shalt  }
0x7d: {  	_ =	shalt  }
0x7e: {  	_ =	shalt  }
0x7f: {  	_ =	shalt  }
0x80: {  	_ =	shalt  }
0x81: {  	_ =	shalt  }
0x82: {  	_ =	shalt  }
0x83: {  	_ =	shalt  }
0x84: {  	_ =	shalt  }
0x85: {  	_ =	shalt  }
0x86: {  	_ =	shalt  }
0x87: {  	_ =	shalt  }
.Lfunc_end0:
.L_simem_size_0:
called_computation.3_lowered:
.L_overlay_start_0:
0x88: {  	s2 =	sld [smem:$0x3FD9]  }
0x89: {  	s3 =	sld [smem:$0x3FFE];
	_ =	sdelay $0x1  }
0x8a: {  	s1 =	srdreg.scid  }
0x8b: {  	s0 =	sand.u32 $0x1, s1  }
0x8c: {  	s16 =	sshll.u32 s0, $0xA;
	s2 =	sadd.s32 s3, s2  }
0x8d: {  	s2 =	sadd.s32 s2, s16  }
0x8e: {  	[smem:$0x3FAD] =	sst s2  }
0x8f: {  	_ = 	snop  }
0x90: {  	(tm) =	ssettm $0x1  }
0x91: {  	s17 =	sld [smem:$0x3FFB];
	_ =	sdelay $0x3  }
0x92: {  	_ =	strace s17  }
0x93: {  	s2 =	sld [smem:$0x3FFC];
	_ =	sdelay $0x3  }
0x94: {  	_ =	strace s2  }
0x95: {  	s2 =	sld [smem:$0x3FFD];
	_ =	sdelay $0x3  }
0x96: {  	_ =	strace s2  }
0x97: {  	_ =	strace $0x8FFFFFFF  }
0x98: {  	s18 =	sld [smem:$0x3FDB];
	_ =	sdelay $0x1  }
0x99: {  	s19 =	simm.s32 $_scs_section_size  }
0x9a: {  	s4 =	simm.s32 $_size__tile_overlayer_lowered;
	s5 =	simm.s32 $_tile_overlayer_lowered  }
0x9b: {  	s22 =	simm.s32 $0x1BFF;
	s21 =	sshll.u32 s5, $0x1;
	s2 =	sadd.s32 s19, s18  }
0x9c: {  	s6 =	simm.s32 $0x0;
	s20 =	sshll.u32 s4, $0x1;
	s4 =	sadd.s32 s21, s2  }
0x9d: {  	[timem:s6], [sflag:s22] =	dma.local [hbm:s4], s20  }
0x9e: {  	_ =	swait.ge [sflag:s22], s20  }
0x9f: {  	s3 =	ssub.s32 $0x0, s20;
	[sflag:s22] =	ssyncset.done $0x0  }
0xa0: {  	[sflag:s22] =	ssyncadd.s32 s3;
	_ =	sdelay $0x1  }
0xa1: {  	s23 =	simm.s32 $0x1B8B  }
0xa2: {  	_ =	swait.ge [sflag:s23], $0x1  }
0xa3: {  	[sflag:s23] =	ssyncset.done $0x0  }
0xa4: {  	s25 =	simm.s32 $0x1B8E;
	s24 =	sld [smem:$0x3FFE];
	[sflag:s23] =	ssyncadd.s32 $0xFFFFFFFF  }
0xa5: {  	s26 =	simm.s32 $execute0_lowered;
	[smem:$0x3FD2] =	sst s25  }
0xa6: {  	s4 =	sshll.u32 s26, $0x1;
	_ =	strace $0x8000004F;
	[dreg:$0x1] =	wrdreg $0xFFFFFFFF  }
0xa7: {  	s28 =	simm.s32 $_size_execute0_lowered;
	s2 =	sadd.s32 s2, s4;
	[dreg:$0x0] =	wrdreg $0x0  }
0xa8: {  	s4 =	sshll.u32 s28, $0x1;
	[dreg:$0x2] =	wrdreg s2  }
0xa9: {  	[dreg:$0x3] =	wrdreg s4  }
0xaa: {  	[dreg:$0x4] =	wrdreg $0xC0  }
0xab: {  	_ =	task [dreg:s6], $0x5FFFF  }
0xac: {  	[dreg:$0x1] =	wrdreg $0xFFFFFFFF  }
0xad: {  	[dreg:$0x0] =	wrdreg $0x60  }
0xae: {  	[dreg:$0x2] =	wrdreg s24  }
0xaf: {  	[dreg:$0x3] =	wrdreg $0x9  }
0xb0: {  	_ =	task.clear_ibuf [dreg:s6], $0x4FFFF;
	_ =	strace $0x9000004F  }
0xb1: {  	s29 =	simm.s32 $0x9;
	_ =	strace $0x80000051  }
0xb2: {  	_ =	swait.ge [sflag:s29], $0x1  }
0xb3: {  	[sflag:s29] =	ssyncadd.s32 $0xFFFFFFFF  }
0xb4: {  	_ =	strace $0x90000051  }
0xb5: {  	_ =	sfence  }
0xb6: {  	s30 =	sld [smem:$0x0];
	_ =	sdelay $0x2  }
0xb7: {  	s31 =	sshll.u32 s1, $0xD;
	s1 =	sshrl.u32 s1, $0x2  }
0xb8: {  	s3 =	sand.u32 $0x4000, s31;
	s1 =	sadd.s32 s1, s30  }
0xb9: {  	s0 =	sor.u32 s3, s0;
	s1 =	sshll.u32 s1, $0x11  }
0xba: {  	s0 =	sor.u32 s1, s0  }
0xbb: {  	s0 =	sadd.s32 $0x8F2B, s0  }
0xbc: {  	[sflag:s0] =	ssyncadd.remote.s32 $0x1  }
0xbd: {  	_ =	sfence.sel $0xFFFF  }
0xbe: {  	[dreg:$0x0] =	wrdreg $0xFFFFFFFF;
	(pc) =	sbr.abs _section_cstart, $3  }
0xbf: {  	[dreg:$0x1] =	wrdreg $0xFFFFFFFF  }
0xc0: {  	_ =	task.clear_ibuf [dreg:s6], $0x2FFFF;
	_ =	strace $0x9FFFFFFF  }
0xc1: {  	(tm) =	ssettm $0x7FFFFFFF  }
tec
execute0_lowered:
.L_overlay_start_1:
0x0: {  	(tag) =	ssettag $0x1  }
0x1: {  	s5 =	rddreg [dreg:$0x0]  }
0x2: {  	s0 =	rddreg [dreg:$0x1];
	s3 =	srdreg.scid  }
0x3: {  	s1 =	stileid.u32;
	s2 =	simm.s32 $0x0;
	s11 =	simm.s32 $0x2800  }
0x4: {  	s12 =	simm.s32 $0x80;
	s13 =	simm.s32 $0x5000;
	s14 =	simm.s32 $0x9000  }
0x5: {  	s15 =	simm.s32 $0x1;
	s16 =	simm.s32 $0x2;
	s17 =	simm.s32 $0x0  }
0x6: {  	s3 =	sand.u32 $0x1, s3;
	s4 =	sshll.u32 s1, $0x1;
	[smem:$0x7FF] =	sst s2  }
0x7: {  	s6 =	sor.u32 s3, s4;
	_ =	strace $0x80000050;
	s8 =	ssub.s32 $0x2, s3  }
0x8: {  	s3 =	sadd.s32 $0x1B000, s5;
	s7 =	smul.u32 $0x500, s6;
	s9 =	sshrl.u32 s8, $0x1  }
0x9: {  	s4 =	sadd.s32 $0x42200, s5;
	s6 =	smul.u32 $0x50, s6;
	s9 =	ssub.s32 s8, s9  }
0xa: {  	s10 =	sadd.s32 s7, s5;
	s5 =	sadd.s32 $0x90600, s5;
	s9 =	smax.u32 s9, $0x1  }
0xb: {  	s7 =	sadd.s32 $0x7000, s10;
	s8 =	sadd.s32 $0x11000, s10;
	s10 =	simm.s32 $0x3  }
.LBB2_1:
0xc: {  	[tilespmem:s2], [sflag:$0x3] =	stream.linear.gather [hbm4b:s7+s2], $0x2800, $0x38;
	[tilespmem:$0xD000] =	vst v63  }
0xd: {  	_ =	swait.ge [sflag:s10], $0x2800  }
0xe: {  	[sflag:s10] =	ssyncset.done $0x0  }
0xf: {  	[sflag:s10] =	ssyncadd.s32 $0xFFFFD800  }
0x10: {  	[tilespmem:s11], [sflag:$0x3] =	stream.linear.gather [hbm4b:s8+s2], $0x2800, $0x38;
	[tilespmem:$0xD000] =	vst v63  }
0x11: {  	_ =	swait.ge [sflag:s10], $0x2800  }
0x12: {  	[sflag:s10] =	ssyncset.done $0x0  }
0x13: {  	s18 =	simm.s32 $0x0;
	[sflag:s10] =	ssyncadd.s32 $0xFFFFD800  }
.LBB2_2:
0x14: {  	s19 =	sshll.u32 s18, $0x7  }
0x15: {  	[tilespmem:s13], [sflag:$0x1] =	stream.indirect.gather [hbm4b:s3+s12], $0x80, s19, s12, $0xb8;
	[tilespmem:$0xD000] =	vst v63  }
0x16: {  	s19 =	sadd.s32 $0x2800, s19  }
0x17: {  	[tilespmem:s14], [sflag:$0x2] =	stream.indirect.gather [hbm4b:s4+s12], $0x80, s19, s12, $0xb8;
	[tilespmem:$0xD000] =	vst v63  }
0x18: {  	_ =	swait.ge [sflag:s15], $0x4000  }
0x19: {  	[sflag:s15] =	ssyncset.done $0x0  }
0x1a: {  	[sflag:s15] =	ssyncadd.s32 $0xFFFFC000  }
0x1b: {  	_ =	swait.ge [sflag:s16], $0x4000  }
0x1c: {  	[sflag:s16] =	ssyncset.done $0x0  }
0x1d: {  	s19 =	simm.s32 $0x0;
	[sflag:s16] =	ssyncadd.s32 $0xFFFFC000  }
0x1e: {  	v7 =	vld [tilespmem:s19+$0x9000]  }
0x1f: {  	v11 =	vld [tilespmem:s19+$0x9010]  }
0x20: {  	v5 =	vld [tilespmem:s19+$0x9020]  }
0x21: {  	v4 =	vld [tilespmem:s19+$0x9030]  }
0x22: {  	v3 =	vld [tilespmem:s19+$0x9040]  }
0x23: {  	v2 =	vld [tilespmem:s19+$0x9050]  }
0x24: {  	v1 =	vld [tilespmem:s19+$0x9060]  }
0x25: {  	v0 =	vld [tilespmem:s19+$0x9070]  }
0x26: {  	v12 =	vld [tilespmem:s19+$0x5000]  }
0x27: {  	v13 =	vld [tilespmem:s19+$0x5010]  }
0x28: {  	v10 =	vld [tilespmem:s19+$0x5020]  }
0x29: {  	v9 =	vld [tilespmem:s19+$0x5030]  }
0x2a: {  	v8 =	vld [tilespmem:s19+$0x5040]  }
0x2b: {  	v6 =	vld [tilespmem:s19+$0x5050];
	v12 =	vadd.f32 v7, v12  }
0x2c: {  	s20 =	simm.s32 $0x200;
	v11 =	vadd.f32 v11, v13;
	v7 =	vld [tilespmem:s19+$0x5060]  }
.LBB2_3:
0x2d: {  	s21 =	sshra.s32 s20, $0x2;
	p0 =	sne.s32 s20, $0xFE00;
	[tilespmem:s19+$0x5000] =	vst v12;
	v5 =	vadd.f32 v5, v10;
	v10 =	vld [tilespmem:s19+$0x5070]  }
0x2e: {  	v12 =	vld [tilespmem:s21+$0x9000];
	[tilespmem:s19+$0x5010] =	vst v11;
	v4 =	vadd.f32 v4, v9  }
0x2f: {  	v11 =	vld [tilespmem:s21+$0x9010];
	[tilespmem:s19+$0x5020] =	vst v5;
	v3 =	vadd.f32 v3, v8  }
0x30: {  	v5 =	vld [tilespmem:s21+$0x9020];
	[tilespmem:s19+$0x5030] =	vst v4;
	v2 =	vadd.f32 v2, v6  }
0x31: {  	v4 =	vld [tilespmem:s21+$0x9030];
	[tilespmem:s19+$0x5040] =	vst v3;
	v1 =	vadd.f32 v1, v7  }
0x32: {  	v3 =	vld [tilespmem:s21+$0x9040];
	[tilespmem:s19+$0x5050] =	vst v2;
	v0 =	vadd.f32 v0, v10  }
0x33: {  	v2 =	vld [tilespmem:s21+$0x9050];
	[tilespmem:s19+$0x5060] =	vst v1  }
0x34: {  	v1 =	vld [tilespmem:s21+$0x9060];
	[tilespmem:s19+$0x5070] =	vst v0;
	s19 =	smov.u32 s21  }
0x35: {  	v0 =	vld [tilespmem:s19+$0x9070]  }
0x36: {  	v6 =	vld [tilespmem:s19+$0x5000]  }
0x37: {  	v7 =	vld [tilespmem:s19+$0x5010]  }
.Ltmp0:
0x38: {  	v10 =	vld [tilespmem:s19+$0x5020];
	(pc) =	sbr.rel @p0 .LBB2_3-.Ltmp0, $4  }
0x39: {  	v9 =	vld [tilespmem:s19+$0x5030]  }
0x3a: {  	v8 =	vld [tilespmem:s19+$0x5040]  }
0x3b: {  	v12 =	vadd.f32 v12, v6;
	v6 =	vld [tilespmem:s19+$0x5050]  }
0x3c: {  	s20 =	sadd.s32 $0x200, s20;
	v11 =	vadd.f32 v11, v7;
	v7 =	vld [tilespmem:s19+$0x5060]  }
0x3d: {  	[tilespmem:s19+$0x5000] =	vst v12;
	v5 =	vadd.f32 v5, v10;
	v63 =	vld [tilespmem:s19+$0x5070]  }
0x3e: {  	[tilespmem:s19+$0x5010] =	vst v11;
	v4 =	vadd.f32 v4, v9  }
0x3f: {  	[tilespmem:s19+$0x5020] =	vst v5;
	v3 =	vadd.f32 v3, v8  }
0x40: {  	[tilespmem:s19+$0x5030] =	vst v4;
	v2 =	vadd.f32 v2, v6  }
0x41: {  	[tilespmem:s19+$0x5040] =	vst v3;
	v1 =	vadd.f32 v1, v7  }
0x42: {  	s20 =	sadd.s32 s6, s18;
	s18 =	sadd.s32 $0x1, s18;
	[tilespmem:s19+$0x5050] =	vst v2;
	v0 =	vadd.f32 v0, v63  }
0x43: {  	s20 =	sshll.u32 s20, $0xB;
	p0 =	sne.s32 s18, $0x50;
	[tilespmem:s19+$0x5060] =	vst v1  }
.Ltmp1:
0x44: {  	s31 =	sadd.s32 s5, s20;
	[tilespmem:s19+$0x5070] =	vst v0;
	(pc) =	sbr.rel @p0 .LBB2_2-.Ltmp1, $4  }
0x45: {  	[hbm4b:s31+s2] =	stream.linear.scatter [tilespmem:s13], [sflag:$0x3], $0x4000, $0x38;
	[tilespmem:$0xD000] =	vst v63  }
0x46: {  	_ =	swait.ge [sflag:s10], $0x4000  }
0x47: {  	[sflag:s10] =	ssyncset.done $0x0  }
0x48: {  	[sflag:s10] =	ssyncadd.s32 $0xFFFFC000  }
0x49: {  	s17 =	sadd.s32 $0x1, s17  }
0x4a: {  	p0 =	sne.s32 s17, s9  }
.Ltmp2:
0x4b: {  	_ = 	snop;
	(pc) =	sbr.rel @p0 .LBB2_1-.Ltmp2, $1  }
0x4c: {  	_ =	sdelay $0x3  }
0x4d: {  	_ =	sfence.sel $0x180000  }
0x4e: {  	[bflag:$0x0] =	sbarrier.arrive $0xFFFF  }
0x4f: {  	p0 =	sne.s32 s1, $0x0;
	_ =	strace $0x90000050  }
0x50: {  	s0 =	sadd.s32 @!p0 $0x100000, s0;
	[bflag:$0x2] =	sbarrier.arrive $0xFFFF  }
0x51: {  	[sflag:s0] =	ssyncadd.tile.s32 @!p0 $0x1;
	_ =	shalt  }
.Lfunc_end2:
_tile_overlayer_lowered:
.L_overlay_start_2:
0x52: {  	(tag) =	ssettag $0x2  }
0x53: {  	s0 =	rddreg [dreg:$0x0];
	s2 =	stileid.u32  }
0x54: {  	s1 =	rddreg [dreg:$0x1];
	p0 =	sne.s32 s2, $0x0  }
0x55: {  	s3 =	rddreg [dreg:$0x2];
	[bflag:$0x3] =	sbarrier.arrive $0xFFFF;
	s2 =	simm.s32 @!p0 $0x1C03  }
0x56: {  	[timem:s3], [sflag:s2] =	dma.local @!p0 [hbm:s0], s1  }
0x57: {  	s0 =	simm.s32 @!p0 $0x3  }
0x58: {  	_ =	swait.ge @!p0 [sflag:s0], s1  }
0x59: {  	s1 =	ssub.s32 @!p0 $0x0, s1;
	[sflag:s0] =	ssyncset.done @!p0 $0x0  }
0x5a: {  	[sflag:s0] =	ssyncadd.s32 @!p0 s1  }
0x5b: {  	[bflag:$0x3] =	sbarrier.arrive $0xFFFF  }
0x5c: {  	_ =	shalt  }

// kernel: kernel.24.cloned.1.call-start
scs
__scs_entry_jumppad:
0x0: {  	(pc) =	sbr.rel $0x88, $3  }
0x1: {  	(tag) =	ssettag $0x0;
	lr =	simm.s32 $0x1  }
0x2: {  	[smem:$0x3F86] =	sst lr;
	_ =	strace $0xD0000000  }
0x3: {  	_ = 	snop  }
0x4: {  	_ = 	snop  }
0x5: {  	_ = 	snop  }
0x6: {  	_ = 	snop  }
0x7: {  	_ = 	snop  }
__scs_overlays_trampoline_lowered:
0x8: {  	[smem:$0x3F95] =	sst s0  }
0x9: {  	[smem:$0x3F96] =	sst s1  }
0xa: {  	[smem:$0x3F97] =	sst s2  }
0xb: {  	[smem:$0x3F98] =	sst s3  }
0xc: {  	[smem:$0x3F99] =	sst s4  }
0xd: {  	[smem:$0x3F9A] =	sst s5  }
0xe: {  	[smem:$0x3F9B] =	sst s6  }
0xf: {  	[smem:$0x3F9C] =	sst s7  }
0x10: {  	[smem:$0x3F9D] =	sst s8  }
0x11: {  	[smem:$0x3F9E] =	sst s9;
	s0 =	simm.s32 @!p0 $0x0  }
0x12: {  	s1 =	sld [smem:$0x3F84];
	s0 =	simm.s32 @p0 $0x1  }
0x13: {  	[smem:$0x3F9F] =	sst s0;
	s0 =	simm.s32 @!p1 $0x0  }
0x14: {  	s2 =	sld [smem:$0x3F83];
	s0 =	simm.s32 @p1 $0x1  }
0x15: {  	[smem:$0x3FA0] =	sst s0;
	s0 =	simm.s32 @!p2 $0x0  }
0x16: {  	s3 =	sld [smem:$0x3FDB];
	s0 =	simm.s32 @p2 $0x1  }
0x17: {  	s4 =	simm.s32 $0x1BF5;
	[smem:$0x3FA2] =	sst s0  }
0x18: {  	s0 =	sld [smem:$0x3F85];
	_ =	swait.ge [sflag:s4], $0x0  }
0x19: {  	s7 =	sld [smem:$0x3F86]  }
0x1a: {  	s8 =	sadd.s32 $0xFFFFE003, lr  }
0x1b: {  	s9 =	sadd.s32 $0xFFFFFEF7, lr;
	s5 =	simm.s32 $0xFFFFFFFF;
	p2 =	slt.u32 s8, $0xFFFFF086  }
0x1c: {  	p1 =	slt.u32 s9, $0xF7A;
	s5 =	simm.s32 @!p2 $0x0  }
0x1d: {  	s5 =	simm.s32 @p1 $0x1;
	p0 =	seq.s32 s7, s2  }
0x1e: {  	s7 =	smul.u32 @!p0 $0xF7A, s2;
	p2 =	seq.s32 @!p0 s5, $0x0  }
0x1f: {  	s9 =	smul.u32 $0xF7A, s1;
	s8 =	simm.s32 @!p0 $0x1BF5;
	p2 =	por !p2, p0  }
0x20: {  	[sflag:s8] =	ssyncset.s32 @!p0 $0xFFFFF086;
	s6 =	sadd.s32 @!p0 s3, s7;
	s7 =	simm.s32 @!p0 $0x108  }
0x21: {  	s3 =	sadd.s32 s3, s9;
	s6 =	sadd.s32 @!p0 $0x88, s6;
	s7 =	simm.s32 @p2 $0x1082  }
0x22: {  	[simem:s7], [sflag:s8] =	dma.local @!p0 [hbm:s6], $0xF7A  }
0x23: {  	s9 =	sor.u32 $0xD0000000, s2;
	s6 =	simm.s32 $0x108;
	_ =	swait.ge @!p0 [sflag:s8], $0x0  }
0x24: {  	s3 =	sadd.s32 $0x88, s3;
	s6 =	simm.s32 @!p1 $0x1082;
	[sflag:s4] =	ssyncset.s32 $0xFFFFF086  }
0x25: {  	[simem:s6], [sflag:s4] =	dma.local [hbm:s3], $0xF7A  }
0x26: {  	[smem:$0x3F86] =	sst s1;
	(tag) =	ssettag s2;
	_ =	strace s9  }
0x27: {  	s1 =	sld [smem:$0x3F96]  }
0x28: {  	s2 =	sld [smem:$0x3F97]  }
0x29: {  	s4 =	sld [smem:$0x3F99]  }
0x2a: {  	p0 =	seq.s32 s5, $0x0;
	s5 =	sld [smem:$0x3F9A]  }
0x2b: {  	s6 =	sld [smem:$0x3F9B]  }
0x2c: {  	s7 =	sld [smem:$0x3F9C]  }
0x2d: {  	s3 =	simm.s32 $0x108;
	s8 =	sld [smem:$0x3F9D]  }
0x2e: {  	s3 =	simm.s32 @!p0 $0x1082;
	s9 =	sld [smem:$0x3F9E]  }
0x2f: {  	lr =	sadd.s32 s0, s3;
	s0 =	sld [smem:$0x3F95]  }
0x30: {  	s3 =	sld [smem:$0x3F98]  }
0x31: {  	[smem:$0x3FA1] =	sst s10  }
0x32: {  	s10 =	sld [smem:$0x3F9F];
	_ =	sdelay $0x3  }
0x33: {  	p0 =	seq.s32 s10, $0x1;
	s10 =	sld [smem:$0x3FA1];
	_ =	sdelay $0x3  }
0x34: {  	[smem:$0x3FA1] =	sst s10  }
0x35: {  	s10 =	sld [smem:$0x3FA0];
	_ =	sdelay $0x3  }
0x36: {  	p1 =	seq.s32 s10, $0x1;
	s10 =	sld [smem:$0x3FA1];
	_ =	sdelay $0x3  }
0x37: {  	[smem:$0x3FA1] =	sst s10  }
0x38: {  	s10 =	sld [smem:$0x3FA2]  }
0x39: {  	_ = 	snop;
	(pc) =	sbr.ind lr, $3  }
0x3a: {  	_ = 	snop  }
0x3b: {  	_ = 	snop  }
0x3c: {  	p2 =	seq.s32 s10, $0x1;
	s10 =	sld [smem:$0x3FA1]  }
0x3d: {  	_ =	shalt  }
0x3e: {  	_ =	shalt  }
0x3f: {  	_ =	shalt  }
0x40: {  	_ =	shalt  }
0x41: {  	_ =	shalt  }
0x42: {  	_ =	shalt  }
0x43: {  	_ =	shalt  }
0x44: {  	_ =	shalt  }
0x45: {  	_ =	shalt  }
0x46: {  	_ =	shalt  }
0x47: {  	_ =	shalt  }
0x48: {  	_ =	shalt  }
0x49: {  	_ =	shalt  }
0x4a: {  	_ =	shalt  }
0x4b: {  	_ =	shalt  }
0x4c: {  	_ =	shalt  }
0x4d: {  	_ =	shalt  }
0x4e: {  	_ =	shalt  }
0x4f: {  	_ =	shalt  }
0x50: {  	_ =	shalt  }
0x51: {  	_ =	shalt  }
0x52: {  	_ =	shalt  }
0x53: {  	_ =	shalt  }
0x54: {  	_ =	shalt  }
0x55: {  	_ =	shalt  }
0x56: {  	_ =	shalt  }
0x57: {  	_ =	shalt  }
0x58: {  	_ =	shalt  }
0x59: {  	_ =	shalt  }
0x5a: {  	_ =	shalt  }
0x5b: {  	_ =	shalt  }
0x5c: {  	_ =	shalt  }
0x5d: {  	_ =	shalt  }
0x5e: {  	_ =	shalt  }
0x5f: {  	_ =	shalt  }
0x60: {  	_ =	shalt  }
0x61: {  	_ =	shalt  }
0x62: {  	_ =	shalt  }
0x63: {  	_ =	shalt  }
0x64: {  	_ =	shalt  }
0x65: {  	_ =	shalt  }
0x66: {  	_ =	shalt  }
0x67: {  	_ =	shalt  }
0x68: {  	_ =	shalt  }
0x69: {  	_ =	shalt  }
0x6a: {  	_ =	shalt  }
0x6b: {  	_ =	shalt  }
0x6c: {  	_ =	shalt  }
0x6d: {  	_ =	shalt  }
0x6e: {  	_ =	shalt  }
0x6f: {  	_ =	shalt  }
0x70: {  	_ =	shalt  }
0x71: {  	_ =	shalt  }
0x72: {  	_ =	shalt  }
0x73: {  	_ =	shalt  }
0x74: {  	_ =	shalt  }
0x75: {  	_ =	shalt  }
0x76: {  	_ =	shalt  }
0x77: {  	_ =	shalt  }
0x78: {  	_ =	shalt  }
0x79: {  	_ =	shalt  }
0x7a: {  	_ =	shalt  }
0x7b: {  	_ =	shalt  }
0x7c: {  	_ =	shalt  }
0x7d: {  	_ =	shalt  }
0x7e: {  	_ =	shalt  }
0x7f: {  	_ =	shalt  }
0x80: {  	_ =	shalt  }
0x81: {  	_ =	shalt  }
0x82: {  	_ =	shalt  }
0x83: {  	_ =	shalt  }
0x84: {  	_ =	shalt  }
0x85: {  	_ =	shalt  }
0x86: {  	_ =	shalt  }
0x87: {  	_ =	shalt  }
.Lfunc_end0:
.L_simem_size_0:
called_computation.4_lowered:
.L_overlay_start_0:
0x88: {  	s2 =	sld [smem:$0x3FD9]  }
0x89: {  	s3 =	sld [smem:$0x3FFE];
	_ =	sdelay $0x1  }
0x8a: {  	s1 =	srdreg.scid  }
0x8b: {  	s0 =	sand.u32 $0x1, s1  }
0x8c: {  	s17 =	sshll.u32 s0, $0xA;
	s2 =	sadd.s32 s3, s2  }
0x8d: {  	s2 =	sadd.s32 s2, s17  }
0x8e: {  	[smem:$0x3FAD] =	sst s2  }
0x8f: {  	_ = 	snop  }
0x90: {  	s2 =	sld [smem:$0x3FD0];
	(tm) =	ssettm $0x1  }
0x91: {  	s18 =	sld [smem:$0x3FFB];
	_ =	sdelay $0x3  }
0x92: {  	_ =	strace s18  }
0x93: {  	s3 =	sld [smem:$0x3FFC];
	_ =	sdelay $0x3  }
0x94: {  	_ =	strace s3  }
0x95: {  	s3 =	sld [smem:$0x3FFD];
	_ =	sdelay $0x3  }
0x96: {  	_ =	strace s3  }
0x97: {  	_ =	strace $0x8FFFFFFF  }
0x98: {  	s19 =	sld [smem:$0x3FDB];
	_ =	sdelay $0x1  }
0x99: {  	s4 =	simm.s32 $_scs_section_size  }
0x9a: {  	s5 =	simm.s32 $_size__tile_overlayer_lowered;
	s6 =	simm.s32 $_tile_overlayer_lowered  }
0x9b: {  	s22 =	simm.s32 $0x1BFF;
	s21 =	sshll.u32 s6, $0x1;
	s3 =	sadd.s32 s4, s19  }
0x9c: {  	s7 =	simm.s32 $0x0;
	s20 =	sshll.u32 s5, $0x1;
	s5 =	sadd.s32 s21, s3  }
0x9d: {  	[timem:s7], [sflag:s22] =	dma.local [hbm:s5], s20  }
0x9e: {  	_ =	swait.ge [sflag:s22], s20  }
0x9f: {  	s4 =	ssub.s32 $0x0, s20;
	[sflag:s22] =	ssyncset.done $0x0  }
0xa0: {  	[sflag:s22] =	ssyncadd.s32 s4;
	_ =	sdelay $0x1  }
0xa1: {  	s23 =	simm.s32 $0x1B8B  }
0xa2: {  	_ =	swait.ge [sflag:s23], $0x1  }
0xa3: {  	[sflag:s23] =	ssyncset.done $0x0  }
0xa4: {  	s25 =	simm.s32 $0x1B8E;
	s24 =	sld [smem:$0x3FFE];
	[sflag:s23] =	ssyncadd.s32 $0xFFFFFFFF  }
0xa5: {  	s26 =	simm.s32 $execute0_lowered;
	[smem:$0x3FD2] =	sst s25  }
0xa6: {  	s5 =	sshll.u32 s26, $0x1;
	_ =	strace $0x80000052;
	[dreg:$0x1] =	wrdreg $0xFFFFFFFF  }
0xa7: {  	s28 =	simm.s32 $_size_execute0_lowered;
	s3 =	sadd.s32 s3, s5;
	[dreg:$0x0] =	wrdreg $0x0  }
0xa8: {  	s5 =	sshll.u32 s28, $0x1;
	[dreg:$0x2] =	wrdreg s3  }
0xa9: {  	[dreg:$0x3] =	wrdreg s5  }
0xaa: {  	[dreg:$0x4] =	wrdreg $0xC0  }
0xab: {  	_ =	task [dreg:s7], $0x5FFFF  }
0xac: {  	[dreg:$0x1] =	wrdreg $0xFFFFFFFF  }
0xad: {  	[dreg:$0x0] =	wrdreg $0x60  }
0xae: {  	[dreg:$0x2] =	wrdreg s24  }
0xaf: {  	[dreg:$0x3] =	wrdreg s2  }
0xb0: {  	[dreg:$0x4] =	wrdreg $0x68000  }
0xb1: {  	[dreg:$0x5] =	wrdreg $0x9  }
0xb2: {  	_ =	task.clear_ibuf [dreg:s7], $0x6FFFF;
	_ =	strace $0x90000052  }
0xb3: {  	s29 =	simm.s32 $0x9;
	_ =	strace $0x80000054  }
0xb4: {  	_ =	swait.ge [sflag:s29], $0x1  }
0xb5: {  	[sflag:s29] =	ssyncadd.s32 $0xFFFFFFFF  }
0xb6: {  	_ =	strace $0x90000054  }
0xb7: {  	_ =	sfence  }
0xb8: {  	s30 =	sld [smem:$0x0];
	_ =	sdelay $0x2  }
0xb9: {  	s31 =	sshll.u32 s1, $0xD;
	s1 =	sshrl.u32 s1, $0x2  }
0xba: {  	s3 =	sand.u32 $0x4000, s31;
	s1 =	sadd.s32 s1, s30  }
0xbb: {  	s0 =	sor.u32 s3, s0;
	s1 =	sshll.u32 s1, $0x11  }
0xbc: {  	s0 =	sor.u32 s1, s0  }
0xbd: {  	s0 =	sadd.s32 $0x8F2B, s0  }
0xbe: {  	[sflag:s0] =	ssyncadd.remote.s32 $0x1  }
0xbf: {  	_ =	sfence.sel $0xFFFF  }
0xc0: {  	[dreg:$0x0] =	wrdreg $0xFFFFFFFF;
	(pc) =	sbr.abs _section_cstart, $3  }
0xc1: {  	[dreg:$0x1] =	wrdreg $0xFFFFFFFF  }
0xc2: {  	_ =	task.clear_ibuf [dreg:s7], $0x2FFFF;
	_ =	strace $0x9FFFFFFF  }
0xc3: {  	(tm) =	ssettm $0x7FFFFFFF  }
tec
execute0_lowered:
.L_overlay_start_1:
0x0: {  	(tag) =	ssettag $0x1  }
0x1: {  	s5 =	rddreg [dreg:$0x0]  }
0x2: {  	s11 =	rddreg [dreg:$0x1]  }
0x3: {  	s2 =	rddreg [dreg:$0x2]  }
0x4: {  	s0 =	rddreg [dreg:$0x3];
	s1 =	stileid.u32  }
0x5: {  	s4 =	srdreg.scid;
	s3 =	simm.s32 $0x0;
	s23 =	simm.s32 $0x0  }
0x6: {  	s6 =	smul.u32 $0x50000, s1;
	s14 =	sand.u32 $0x1, s4;
	[smem:$0x7FF] =	sst s3  }
0x7: {  	s4 =	sadd.s32 $0x5E00, s5;
	s16 =	sadd.s32 $0x6600, s5;
	s29 =	sshll.u32 s1, $0x1  }
0x8: {  	s12 =	smul.u32 $0x14000, s1;
	s30 =	sshll.u32 s1, $0x6;
	s7 =	ssub.s32 $0x2, s14  }
0x9: {  	_ =	strace $0x80000053;
	s9 =	sor.u32 s14, s29;
	s19 =	smul.u32 $0x140000, s14  }
0xa: {  	s31 =	smul.u32 $0x28000, s14;
	s18 =	sadd.s32 s6, s5;
	s8 =	sshrl.u32 s7, $0x1  }
0xb: {  	s6 =	sshrl.u32 s6, $0x2;
	s13 =	sadd.s32 $0x4000, s12;
	s15 =	sadd.s32 $0x8000, s12  }
0xc: {  	s20 =	sadd.s32 $0xC000, s12;
	s21 =	sadd.s32 $0x10000, s12;
	s22 =	smul.u32 $0x500, s9  }
0xd: {  	s17 =	ssub.s32 s7, s8;
	s5 =	sadd.s32 s6, s2;
	s6 =	sor.u32 $0x1C01, s30  }
0xe: {  	s7 =	sadd.s32 s13, s2;
	s8 =	sadd.s32 s15, s2;
	s9 =	sadd.s32 s20, s2  }
0xf: {  	s10 =	sadd.s32 s21, s2;
	s12 =	sadd.s32 s12, s19;
	s13 =	sadd.s32 s19, s13  }
0x10: {  	s15 =	sadd.s32 s19, s15;
	s20 =	sadd.s32 s19, s20;
	s19 =	sadd.s32 s19, s21  }
0x11: {  	s18 =	sadd.s32 s31, s18;
	s21 =	simm.s32 $0x2800;
	s11 =	sadd.s32 s11, s22  }
0x12: {  	s12 =	sshrl.u32 s12, $0x3;
	s13 =	sshrl.u32 s13, $0x3;
	s15 =	sshrl.u32 s15, $0x3  }
0x13: {  	s20 =	sshrl.u32 s20, $0x3;
	s19 =	sshrl.u32 s19, $0x3;
	s17 =	smax.u32 s17, $0x1  }
0x14: {  	s18 =	sadd.s32 $0x147CA00, s18;
	s22 =	simm.s32 $0x80;
	s12 =	sadd.s32 s16, s12  }
0x15: {  	s13 =	sadd.s32 s16, s13;
	s14 =	sadd.s32 s16, s15;
	s15 =	sadd.s32 s16, s20  }
0x16: {  	s16 =	sadd.s32 s16, s19;
	s19 =	sshrl.u32 s5, $0x3;
	s20 =	simm.s32 $0x1  }
.LBB2_1:
0x17: {  	[spmem:s19], [sflag:s6] =	dma.local [hbm:s4], $0x800  }
0x18: {  	_ =	swait.ge [sflag:s20], $0x800  }
0x19: {  	[sflag:s20] =	ssyncset.done $0x0  }
0x1a: {  	s24 =	sshrl.u32 s7, $0x3;
	[sflag:s20] =	ssyncadd.s32 $0xFFFFF800  }
0x1b: {  	[spmem:s24], [sflag:s6] =	dma.local [hbm:s4], $0x800  }
0x1c: {  	_ =	swait.ge [sflag:s20], $0x800  }
0x1d: {  	[sflag:s20] =	ssyncset.done $0x0  }
0x1e: {  	s28 =	sshrl.u32 s8, $0x3;
	[sflag:s20] =	ssyncadd.s32 $0xFFFFF800  }
0x1f: {  	[spmem:s28], [sflag:s6] =	dma.local [hbm:s4], $0x800  }
0x20: {  	_ =	swait.ge [sflag:s20], $0x800  }
0x21: {  	[sflag:s20] =	ssyncset.done $0x0  }
0x22: {  	s29 =	sshrl.u32 s9, $0x3;
	[sflag:s20] =	ssyncadd.s32 $0xFFFFF800  }
0x23: {  	[spmem:s29], [sflag:s6] =	dma.local [hbm:s4], $0x800  }
0x24: {  	_ =	swait.ge [sflag:s20], $0x800  }
0x25: {  	[sflag:s20] =	ssyncset.done $0x0  }
0x26: {  	s30 =	sshrl.u32 s10, $0x3;
	[sflag:s20] =	ssyncadd.s32 $0xFFFFF800  }
0x27: {  	[spmem:s30], [sflag:s6] =	dma.local [hbm:s4], $0x800  }
0x28: {  	_ =	swait.ge [sflag:s20], $0x800  }
0x29: {  	[sflag:s20] =	ssyncset.done $0x0  }
0x2a: {  	[sflag:s20] =	ssyncadd.s32 $0xFFFFF800  }
0x2b: {  	[bflag:$0x0] =	sbarrier.arrive $0xFFFF  }
0x2c: {  	[tilespmem:s3], [sflag:$0x1] =	stream.linear.gather [hbm4b:s11+s3], $0x2800, $0x38;
	[tilespmem:$0x1A800] =	vst v63  }
0x2d: {  	_ =	swait.ge [sflag:s20], $0x2800  }
0x2e: {  	[sflag:s20] =	ssyncset.done $0x0  }
0x2f: {  	[sflag:s20] =	ssyncadd.s32 $0xFFFFD800  }
0x30: {  	[tilespmem:s21], [sflag:$0x1] =	stream.linear.gather [hbm4b:s18+s3], $0x4000, $0x38;
	[tilespmem:$0x1A800] =	vst v63  }
0x31: {  	_ =	swait.ge [sflag:s20], $0x4000  }
0x32: {  	[sflag:s20] =	ssyncset.done $0x0  }
0x33: {  	s31 =	simm.s32 $0x0;
	[sflag:s20] =	ssyncadd.s32 $0xFFFFC000  }
0x34: {  	[spmem:s2] =	stream.indirect.scatter.add.f32 [tilespmem:s21], [sflag:$0x1], $0x80, s31, s22, $0xb8;
	[tilespmem:$0x1A800] =	vst v63  }
0x35: {  	_ =	swait.ge [sflag:s20], $0x4000  }
0x36: {  	s25 =	smov.u32 s18;
	s24 =	simm.s32 $0x200;
	[sflag:s20] =	ssyncset.done $0x0  }
.LBB2_2:
0x37: {  	p0 =	sne.s32 s24, $0x9E00;
	[sflag:s20] =	ssyncadd.s32 $0xFFFFC000;
	s25 =	sadd.s32 $0x800, s25  }
0x38: {  	[tilespmem:s21], [sflag:$0x1] =	stream.linear.gather [hbm4b:s25+s3], $0x4000, $0x38;
	[tilespmem:$0x1A800] =	vst v63  }
0x39: {  	s26 =	smov.u32 s24;
	s24 =	sadd.s32 $0x200, s24;
	_ =	swait.ge [sflag:s20], $0x4000  }
.Ltmp0:
0x3a: {  	[sflag:s20] =	ssyncset.done $0x0;
	(pc) =	sbr.rel @p0 .LBB2_2-.Ltmp0, $4  }
0x3b: {  	s26 =	sshra.s32 s26, $0x2;
	[sflag:s20] =	ssyncadd.s32 $0xFFFFC000  }
0x3c: {  	[spmem:s2] =	stream.indirect.scatter.add.f32 [tilespmem:s21], [sflag:$0x1], $0x80, s26, s22, $0xb8;
	[tilespmem:$0x1A800] =	vst v63  }
0x3d: {  	_ =	swait.ge [sflag:s20], $0x4000  }
0x3e: {  	[sflag:s20] =	ssyncset.done $0x0  }
0x3f: {  	[sflag:s20] =	ssyncadd.s32 $0xFFFFC000  }
0x40: {  	[bflag:$0x0] =	sbarrier.arrive $0xFFFF  }
0x41: {  	[tilespmem:s21], [sflag:$0x1] =	stream.linear.gather [spmem:s5], $0x4000, $0x38;
	[tilespmem:$0x1A800] =	vst v63  }
0x42: {  	_ =	swait.ge [sflag:s20], $0x4000  }
0x43: {  	[sflag:s20] =	ssyncset.done $0x0  }
0x44: {  	[sflag:s20] =	ssyncadd.s32 $0xFFFFC000  }
0x45: {  	[hbm4b:s12+s3] =	stream.linear.scatter [tilespmem:s21], [sflag:$0x1], $0x4000, $0x38;
	[tilespmem:$0x1A800] =	vst v63  }
0x46: {  	_ =	swait.ge [sflag:s20], $0x4000  }
0x47: {  	[sflag:s20] =	ssyncset.done $0x0  }
0x48: {  	[sflag:s20] =	ssyncadd.s32 $0xFFFFC000  }
0x49: {  	[tilespmem:s21], [sflag:$0x1] =	stream.linear.gather [spmem:s7], $0x4000, $0x38;
	[tilespmem:$0x1A800] =	vst v63  }
0x4a: {  	_ =	swait.ge [sflag:s20], $0x4000  }
0x4b: {  	[sflag:s20] =	ssyncset.done $0x0  }
0x4c: {  	[sflag:s20] =	ssyncadd.s32 $0xFFFFC000  }
0x4d: {  	[hbm4b:s13+s3] =	stream.linear.scatter [tilespmem:s21], [sflag:$0x1], $0x4000, $0x38;
	[tilespmem:$0x1A800] =	vst v63  }
0x4e: {  	_ =	swait.ge [sflag:s20], $0x4000  }
0x4f: {  	[sflag:s20] =	ssyncset.done $0x0  }
0x50: {  	[sflag:s20] =	ssyncadd.s32 $0xFFFFC000  }
0x51: {  	[tilespmem:s21], [sflag:$0x1] =	stream.linear.gather [spmem:s8], $0x4000, $0x38;
	[tilespmem:$0x1A800] =	vst v63  }
0x52: {  	_ =	swait.ge [sflag:s20], $0x4000  }
0x53: {  	[sflag:s20] =	ssyncset.done $0x0  }
0x54: {  	[sflag:s20] =	ssyncadd.s32 $0xFFFFC000  }
0x55: {  	[hbm4b:s14+s3] =	stream.linear.scatter [tilespmem:s21], [sflag:$0x1], $0x4000, $0x38;
	[tilespmem:$0x1A800] =	vst v63  }
0x56: {  	_ =	swait.ge [sflag:s20], $0x4000  }
0x57: {  	[sflag:s20] =	ssyncset.done $0x0  }
0x58: {  	[sflag:s20] =	ssyncadd.s32 $0xFFFFC000  }
0x59: {  	[tilespmem:s21], [sflag:$0x1] =	stream.linear.gather [spmem:s9], $0x4000, $0x38;
	[tilespmem:$0x1A800] =	vst v63  }
0x5a: {  	_ =	swait.ge [sflag:s20], $0x4000  }
0x5b: {  	[sflag:s20] =	ssyncset.done $0x0  }
0x5c: {  	[sflag:s20] =	ssyncadd.s32 $0xFFFFC000  }
0x5d: {  	[hbm4b:s15+s3] =	stream.linear.scatter [tilespmem:s21], [sflag:$0x1], $0x4000, $0x38;
	[tilespmem:$0x1A800] =	vst v63  }
0x5e: {  	_ =	swait.ge [sflag:s20], $0x4000  }
0x5f: {  	[sflag:s20] =	ssyncset.done $0x0  }
0x60: {  	[sflag:s20] =	ssyncadd.s32 $0xFFFFC000  }
0x61: {  	[tilespmem:s21], [sflag:$0x1] =	stream.linear.gather [spmem:s10], $0x4000, $0x38;
	[tilespmem:$0x1A800] =	vst v63  }
0x62: {  	s23 =	sadd.s32 $0x1, s23;
	_ =	swait.ge [sflag:s20], $0x4000  }
0x63: {  	p0 =	sne.s32 s23, s17;
	[sflag:s20] =	ssyncset.done $0x0  }
.Ltmp1:
0x64: {  	[sflag:s20] =	ssyncadd.s32 $0xFFFFC000;
	(pc) =	sbr.rel @p0 .LBB2_1-.Ltmp1, $4  }
0x65: {  	[hbm4b:s16+s3] =	stream.linear.scatter [tilespmem:s21], [sflag:$0x1], $0x4000, $0x38;
	[tilespmem:$0x1A800] =	vst v63  }
0x66: {  	_ =	swait.ge [sflag:s20], $0x4000  }
0x67: {  	[sflag:s20] =	ssyncset.done $0x0  }
0x68: {  	[sflag:s20] =	ssyncadd.s32 $0xFFFFC000  }
0x69: {  	_ =	sfence.sel $0x180000  }
0x6a: {  	[bflag:$0x0] =	sbarrier.arrive $0xFFFF  }
0x6b: {  	p0 =	sne.s32 s1, $0x0;
	_ =	strace $0x90000053  }
0x6c: {  	s0 =	sadd.s32 @!p0 $0x100000, s0;
	[bflag:$0x2] =	sbarrier.arrive $0xFFFF  }
0x6d: {  	[sflag:s0] =	ssyncadd.tile.s32 @!p0 $0x1;
	_ =	shalt  }
.Lfunc_end2:
_tile_overlayer_lowered:
.L_overlay_start_2:
0x6e: {  	(tag) =	ssettag $0x2  }
0x6f: {  	s0 =	rddreg [dreg:$0x0];
	s2 =	stileid.u32  }
0x70: {  	s1 =	rddreg [dreg:$0x1];
	p0 =	sne.s32 s2, $0x0  }
0x71: {  	s3 =	rddreg [dreg:$0x2];
	[bflag:$0x3] =	sbarrier.arrive $0xFFFF;
	s2 =	simm.s32 @!p0 $0x1C01  }
0x72: {  	[timem:s3], [sflag:s2] =	dma.local @!p0 [hbm:s0], s1  }
0x73: {  	s0 =	simm.s32 @!p0 $0x1  }
0x74: {  	_ =	swait.ge @!p0 [sflag:s0], s1  }
0x75: {  	s1 =	ssub.s32 @!p0 $0x0, s1;
	[sflag:s0] =	ssyncset.done @!p0 $0x0  }
0x76: {  	[sflag:s0] =	ssyncadd.s32 @!p0 s1  }
0x77: {  	[bflag:$0x3] =	sbarrier.arrive $0xFFFF  }
0x78: {  	_ =	shalt  }

</sc_bundles>
